<compile_context>
chip_gen: v7x
topology: tpu7x:2x2x1
jax: 0.10.2.dev20260603
libtpu: 0.0.44.dev20260713+nightly
codegen_flags: <defaults>
</compile_context>

<pallas_src>
import functools

import jax
import jax.numpy as jnp
from jax import lax
from jax.experimental import pallas as pl
from jax.experimental.pallas import tpu as pltpu
from jax.experimental.pallas import tpu_sc as plsc


def _make_gather(n_rows: int, seq: int, emb_dim: int):
    info = plsc.get_sparse_core_info()
    nw = info.num_cores * info.num_subcores
    lb_n = seq // 8
    bb_n = n_rows // 128
    n_tiles = lb_n * bb_n
    tiles_per_w = n_tiles // nw
    jobs_per_w = tiles_per_w * 8
    eb_n = emb_dim // 8

    mesh = plsc.VectorSubcoreMesh(core_axis_name="c", subcore_axis_name="s")

    @functools.partial(
        pl.kernel,
        mesh=mesh,
        out_type=jax.ShapeDtypeStruct((seq * eb_n * bb_n, 8 * 128), jnp.float32),
        scratch_types=[
            pltpu.VMEM((2, 8, 128), jnp.int32),
            pltpu.VMEM((128, emb_dim), jnp.float32),
            pltpu.VMEM((128, emb_dim), jnp.float32),
            pltpu.VMEM((128 * emb_dim,), jnp.float32),
            pltpu.VMEM((128 * emb_dim,), jnp.float32),
            pltpu.SemaphoreType.DMA,
            pltpu.SemaphoreType.DMA,
            pltpu.SemaphoreType.DMA,
        ],
        compiler_params=pltpu.CompilerParams(
            use_tc_tiling_on_sc=False,
            needs_layout_passes=False,
            disable_bounds_checks=True,
        ),
    )
    def gather(
        table_hbm, idx_hbm, out_hbm, idx_v, rows0, rows1, pan0, pan1, isem, gsem, osem
    ):
        rows = (rows0, rows1)
        pans = (pan0, pan1)
        wid = lax.axis_index("s") * info.num_cores + lax.axis_index("c")
        t0 = wid * tiles_per_w

        def idx_copy(rt):
            t = t0 + rt
            return pltpu.make_async_copy(
                idx_hbm.at[t // bb_n].at[t % bb_n], idx_v.at[rt % 2], isem
            )

        def gather_copy(rt, lin, s):
            return pltpu.make_async_copy(
                table_hbm.at[idx_v.at[rt % 2].at[lin]], rows[s], gsem
            )

        def out_copy(j, eblk, s):
            t = t0 + j // 8
            row = ((t // bb_n) * 8 + (j % 8)) * (eb_n * bb_n) + eblk * bb_n + (t % bb_n)
            return pltpu.make_async_copy(
                pans[s].at[pl.ds(eblk * 1024, 1024)], out_hbm.at[row], osem
            )

        iota16 = jnp.arange(16, dtype=jnp.int32)
        jiota = [iota16 + (jb * 16) for jb in range(8)]

        idx_copy(0).start()
        idx_copy(0).wait()
        if tiles_per_w > 1:
            idx_copy(1).start()
        gather_copy(0, 0, 0).start()

        def body(i, carry):
            for s in (0, 1):
                j = 2 * i + s
                gather_copy(0, 0, s).wait()

                @pl.when(j + 1 < jobs_per_w)
                def _():
                    rt1 = (j + 1) // 8
                    lin1 = (j + 1) % 8

                    @pl.when(lin1 == 0)
                    def _():
                        idx_copy(0).wait()

                        @pl.when(rt1 + 1 < tiles_per_w)
                        def _():
                            idx_copy(rt1 + 1).start()

                    gather_copy(rt1, lin1, 1 - s).start()

                @pl.when(j >= 2)
                def _():
                    for eblk in range(eb_n):
                        out_copy(0, eblk, s).wait()

                @plsc.parallel_loop(0, emb_dim, unroll=8)
                def _(e0):
                    colv = (iota16 + e0) & (emb_dim - 1)
                    colsh = colv << 7
                    for jb in range(8):
                        v = plsc.load_gather(rows[s], [jiota[jb], colv])
                        plsc.store_scatter(pans[s], [colsh + jiota[jb]], v)

                for eblk in range(eb_n):
                    out_copy(j, eblk, s).start()
            return carry

        lax.fori_loop(0, jobs_per_w // 2, body, 0)
        for s in (0, 1):
            for eblk in range(eb_n):
                out_copy(0, eblk, s).wait()

    return gather


def kernel(x, embedding_matrix):
    b, l = x.shape
    n_emb, emb_dim = embedding_matrix.shape
    xp = x.reshape(b // 128, 128, l // 8, 8).transpose(2, 0, 3, 1)
    out = _make_gather(b, l, emb_dim)(embedding_matrix, xp)
    out5 = out.reshape(l, emb_dim // 8, b // 128, 8, 128)
    return out5.transpose(2, 4, 0, 1, 3).reshape(b, l, emb_dim)

# --- scband reference (transcript-rebuilt; emitter-appended) ---
"""Pipeline reference for scband-word-embedding-41162966564977 (READ-ONLY COPY).

The authoritative reference and input builder live on the scoring server;
editing this copy changes nothing except your own understanding.
"""

import jax, jax.numpy as jnp
import numpy as np

NUM_EMB = 1000000
EMB_DIM = 32
B = 16384
L = 200

def setup_inputs(seed: int = 0) -> dict:
    key = jax.random.key(seed)
    k1, k2 = jax.random.split(key)
    x = jax.random.randint(k1, (B, L), 0, NUM_EMB, dtype=jnp.int64) if jax.config.jax_enable_x64 else jax.random.randint(k1, (B, L), 0, NUM_EMB, dtype=jnp.int32)
    embedding_matrix = jax.random.normal(k2, (NUM_EMB, EMB_DIM), dtype=jnp.float32)
    return {"x": x, "embedding_matrix": embedding_matrix}

def reference(x, embedding_matrix):
    # WordEmbedding.forward: self.embedding_matrix[x, :]
    return jnp.take(embedding_matrix, x, axis=0)

if __name__ == "__main__":
    import jax
    _d = setup_inputs()
    print(jax.jit(kernel)(*tuple(_d.values())))

</pallas_src>

<mosaic_0001>
#map = affine_map<(d0, d1) -> (0, 0)>
#map1 = affine_map<(d0, d1) -> (0, 0, 0, 0)>
module attributes {stable_mosaic.version = 14 : i64} {
  func.func @gather(%arg0: i32, %arg1: i32, %arg2: memref<1000000x32xf32, #tpu.memory_space<hbm>>, %arg3: memref<25x128x8x128xi32, #tpu.memory_space<hbm>>, %arg4: memref<102400x1024xf32, #tpu.memory_space<hbm>>, %arg5: memref<2x8x128xi32, #tpu.memory_space<vmem>>, %arg6: memref<128x32xf32, #tpu.memory_space<vmem>>, %arg7: memref<128x32xf32, #tpu.memory_space<vmem>>, %arg8: memref<4096xf32, #tpu.memory_space<vmem>>, %arg9: memref<4096xf32, #tpu.memory_space<vmem>>, %arg10: memref<!tpu.dma_semaphore, #tpu.memory_space<semaphore_mem>>, %arg11: memref<!tpu.dma_semaphore, #tpu.memory_space<semaphore_mem>>, %arg12: memref<!tpu.dma_semaphore, #tpu.memory_space<semaphore_mem>>) attributes {dimension_semantics = [#tpu.dimension_semantics<core_parallel>, #tpu.dimension_semantics<subcore_parallel>], iteration_bounds = array<i64: 2, 16>, scalar_prefetch = 0 : i64, scratch_operands = 8 : i64, tpu.core_type = #tpu.core_type<sc_vector_subcore>, window_params = [{transform_indices = #map}, {transform_indices = #map1}, {transform_indices = #map}]} {
    %mul3A = arith.constant 2 : i32
    %mul3A_0 = arith.muli %arg1, %mul3A : i32
    %add3A = arith.addi %mul3A_0, %arg0 : i32
    %mul3A_1 = arith.constant 100 : i32
    %mul3A_2 = arith.muli %add3A, %mul3A_1 : i32
    %iota3A = tpu.iota {dimensions = array<i32: 0>} : vector<16xi32>
    %add3A_3 = arith.constant 0 : i32
    %add3A_4 = vector.broadcast %add3A_3 : i32 to vector<16xi32>
    %add3A_5 = arith.addi %iota3A, %add3A_4 : vector<16xi32>
    %add3A_6 = arith.constant 16 : i32
    %add3A_7 = vector.broadcast %add3A_6 : i32 to vector<16xi32>
    %add3A_8 = arith.addi %iota3A, %add3A_7 : vector<16xi32>
    %add3A_9 = arith.constant 32 : i32
    %add3A_10 = vector.broadcast %add3A_9 : i32 to vector<16xi32>
    %add3A_11 = arith.addi %iota3A, %add3A_10 : vector<16xi32>
    %add3A_12 = arith.constant 48 : i32
    %add3A_13 = vector.broadcast %add3A_12 : i32 to vector<16xi32>
    %add3A_14 = arith.addi %iota3A, %add3A_13 : vector<16xi32>
    %add3A_15 = arith.constant 64 : i32
    %add3A_16 = vector.broadcast %add3A_15 : i32 to vector<16xi32>
    %add3A_17 = arith.addi %iota3A, %add3A_16 : vector<16xi32>
    %add3A_18 = arith.constant 80 : i32
    %add3A_19 = vector.broadcast %add3A_18 : i32 to vector<16xi32>
    %add3A_20 = arith.addi %iota3A, %add3A_19 : vector<16xi32>
    %add3A_21 = arith.constant 96 : i32
    %add3A_22 = vector.broadcast %add3A_21 : i32 to vector<16xi32>
    %add3A_23 = arith.addi %iota3A, %add3A_22 : vector<16xi32>
    %add3A_24 = arith.constant 112 : i32
    %add3A_25 = vector.broadcast %add3A_24 : i32 to vector<16xi32>
    %add3A_26 = arith.addi %iota3A, %add3A_25 : vector<16xi32>
    %add3A_27 = arith.constant 0 : i32
    %add3A_28 = arith.addi %mul3A_2, %add3A_27 : i32
    %jit3A = arith.constant 128 : i32
    %div3A = arith.divsi %add3A_28, %jit3A : i32
    %sign3A = arith.constant 0 : i32
    %sign3A_29 = arith.cmpi sgt, %add3A_28, %sign3A : i32
    %sign3A_30 = arith.extui %sign3A_29 : i1 to i32
    %sign3A_31 = arith.constant 0 : i32
    %sign3A_32 = arith.cmpi slt, %add3A_28, %sign3A_31 : i32
    %sign3A_33 = arith.extui %sign3A_32 : i1 to i32
    %sign3A_34 = arith.subi %sign3A_30, %sign3A_33 : i32
    %sign3A_35 = arith.constant 0 : i32
    %sign3A_36 = arith.cmpi sgt, %jit3A, %sign3A_35 : i32
    %sign3A_37 = arith.extui %sign3A_36 : i1 to i32
    %sign3A_38 = arith.constant 0 : i32
    %sign3A_39 = arith.cmpi slt, %jit3A, %sign3A_38 : i32
    %sign3A_40 = arith.extui %sign3A_39 : i1 to i32
    %sign3A_41 = arith.subi %sign3A_37, %sign3A_40 : i32
    %ne3A = arith.cmpi ne, %sign3A_34, %sign3A_41 : i32
    %rem3A = arith.remsi %add3A_28, %jit3A : i32
    %ne3A_42 = arith.constant 0 : i32
    %ne3A_43 = arith.cmpi ne, %rem3A, %ne3A_42 : i32
    %and3A = arith.andi %ne3A, %ne3A_43 : i1
    %sub3A = arith.constant 1 : i32
    %sub3A_44 = arith.subi %div3A, %sub3A : i32
    %select_n3A = arith.select %and3A, %sub3A_44, %div3A : i32
    %jit3A_45 = arith.constant 128 : i32
    %eq3A = arith.constant 0 : i32
    %eq3A_46 = arith.cmpi eq, %jit3A_45, %eq3A : i32
    %jit3A_47 = arith.constant 1 : i32
    %select_n3A_48 = arith.select %eq3A_46, %jit3A_47, %jit3A_45 : i32
    %rem3A_49 = arith.remsi %add3A_28, %select_n3A_48 : i32
    %ne3A_50 = arith.constant 0 : i32
    %ne3A_51 = arith.cmpi ne, %rem3A_49, %ne3A_50 : i32
    %lt3A = arith.constant 0 : i32
    %lt3A_52 = arith.cmpi slt, %rem3A_49, %lt3A : i32
    %lt3A_53 = arith.constant 0 : i32
    %lt3A_54 = arith.cmpi slt, %select_n3A_48, %lt3A_53 : i32
    %ne3A_55 = arith.xori %lt3A_52, %lt3A_54 : i1
    %and3A_56 = arith.andi %ne3A_55, %ne3A_51 : i1
    %add3A_57 = arith.addi %rem3A_49, %select_n3A_48 : i32
    %select_n3A_58 = arith.select %and3A_56, %add3A_57, %rem3A_49 : i32
    %dma_start3A = arith.constant 0 : i32
    %dma_start3A_59 = arith.constant 0 : i32
    %dma_start3A_60 = arith.constant 0 : i32
    %dma_start3A_61 = tpu.memref_slice %arg5[%dma_start3A, %dma_start3A_59, %dma_start3A_60] : memref<2x8x128xi32, #tpu.memory_space<vmem>> -> memref<1x8x128xi32, #tpu.memory_space<vmem>>
    %dma_start3A_62 = tpu.memref_squeeze %dma_start3A_61 : memref<1x8x128xi32, #tpu.memory_space<vmem>> -> memref<8x128xi32, #tpu.memory_space<vmem>>
    %dma_start3A_63 = arith.constant 0 : i32
    %dma_start3A_64 = arith.constant 0 : i32
    %dma_start3A_65 = arith.constant 0 : i32
    %dma_start3A_66 = tpu.memref_slice %arg3[%select_n3A, %dma_start3A_63, %dma_start3A_64, %dma_start3A_65] : memref<25x128x8x128xi32, #tpu.memory_space<hbm>> -> memref<1x128x8x128xi32, #tpu.memory_space<hbm>>
    %dma_start3A_67 = tpu.memref_squeeze %dma_start3A_66 : memref<1x128x8x128xi32, #tpu.memory_space<hbm>> -> memref<128x8x128xi32, #tpu.memory_space<hbm>>
    %dma_start3A_68 = arith.constant 0 : i32
    %dma_start3A_69 = arith.constant 0 : i32
    %dma_start3A_70 = tpu.memref_slice %dma_start3A_67[%select_n3A_58, %dma_start3A_68, %dma_start3A_69] : memref<128x8x128xi32, #tpu.memory_space<hbm>> -> memref<1x8x128xi32, #tpu.memory_space<hbm>>
    %dma_start3A_71 = tpu.memref_squeeze %dma_start3A_70 : memref<1x8x128xi32, #tpu.memory_space<hbm>> -> memref<8x128xi32, #tpu.memory_space<hbm>>
    %dma_start3A_72 = arith.constant 0 : i32
    %dma_start3A_73 = arith.constant 0 : i32
    %dma_start3A_74 = tpu.memref_slice %arg5[%dma_start3A, %dma_start3A_72, %dma_start3A_73] : memref<2x8x128xi32, #tpu.memory_space<vmem>> -> memref<1x8x128xi32, #tpu.memory_space<vmem>>
    %dma_start3A_75 = tpu.memref_squeeze %dma_start3A_74 : memref<1x8x128xi32, #tpu.memory_space<vmem>> -> memref<8x128xi32, #tpu.memory_space<vmem>>
    %dma_start3A_76 = arith.constant 0 : i32
    %dma_start3A_77 = arith.constant 0 : i32
    %dma_start3A_78 = arith.constant 0 : i32
    %dma_start3A_79 = tpu.memref_slice %arg3[%select_n3A, %dma_start3A_76, %dma_start3A_77, %dma_start3A_78] : memref<25x128x8x128xi32, #tpu.memory_space<hbm>> -> memref<1x128x8x128xi32, #tpu.memory_space<hbm>>
    %dma_start3A_80 = tpu.memref_squeeze %dma_start3A_79 : memref<1x128x8x128xi32, #tpu.memory_space<hbm>> -> memref<128x8x128xi32, #tpu.memory_space<hbm>>
    %dma_start3A_81 = arith.constant 0 : i32
    %dma_start3A_82 = arith.constant 0 : i32
    %dma_start3A_83 = tpu.memref_slice %dma_start3A_80[%select_n3A_58, %dma_start3A_81, %dma_start3A_82] : memref<128x8x128xi32, #tpu.memory_space<hbm>> -> memref<1x8x128xi32, #tpu.memory_space<hbm>>
    %dma_start3A_84 = tpu.memref_squeeze %dma_start3A_83 : memref<1x8x128xi32, #tpu.memory_space<hbm>> -> memref<8x128xi32, #tpu.memory_space<hbm>>
    tpu.enqueue_dma source(%dma_start3A_84 : memref<8x128xi32, #tpu.memory_space<hbm>>) target(%dma_start3A_75 : memref<8x128xi32, #tpu.memory_space<vmem>>) target_semaphore(%arg10 : memref<!tpu.dma_semaphore, #tpu.memory_space<semaphore_mem>>)
    %add3A_85 = arith.constant 0 : i32
    %add3A_86 = arith.addi %mul3A_2, %add3A_85 : i32
    %jit3A_87 = arith.constant 128 : i32
    %div3A_88 = arith.divsi %add3A_86, %jit3A_87 : i32
    %sign3A_89 = arith.constant 0 : i32
    %sign3A_90 = arith.cmpi sgt, %add3A_86, %sign3A_89 : i32
    %sign3A_91 = arith.extui %sign3A_90 : i1 to i32
    %sign3A_92 = arith.constant 0 : i32
    %sign3A_93 = arith.cmpi slt, %add3A_86, %sign3A_92 : i32
    %sign3A_94 = arith.extui %sign3A_93 : i1 to i32
    %sign3A_95 = arith.subi %sign3A_91, %sign3A_94 : i32
    %sign3A_96 = arith.constant 0 : i32
    %sign3A_97 = arith.cmpi sgt, %jit3A_87, %sign3A_96 : i32
    %sign3A_98 = arith.extui %sign3A_97 : i1 to i32
    %sign3A_99 = arith.constant 0 : i32
    %sign3A_100 = arith.cmpi slt, %jit3A_87, %sign3A_99 : i32
    %sign3A_101 = arith.extui %sign3A_100 : i1 to i32
    %sign3A_102 = arith.subi %sign3A_98, %sign3A_101 : i32
    %ne3A_103 = arith.cmpi ne, %sign3A_95, %sign3A_102 : i32
    %rem3A_104 = arith.remsi %add3A_86, %jit3A_87 : i32
    %ne3A_105 = arith.constant 0 : i32
    %ne3A_106 = arith.cmpi ne, %rem3A_104, %ne3A_105 : i32
    %and3A_107 = arith.andi %ne3A_103, %ne3A_106 : i1
    %sub3A_108 = arith.constant 1 : i32
    %sub3A_109 = arith.subi %div3A_88, %sub3A_108 : i32
    %select_n3A_110 = arith.select %and3A_107, %sub3A_109, %div3A_88 : i32
    %jit3A_111 = arith.constant 128 : i32
    %eq3A_112 = arith.constant 0 : i32
    %eq3A_113 = arith.cmpi eq, %jit3A_111, %eq3A_112 : i32
    %jit3A_114 = arith.constant 1 : i32
    %select_n3A_115 = arith.select %eq3A_113, %jit3A_114, %jit3A_111 : i32
    %rem3A_116 = arith.remsi %add3A_86, %select_n3A_115 : i32
    %ne3A_117 = arith.constant 0 : i32
    %ne3A_118 = arith.cmpi ne, %rem3A_116, %ne3A_117 : i32
    %lt3A_119 = arith.constant 0 : i32
    %lt3A_120 = arith.cmpi slt, %rem3A_116, %lt3A_119 : i32
    %lt3A_121 = arith.constant 0 : i32
    %lt3A_122 = arith.cmpi slt, %select_n3A_115, %lt3A_121 : i32
    %ne3A_123 = arith.xori %lt3A_120, %lt3A_122 : i1
    %and3A_124 = arith.andi %ne3A_123, %ne3A_118 : i1
    %add3A_125 = arith.addi %rem3A_116, %select_n3A_115 : i32
    %select_n3A_126 = arith.select %and3A_124, %add3A_125, %rem3A_116 : i32
    %dma_wait3A = arith.constant 0 : i32
    %dma_wait3A_127 = arith.constant 0 : i32
    %dma_wait3A_128 = arith.constant 0 : i32
    %dma_wait3A_129 = tpu.memref_slice %arg5[%dma_wait3A, %dma_wait3A_127, %dma_wait3A_128] : memref<2x8x128xi32, #tpu.memory_space<vmem>> -> memref<1x8x128xi32, #tpu.memory_space<vmem>>
    %dma_wait3A_130 = tpu.memref_squeeze %dma_wait3A_129 : memref<1x8x128xi32, #tpu.memory_space<vmem>> -> memref<8x128xi32, #tpu.memory_space<vmem>>
    %dma_wait3A_131 = arith.constant 0 : i32
    %dma_wait3A_132 = arith.constant 0 : i32
    %dma_wait3A_133 = arith.constant 0 : i32
    %dma_wait3A_134 = tpu.memref_slice %arg3[%select_n3A_110, %dma_wait3A_131, %dma_wait3A_132, %dma_wait3A_133] : memref<25x128x8x128xi32, #tpu.memory_space<hbm>> -> memref<1x128x8x128xi32, #tpu.memory_space<hbm>>
    %dma_wait3A_135 = tpu.memref_squeeze %dma_wait3A_134 : memref<1x128x8x128xi32, #tpu.memory_space<hbm>> -> memref<128x8x128xi32, #tpu.memory_space<hbm>>
    %dma_wait3A_136 = arith.constant 0 : i32
    %dma_wait3A_137 = arith.constant 0 : i32
    %dma_wait3A_138 = tpu.memref_slice %dma_wait3A_135[%select_n3A_126, %dma_wait3A_136, %dma_wait3A_137] : memref<128x8x128xi32, #tpu.memory_space<hbm>> -> memref<1x8x128xi32, #tpu.memory_space<hbm>>
    %dma_wait3A_139 = tpu.memref_squeeze %dma_wait3A_138 : memref<1x8x128xi32, #tpu.memory_space<hbm>> -> memref<8x128xi32, #tpu.memory_space<hbm>>
    %dma_wait3A_140 = arith.constant 0 : i32
    %dma_wait3A_141 = arith.constant 0 : i32
    %dma_wait3A_142 = tpu.memref_slice %arg5[%dma_wait3A, %dma_wait3A_140, %dma_wait3A_141] : memref<2x8x128xi32, #tpu.memory_space<vmem>> -> memref<1x8x128xi32, #tpu.memory_space<vmem>>
    %dma_wait3A_143 = tpu.memref_squeeze %dma_wait3A_142 : memref<1x8x128xi32, #tpu.memory_space<vmem>> -> memref<8x128xi32, #tpu.memory_space<vmem>>
    %dma_wait3A_144 = arith.constant 0 : i32
    %dma_wait3A_145 = arith.constant 0 : i32
    %dma_wait3A_146 = arith.constant 0 : i32
    %dma_wait3A_147 = tpu.memref_slice %arg3[%select_n3A_110, %dma_wait3A_144, %dma_wait3A_145, %dma_wait3A_146] : memref<25x128x8x128xi32, #tpu.memory_space<hbm>> -> memref<1x128x8x128xi32, #tpu.memory_space<hbm>>
    %dma_wait3A_148 = tpu.memref_squeeze %dma_wait3A_147 : memref<1x128x8x128xi32, #tpu.memory_space<hbm>> -> memref<128x8x128xi32, #tpu.memory_space<hbm>>
    %dma_wait3A_149 = arith.constant 0 : i32
    %dma_wait3A_150 = arith.constant 0 : i32
    %dma_wait3A_151 = tpu.memref_slice %dma_wait3A_148[%select_n3A_126, %dma_wait3A_149, %dma_wait3A_150] : memref<128x8x128xi32, #tpu.memory_space<hbm>> -> memref<1x8x128xi32, #tpu.memory_space<hbm>>
    %dma_wait3A_152 = tpu.memref_squeeze %dma_wait3A_151 : memref<1x8x128xi32, #tpu.memory_space<hbm>> -> memref<8x128xi32, #tpu.memory_space<hbm>>
    tpu.wait_dma2 semaphore(%arg10 : memref<!tpu.dma_semaphore, #tpu.memory_space<semaphore_mem>>) src(%dma_wait3A_152 : memref<8x128xi32, #tpu.memory_space<hbm>>) dst(%dma_wait3A_143 : memref<8x128xi32, #tpu.memory_space<vmem>>)
    %add3A_153 = arith.constant 1 : i32
    %add3A_154 = arith.addi %mul3A_2, %add3A_153 : i32
    %jit3A_155 = arith.constant 128 : i32
    %div3A_156 = arith.divsi %add3A_154, %jit3A_155 : i32
    %sign3A_157 = arith.constant 0 : i32
    %sign3A_158 = arith.cmpi sgt, %add3A_154, %sign3A_157 : i32
    %sign3A_159 = arith.extui %sign3A_158 : i1 to i32
    %sign3A_160 = arith.constant 0 : i32
    %sign3A_161 = arith.cmpi slt, %add3A_154, %sign3A_160 : i32
    %sign3A_162 = arith.extui %sign3A_161 : i1 to i32
    %sign3A_163 = arith.subi %sign3A_159, %sign3A_162 : i32
    %sign3A_164 = arith.constant 0 : i32
    %sign3A_165 = arith.cmpi sgt, %jit3A_155, %sign3A_164 : i32
    %sign3A_166 = arith.extui %sign3A_165 : i1 to i32
    %sign3A_167 = arith.constant 0 : i32
    %sign3A_168 = arith.cmpi slt, %jit3A_155, %sign3A_167 : i32
    %sign3A_169 = arith.extui %sign3A_168 : i1 to i32
    %sign3A_170 = arith.subi %sign3A_166, %sign3A_169 : i32
    %ne3A_171 = arith.cmpi ne, %sign3A_163, %sign3A_170 : i32
    %rem3A_172 = arith.remsi %add3A_154, %jit3A_155 : i32
    %ne3A_173 = arith.constant 0 : i32
    %ne3A_174 = arith.cmpi ne, %rem3A_172, %ne3A_173 : i32
    %and3A_175 = arith.andi %ne3A_171, %ne3A_174 : i1
    %sub3A_176 = arith.constant 1 : i32
    %sub3A_177 = arith.subi %div3A_156, %sub3A_176 : i32
    %select_n3A_178 = arith.select %and3A_175, %sub3A_177, %div3A_156 : i32
    %jit3A_179 = arith.constant 128 : i32
    %eq3A_180 = arith.constant 0 : i32
    %eq3A_181 = arith.cmpi eq, %jit3A_179, %eq3A_180 : i32
    %jit3A_182 = arith.constant 1 : i32
    %select_n3A_183 = arith.select %eq3A_181, %jit3A_182, %jit3A_179 : i32
    %rem3A_184 = arith.remsi %add3A_154, %select_n3A_183 : i32
    %ne3A_185 = arith.constant 0 : i32
    %ne3A_186 = arith.cmpi ne, %rem3A_184, %ne3A_185 : i32
    %lt3A_187 = arith.constant 0 : i32
    %lt3A_188 = arith.cmpi slt, %rem3A_184, %lt3A_187 : i32
    %lt3A_189 = arith.constant 0 : i32
    %lt3A_190 = arith.cmpi slt, %select_n3A_183, %lt3A_189 : i32
    %ne3A_191 = arith.xori %lt3A_188, %lt3A_190 : i1
    %and3A_192 = arith.andi %ne3A_191, %ne3A_186 : i1
    %add3A_193 = arith.addi %rem3A_184, %select_n3A_183 : i32
    %select_n3A_194 = arith.select %and3A_192, %add3A_193, %rem3A_184 : i32
    %dma_start3A_195 = arith.constant 1 : i32
    %dma_start3A_196 = arith.constant 0 : i32
    %dma_start3A_197 = arith.constant 0 : i32
    %dma_start3A_198 = tpu.memref_slice %arg5[%dma_start3A_195, %dma_start3A_196, %dma_start3A_197] : memref<2x8x128xi32, #tpu.memory_space<vmem>> -> memref<1x8x128xi32, #tpu.memory_space<vmem>>
    %dma_start3A_199 = tpu.memref_squeeze %dma_start3A_198 : memref<1x8x128xi32, #tpu.memory_space<vmem>> -> memref<8x128xi32, #tpu.memory_space<vmem>>
    %dma_start3A_200 = arith.constant 0 : i32
    %dma_start3A_201 = arith.constant 0 : i32
    %dma_start3A_202 = arith.constant 0 : i32
    %dma_start3A_203 = tpu.memref_slice %arg3[%select_n3A_178, %dma_start3A_200, %dma_start3A_201, %dma_start3A_202] : memref<25x128x8x128xi32, #tpu.memory_space<hbm>> -> memref<1x128x8x128xi32, #tpu.memory_space<hbm>>
    %dma_start3A_204 = tpu.memref_squeeze %dma_start3A_203 : memref<1x128x8x128xi32, #tpu.memory_space<hbm>> -> memref<128x8x128xi32, #tpu.memory_space<hbm>>
    %dma_start3A_205 = arith.constant 0 : i32
    %dma_start3A_206 = arith.constant 0 : i32
    %dma_start3A_207 = tpu.memref_slice %dma_start3A_204[%select_n3A_194, %dma_start3A_205, %dma_start3A_206] : memref<128x8x128xi32, #tpu.memory_space<hbm>> -> memref<1x8x128xi32, #tpu.memory_space<hbm>>
    %dma_start3A_208 = tpu.memref_squeeze %dma_start3A_207 : memref<1x8x128xi32, #tpu.memory_space<hbm>> -> memref<8x128xi32, #tpu.memory_space<hbm>>
    %dma_start3A_209 = arith.constant 0 : i32
    %dma_start3A_210 = arith.constant 0 : i32
    %dma_start3A_211 = tpu.memref_slice %arg5[%dma_start3A_195, %dma_start3A_209, %dma_start3A_210] : memref<2x8x128xi32, #tpu.memory_space<vmem>> -> memref<1x8x128xi32, #tpu.memory_space<vmem>>
    %dma_start3A_212 = tpu.memref_squeeze %dma_start3A_211 : memref<1x8x128xi32, #tpu.memory_space<vmem>> -> memref<8x128xi32, #tpu.memory_space<vmem>>
    %dma_start3A_213 = arith.constant 0 : i32
    %dma_start3A_214 = arith.constant 0 : i32
    %dma_start3A_215 = arith.constant 0 : i32
    %dma_start3A_216 = tpu.memref_slice %arg3[%select_n3A_178, %dma_start3A_213, %dma_start3A_214, %dma_start3A_215] : memref<25x128x8x128xi32, #tpu.memory_space<hbm>> -> memref<1x128x8x128xi32, #tpu.memory_space<hbm>>
    %dma_start3A_217 = tpu.memref_squeeze %dma_start3A_216 : memref<1x128x8x128xi32, #tpu.memory_space<hbm>> -> memref<128x8x128xi32, #tpu.memory_space<hbm>>
    %dma_start3A_218 = arith.constant 0 : i32
    %dma_start3A_219 = arith.constant 0 : i32
    %dma_start3A_220 = tpu.memref_slice %dma_start3A_217[%select_n3A_194, %dma_start3A_218, %dma_start3A_219] : memref<128x8x128xi32, #tpu.memory_space<hbm>> -> memref<1x8x128xi32, #tpu.memory_space<hbm>>
    %dma_start3A_221 = tpu.memref_squeeze %dma_start3A_220 : memref<1x8x128xi32, #tpu.memory_space<hbm>> -> memref<8x128xi32, #tpu.memory_space<hbm>>
    tpu.enqueue_dma source(%dma_start3A_221 : memref<8x128xi32, #tpu.memory_space<hbm>>) target(%dma_start3A_212 : memref<8x128xi32, #tpu.memory_space<vmem>>) target_semaphore(%arg10 : memref<!tpu.dma_semaphore, #tpu.memory_space<semaphore_mem>>)
    %dma_start3A_222 = arith.constant 0 : i32
    %dma_start3A_223 = arith.constant 0 : i32
    %dma_start3A_224 = arith.constant 0 : i32
    %dma_start3A_225 = arith.constant 0 : i32
    %dma_start3A_226 = tpu.memref_slice %arg5[%dma_start3A_222, %dma_start3A_224, %dma_start3A_225] : memref<2x8x128xi32, #tpu.memory_space<vmem>> -> memref<1x8x128xi32, #tpu.memory_space<vmem>>
    %dma_start3A_227 = tpu.memref_squeeze %dma_start3A_226 : memref<1x8x128xi32, #tpu.memory_space<vmem>> -> memref<8x128xi32, #tpu.memory_space<vmem>>
    %dma_start3A_228 = arith.constant 0 : i32
    %dma_start3A_229 = tpu.memref_slice %dma_start3A_227[%dma_start3A_223, %dma_start3A_228] : memref<8x128xi32, #tpu.memory_space<vmem>> -> memref<1x128xi32, #tpu.memory_space<vmem>>
    %dma_start3A_230 = tpu.memref_squeeze %dma_start3A_229 : memref<1x128xi32, #tpu.memory_space<vmem>> -> memref<128xi32, #tpu.memory_space<vmem>>
    %dma_start3A_231 = arith.constant 0 : i32
    %dma_start3A_232 = arith.constant 0 : i32
    %dma_start3A_233 = tpu.memref_slice %arg2[%dma_start3A_231, %dma_start3A_232] : memref<1000000x32xf32, #tpu.memory_space<hbm>> -> memref<1000000x32xf32, #tpu.memory_space<hbm>>
    tpu.enqueue_indirect_dma source(%dma_start3A_233 : memref<1000000x32xf32, #tpu.memory_space<hbm>>) target(%arg6 : memref<128x32xf32, #tpu.memory_space<vmem>>) offsets(%dma_start3A_230 : memref<128xi32, #tpu.memory_space<vmem>>) semaphore(%arg11 : memref<!tpu.dma_semaphore, #tpu.memory_space<semaphore_mem>>)
    %scan3A = arith.constant 0 : i32
    %scan3A_234 = arith.constant 0 : i32
    %scan3A_235 = arith.constant 400 : i32
    %scan3A_236 = arith.addi %scan3A_234, %scan3A_235 : i32
    %scan3A_237 = arith.constant 1 : i32
    scf.for %scan3A_727 = %scan3A_234 to %scan3A_236 step %scan3A_237  : i32 {
      %mul3A_728 = arith.constant 2 : i32
      %mul3A_729 = arith.muli %mul3A_728, %scan3A_727 : i32
      %add3A_730 = arith.constant 0 : i32
      %add3A_731 = arith.addi %mul3A_729, %add3A_730 : i32
      %dma_wait3A_732 = arith.constant 0 : i32
      %dma_wait3A_733 = arith.constant 0 : i32
      %dma_wait3A_734 = arith.constant 0 : i32
      %dma_wait3A_735 = arith.constant 0 : i32
      %dma_wait3A_736 = tpu.memref_slice %arg5[%dma_wait3A_732, %dma_wait3A_734, %dma_wait3A_735] : memref<2x8x128xi32, #tpu.memory_space<vmem>> -> memref<1x8x128xi32, #tpu.memory_space<vmem>>
      %dma_wait3A_737 = tpu.memref_squeeze %dma_wait3A_736 : memref<1x8x128xi32, #tpu.memory_space<vmem>> -> memref<8x128xi32, #tpu.memory_space<vmem>>
      %dma_wait3A_738 = arith.constant 0 : i32
      %dma_wait3A_739 = tpu.memref_slice %dma_wait3A_737[%dma_wait3A_733, %dma_wait3A_738] : memref<8x128xi32, #tpu.memory_space<vmem>> -> memref<1x128xi32, #tpu.memory_space<vmem>>
      %dma_wait3A_740 = tpu.memref_squeeze %dma_wait3A_739 : memref<1x128xi32, #tpu.memory_space<vmem>> -> memref<128xi32, #tpu.memory_space<vmem>>
      %dma_wait3A_741 = arith.constant 0 : i32
      %dma_wait3A_742 = arith.constant 0 : i32
      %dma_wait3A_743 = tpu.memref_slice %arg2[%dma_wait3A_741, %dma_wait3A_742] : memref<1000000x32xf32, #tpu.memory_space<hbm>> -> memref<1000000x32xf32, #tpu.memory_space<hbm>>
      tpu.wait_indirect_dma semaphore(%arg11 : memref<!tpu.dma_semaphore, #tpu.memory_space<semaphore_mem>>) src(%dma_wait3A_743 : memref<1000000x32xf32, #tpu.memory_space<hbm>>) dst(%arg6 : memref<128x32xf32, #tpu.memory_space<vmem>>)
      %add3A_744 = arith.constant 1 : i32
      %add3A_745 = arith.addi %add3A_731, %add3A_744 : i32
      %lt3A_746 = arith.constant 800 : i32
      %lt3A_747 = arith.cmpi slt, %add3A_745, %lt3A_746 : i32
      %convert_element_type3A = arith.extui %lt3A_747 : i1 to i32
      %cond3A = arith.constant 0 : i32
      %cond3A_748 = arith.cmpi ne, %convert_element_type3A, %cond3A : i32
      scf.if %cond3A_748 {
        %add3A_1578 = arith.constant 1 : i32
        %add3A_1579 = arith.addi %add3A_731, %add3A_1578 : i32
        %jit3A_1580 = arith.constant 8 : i32
        %div3A_1581 = arith.divsi %add3A_1579, %jit3A_1580 : i32
        %sign3A_1582 = arith.constant 0 : i32
        %sign3A_1583 = arith.cmpi sgt, %add3A_1579, %sign3A_1582 : i32
        %sign3A_1584 = arith.extui %sign3A_1583 : i1 to i32
        %sign3A_1585 = arith.constant 0 : i32
        %sign3A_1586 = arith.cmpi slt, %add3A_1579, %sign3A_1585 : i32
        %sign3A_1587 = arith.extui %sign3A_1586 : i1 to i32
        %sign3A_1588 = arith.subi %sign3A_1584, %sign3A_1587 : i32
        %sign3A_1589 = arith.constant 0 : i32
        %sign3A_1590 = arith.cmpi sgt, %jit3A_1580, %sign3A_1589 : i32
        %sign3A_1591 = arith.extui %sign3A_1590 : i1 to i32
        %sign3A_1592 = arith.constant 0 : i32
        %sign3A_1593 = arith.cmpi slt, %jit3A_1580, %sign3A_1592 : i32
        %sign3A_1594 = arith.extui %sign3A_1593 : i1 to i32
        %sign3A_1595 = arith.subi %sign3A_1591, %sign3A_1594 : i32
        %ne3A_1596 = arith.cmpi ne, %sign3A_1588, %sign3A_1595 : i32
        %rem3A_1597 = arith.remsi %add3A_1579, %jit3A_1580 : i32
        %ne3A_1598 = arith.constant 0 : i32
        %ne3A_1599 = arith.cmpi ne, %rem3A_1597, %ne3A_1598 : i32
        %and3A_1600 = arith.andi %ne3A_1596, %ne3A_1599 : i1
        %sub3A_1601 = arith.constant 1 : i32
        %sub3A_1602 = arith.subi %div3A_1581, %sub3A_1601 : i32
        %select_n3A_1603 = arith.select %and3A_1600, %sub3A_1602, %div3A_1581 : i32
        %add3A_1604 = arith.constant 1 : i32
        %add3A_1605 = arith.addi %add3A_731, %add3A_1604 : i32
        %jit3A_1606 = arith.constant 8 : i32
        %eq3A_1607 = arith.constant 0 : i32
        %eq3A_1608 = arith.cmpi eq, %jit3A_1606, %eq3A_1607 : i32
        %jit3A_1609 = arith.constant 1 : i32
        %select_n3A_1610 = arith.select %eq3A_1608, %jit3A_1609, %jit3A_1606 : i32
        %rem3A_1611 = arith.remsi %add3A_1605, %select_n3A_1610 : i32
        %ne3A_1612 = arith.constant 0 : i32
        %ne3A_1613 = arith.cmpi ne, %rem3A_1611, %ne3A_1612 : i32
        %lt3A_1614 = arith.constant 0 : i32
        %lt3A_1615 = arith.cmpi slt, %rem3A_1611, %lt3A_1614 : i32
        %lt3A_1616 = arith.constant 0 : i32
        %lt3A_1617 = arith.cmpi slt, %select_n3A_1610, %lt3A_1616 : i32
        %ne3A_1618 = arith.xori %lt3A_1615, %lt3A_1617 : i1
        %and3A_1619 = arith.andi %ne3A_1618, %ne3A_1613 : i1
        %add3A_1620 = arith.addi %rem3A_1611, %select_n3A_1610 : i32
        %select_n3A_1621 = arith.select %and3A_1619, %add3A_1620, %rem3A_1611 : i32
        %eq3A_1622 = arith.constant 0 : i32
        %eq3A_1623 = arith.cmpi eq, %select_n3A_1621, %eq3A_1622 : i32
        %convert_element_type3A_1624 = arith.extui %eq3A_1623 : i1 to i32
        %cond3A_1625 = arith.constant 0 : i32
        %cond3A_1626 = arith.cmpi ne, %convert_element_type3A_1624, %cond3A_1625 : i32
        scf.if %cond3A_1626 {
          %add3A_1653 = arith.constant 0 : i32
          %add3A_1654 = arith.addi %mul3A_2, %add3A_1653 : i32
          %jit3A_1655 = arith.constant 128 : i32
          %div3A_1656 = arith.divsi %add3A_1654, %jit3A_1655 : i32
          %sign3A_1657 = arith.constant 0 : i32
          %sign3A_1658 = arith.cmpi sgt, %add3A_1654, %sign3A_1657 : i32
          %sign3A_1659 = arith.extui %sign3A_1658 : i1 to i32
          %sign3A_1660 = arith.constant 0 : i32
          %sign3A_1661 = arith.cmpi slt, %add3A_1654, %sign3A_1660 : i32
          %sign3A_1662 = arith.extui %sign3A_1661 : i1 to i32
          %sign3A_1663 = arith.subi %sign3A_1659, %sign3A_1662 : i32
          %sign3A_1664 = arith.constant 0 : i32
          %sign3A_1665 = arith.cmpi sgt, %jit3A_1655, %sign3A_1664 : i32
          %sign3A_1666 = arith.extui %sign3A_1665 : i1 to i32
          %sign3A_1667 = arith.constant 0 : i32
          %sign3A_1668 = arith.cmpi slt, %jit3A_1655, %sign3A_1667 : i32
          %sign3A_1669 = arith.extui %sign3A_1668 : i1 to i32
          %sign3A_1670 = arith.subi %sign3A_1666, %sign3A_1669 : i32
          %ne3A_1671 = arith.cmpi ne, %sign3A_1663, %sign3A_1670 : i32
          %rem3A_1672 = arith.remsi %add3A_1654, %jit3A_1655 : i32
          %ne3A_1673 = arith.constant 0 : i32
          %ne3A_1674 = arith.cmpi ne, %rem3A_1672, %ne3A_1673 : i32
          %and3A_1675 = arith.andi %ne3A_1671, %ne3A_1674 : i1
          %sub3A_1676 = arith.constant 1 : i32
          %sub3A_1677 = arith.subi %div3A_1656, %sub3A_1676 : i32
          %select_n3A_1678 = arith.select %and3A_1675, %sub3A_1677, %div3A_1656 : i32
          %jit3A_1679 = arith.constant 128 : i32
          %eq3A_1680 = arith.constant 0 : i32
          %eq3A_1681 = arith.cmpi eq, %jit3A_1679, %eq3A_1680 : i32
          %jit3A_1682 = arith.constant 1 : i32
          %select_n3A_1683 = arith.select %eq3A_1681, %jit3A_1682, %jit3A_1679 : i32
          %rem3A_1684 = arith.remsi %add3A_1654, %select_n3A_1683 : i32
          %ne3A_1685 = arith.constant 0 : i32
          %ne3A_1686 = arith.cmpi ne, %rem3A_1684, %ne3A_1685 : i32
          %lt3A_1687 = arith.constant 0 : i32
          %lt3A_1688 = arith.cmpi slt, %rem3A_1684, %lt3A_1687 : i32
          %lt3A_1689 = arith.constant 0 : i32
          %lt3A_1690 = arith.cmpi slt, %select_n3A_1683, %lt3A_1689 : i32
          %ne3A_1691 = arith.xori %lt3A_1688, %lt3A_1690 : i1
          %and3A_1692 = arith.andi %ne3A_1691, %ne3A_1686 : i1
          %add3A_1693 = arith.addi %rem3A_1684, %select_n3A_1683 : i32
          %select_n3A_1694 = arith.select %and3A_1692, %add3A_1693, %rem3A_1684 : i32
          %dma_wait3A_1695 = arith.constant 0 : i32
          %dma_wait3A_1696 = arith.constant 0 : i32
          %dma_wait3A_1697 = arith.constant 0 : i32
          %dma_wait3A_1698 = tpu.memref_slice %arg5[%dma_wait3A_1695, %dma_wait3A_1696, %dma_wait3A_1697] : memref<2x8x128xi32, #tpu.memory_space<vmem>> -> memref<1x8x128xi32, #tpu.memory_space<vmem>>
          %dma_wait3A_1699 = tpu.memref_squeeze %dma_wait3A_1698 : memref<1x8x128xi32, #tpu.memory_space<vmem>> -> memref<8x128xi32, #tpu.memory_space<vmem>>
          %dma_wait3A_1700 = arith.constant 0 : i32
          %dma_wait3A_1701 = arith.constant 0 : i32
          %dma_wait3A_1702 = arith.constant 0 : i32
          %dma_wait3A_1703 = tpu.memref_slice %arg3[%select_n3A_1678, %dma_wait3A_1700, %dma_wait3A_1701, %dma_wait3A_1702] : memref<25x128x8x128xi32, #tpu.memory_space<hbm>> -> memref<1x128x8x128xi32, #tpu.memory_space<hbm>>
          %dma_wait3A_1704 = tpu.memref_squeeze %dma_wait3A_1703 : memref<1x128x8x128xi32, #tpu.memory_space<hbm>> -> memref<128x8x128xi32, #tpu.memory_space<hbm>>
          %dma_wait3A_1705 = arith.constant 0 : i32
          %dma_wait3A_1706 = arith.constant 0 : i32
          %dma_wait3A_1707 = tpu.memref_slice %dma_wait3A_1704[%select_n3A_1694, %dma_wait3A_1705, %dma_wait3A_1706] : memref<128x8x128xi32, #tpu.memory_space<hbm>> -> memref<1x8x128xi32, #tpu.memory_space<hbm>>
          %dma_wait3A_1708 = tpu.memref_squeeze %dma_wait3A_1707 : memref<1x8x128xi32, #tpu.memory_space<hbm>> -> memref<8x128xi32, #tpu.memory_space<hbm>>
          %dma_wait3A_1709 = arith.constant 0 : i32
          %dma_wait3A_1710 = arith.constant 0 : i32
          %dma_wait3A_1711 = tpu.memref_slice %arg5[%dma_wait3A_1695, %dma_wait3A_1709, %dma_wait3A_1710] : memref<2x8x128xi32, #tpu.memory_space<vmem>> -> memref<1x8x128xi32, #tpu.memory_space<vmem>>
          %dma_wait3A_1712 = tpu.memref_squeeze %dma_wait3A_1711 : memref<1x8x128xi32, #tpu.memory_space<vmem>> -> memref<8x128xi32, #tpu.memory_space<vmem>>
          %dma_wait3A_1713 = arith.constant 0 : i32
          %dma_wait3A_1714 = arith.constant 0 : i32
          %dma_wait3A_1715 = arith.constant 0 : i32
          %dma_wait3A_1716 = tpu.memref_slice %arg3[%select_n3A_1678, %dma_wait3A_1713, %dma_wait3A_1714, %dma_wait3A_1715] : memref<25x128x8x128xi32, #tpu.memory_space<hbm>> -> memref<1x128x8x128xi32, #tpu.memory_space<hbm>>
          %dma_wait3A_1717 = tpu.memref_squeeze %dma_wait3A_1716 : memref<1x128x8x128xi32, #tpu.memory_space<hbm>> -> memref<128x8x128xi32, #tpu.memory_space<hbm>>
          %dma_wait3A_1718 = arith.constant 0 : i32
          %dma_wait3A_1719 = arith.constant 0 : i32
          %dma_wait3A_1720 = tpu.memref_slice %dma_wait3A_1717[%select_n3A_1694, %dma_wait3A_1718, %dma_wait3A_1719] : memref<128x8x128xi32, #tpu.memory_space<hbm>> -> memref<1x8x128xi32, #tpu.memory_space<hbm>>
          %dma_wait3A_1721 = tpu.memref_squeeze %dma_wait3A_1720 : memref<1x8x128xi32, #tpu.memory_space<hbm>> -> memref<8x128xi32, #tpu.memory_space<hbm>>
          tpu.wait_dma2 semaphore(%arg10 : memref<!tpu.dma_semaphore, #tpu.memory_space<semaphore_mem>>) src(%dma_wait3A_1721 : memref<8x128xi32, #tpu.memory_space<hbm>>) dst(%dma_wait3A_1712 : memref<8x128xi32, #tpu.memory_space<vmem>>)
          %add3A_1722 = arith.constant 1 : i32
          %add3A_1723 = arith.addi %select_n3A_1603, %add3A_1722 : i32
          %lt3A_1724 = arith.constant 100 : i32
          %lt3A_1725 = arith.cmpi slt, %add3A_1723, %lt3A_1724 : i32
          %convert_element_type3A_1726 = arith.extui %lt3A_1725 : i1 to i32
          %cond3A_1727 = arith.constant 0 : i32
          %cond3A_1728 = arith.cmpi ne, %convert_element_type3A_1726, %cond3A_1727 : i32
          scf.if %cond3A_1728 {
            %add3A_1729 = arith.constant 1 : i32
            %add3A_1730 = arith.addi %select_n3A_1603, %add3A_1729 : i32
            %add3A_1731 = arith.addi %mul3A_2, %add3A_1730 : i32
            %jit3A_1732 = arith.constant 128 : i32
            %div3A_1733 = arith.divsi %add3A_1731, %jit3A_1732 : i32
            %sign3A_1734 = arith.constant 0 : i32
            %sign3A_1735 = arith.cmpi sgt, %add3A_1731, %sign3A_1734 : i32
            %sign3A_1736 = arith.extui %sign3A_1735 : i1 to i32
            %sign3A_1737 = arith.constant 0 : i32
            %sign3A_1738 = arith.cmpi slt, %add3A_1731, %sign3A_1737 : i32
            %sign3A_1739 = arith.extui %sign3A_1738 : i1 to i32
            %sign3A_1740 = arith.subi %sign3A_1736, %sign3A_1739 : i32
            %sign3A_1741 = arith.constant 0 : i32
            %sign3A_1742 = arith.cmpi sgt, %jit3A_1732, %sign3A_1741 : i32
            %sign3A_1743 = arith.extui %sign3A_1742 : i1 to i32
            %sign3A_1744 = arith.constant 0 : i32
            %sign3A_1745 = arith.cmpi slt, %jit3A_1732, %sign3A_1744 : i32
            %sign3A_1746 = arith.extui %sign3A_1745 : i1 to i32
            %sign3A_1747 = arith.subi %sign3A_1743, %sign3A_1746 : i32
            %ne3A_1748 = arith.cmpi ne, %sign3A_1740, %sign3A_1747 : i32
            %rem3A_1749 = arith.remsi %add3A_1731, %jit3A_1732 : i32
            %ne3A_1750 = arith.constant 0 : i32
            %ne3A_1751 = arith.cmpi ne, %rem3A_1749, %ne3A_1750 : i32
            %and3A_1752 = arith.andi %ne3A_1748, %ne3A_1751 : i1
            %sub3A_1753 = arith.constant 1 : i32
            %sub3A_1754 = arith.subi %div3A_1733, %sub3A_1753 : i32
            %select_n3A_1755 = arith.select %and3A_1752, %sub3A_1754, %div3A_1733 : i32
            %jit3A_1756 = arith.constant 128 : i32
            %eq3A_1757 = arith.constant 0 : i32
            %eq3A_1758 = arith.cmpi eq, %jit3A_1756, %eq3A_1757 : i32
            %jit3A_1759 = arith.constant 1 : i32
            %select_n3A_1760 = arith.select %eq3A_1758, %jit3A_1759, %jit3A_1756 : i32
            %rem3A_1761 = arith.remsi %add3A_1731, %select_n3A_1760 : i32
            %ne3A_1762 = arith.constant 0 : i32
            %ne3A_1763 = arith.cmpi ne, %rem3A_1761, %ne3A_1762 : i32
            %lt3A_1764 = arith.constant 0 : i32
            %lt3A_1765 = arith.cmpi slt, %rem3A_1761, %lt3A_1764 : i32
            %lt3A_1766 = arith.constant 0 : i32
            %lt3A_1767 = arith.cmpi slt, %select_n3A_1760, %lt3A_1766 : i32
            %ne3A_1768 = arith.xori %lt3A_1765, %lt3A_1767 : i1
            %and3A_1769 = arith.andi %ne3A_1768, %ne3A_1763 : i1
            %add3A_1770 = arith.addi %rem3A_1761, %select_n3A_1760 : i32
            %select_n3A_1771 = arith.select %and3A_1769, %add3A_1770, %rem3A_1761 : i32
            %jit3A_1772 = arith.constant 2 : i32
            %eq3A_1773 = arith.constant 0 : i32
            %eq3A_1774 = arith.cmpi eq, %jit3A_1772, %eq3A_1773 : i32
            %jit3A_1775 = arith.constant 1 : i32
            %select_n3A_1776 = arith.select %eq3A_1774, %jit3A_1775, %jit3A_1772 : i32
            %rem3A_1777 = arith.remsi %add3A_1730, %select_n3A_1776 : i32
            %ne3A_1778 = arith.constant 0 : i32
            %ne3A_1779 = arith.cmpi ne, %rem3A_1777, %ne3A_1778 : i32
            %lt3A_1780 = arith.constant 0 : i32
            %lt3A_1781 = arith.cmpi slt, %rem3A_1777, %lt3A_1780 : i32
            %lt3A_1782 = arith.constant 0 : i32
            %lt3A_1783 = arith.cmpi slt, %select_n3A_1776, %lt3A_1782 : i32
            %ne3A_1784 = arith.xori %lt3A_1781, %lt3A_1783 : i1
            %and3A_1785 = arith.andi %ne3A_1784, %ne3A_1779 : i1
            %add3A_1786 = arith.addi %rem3A_1777, %select_n3A_1776 : i32
            %select_n3A_1787 = arith.select %and3A_1785, %add3A_1786, %rem3A_1777 : i32
            %dma_start3A_1788 = arith.constant 0 : i32
            %dma_start3A_1789 = arith.constant 0 : i32
            %dma_start3A_1790 = tpu.memref_slice %arg5[%select_n3A_1787, %dma_start3A_1788, %dma_start3A_1789] : memref<2x8x128xi32, #tpu.memory_space<vmem>> -> memref<1x8x128xi32, #tpu.memory_space<vmem>>
            %dma_start3A_1791 = tpu.memref_squeeze %dma_start3A_1790 : memref<1x8x128xi32, #tpu.memory_space<vmem>> -> memref<8x128xi32, #tpu.memory_space<vmem>>
            %dma_start3A_1792 = arith.constant 0 : i32
            %dma_start3A_1793 = arith.constant 0 : i32
            %dma_start3A_1794 = arith.constant 0 : i32
            %dma_start3A_1795 = tpu.memref_slice %arg3[%select_n3A_1755, %dma_start3A_1792, %dma_start3A_1793, %dma_start3A_1794] : memref<25x128x8x128xi32, #tpu.memory_space<hbm>> -> memref<1x128x8x128xi32, #tpu.memory_space<hbm>>
            %dma_start3A_1796 = tpu.memref_squeeze %dma_start3A_1795 : memref<1x128x8x128xi32, #tpu.memory_space<hbm>> -> memref<128x8x128xi32, #tpu.memory_space<hbm>>
            %dma_start3A_1797 = arith.constant 0 : i32
            %dma_start3A_1798 = arith.constant 0 : i32
            %dma_start3A_1799 = tpu.memref_slice %dma_start3A_1796[%select_n3A_1771, %dma_start3A_1797, %dma_start3A_1798] : memref<128x8x128xi32, #tpu.memory_space<hbm>> -> memref<1x8x128xi32, #tpu.memory_space<hbm>>
            %dma_start3A_1800 = tpu.memref_squeeze %dma_start3A_1799 : memref<1x8x128xi32, #tpu.memory_space<hbm>> -> memref<8x128xi32, #tpu.memory_space<hbm>>
            %dma_start3A_1801 = arith.constant 0 : i32
            %dma_start3A_1802 = arith.constant 0 : i32
            %dma_start3A_1803 = tpu.memref_slice %arg5[%select_n3A_1787, %dma_start3A_1801, %dma_start3A_1802] : memref<2x8x128xi32, #tpu.memory_space<vmem>> -> memref<1x8x128xi32, #tpu.memory_space<vmem>>
            %dma_start3A_1804 = tpu.memref_squeeze %dma_start3A_1803 : memref<1x8x128xi32, #tpu.memory_space<vmem>> -> memref<8x128xi32, #tpu.memory_space<vmem>>
            %dma_start3A_1805 = arith.constant 0 : i32
            %dma_start3A_1806 = arith.constant 0 : i32
            %dma_start3A_1807 = arith.constant 0 : i32
            %dma_start3A_1808 = tpu.memref_slice %arg3[%select_n3A_1755, %dma_start3A_1805, %dma_start3A_1806, %dma_start3A_1807] : memref<25x128x8x128xi32, #tpu.memory_space<hbm>> -> memref<1x128x8x128xi32, #tpu.memory_space<hbm>>
            %dma_start3A_1809 = tpu.memref_squeeze %dma_start3A_1808 : memref<1x128x8x128xi32, #tpu.memory_space<hbm>> -> memref<128x8x128xi32, #tpu.memory_space<hbm>>
            %dma_start3A_1810 = arith.constant 0 : i32
            %dma_start3A_1811 = arith.constant 0 : i32
            %dma_start3A_1812 = tpu.memref_slice %dma_start3A_1809[%select_n3A_1771, %dma_start3A_1810, %dma_start3A_1811] : memref<128x8x128xi32, #tpu.memory_space<hbm>> -> memref<1x8x128xi32, #tpu.memory_space<hbm>>
            %dma_start3A_1813 = tpu.memref_squeeze %dma_start3A_1812 : memref<1x8x128xi32, #tpu.memory_space<hbm>> -> memref<8x128xi32, #tpu.memory_space<hbm>>
            tpu.enqueue_dma source(%dma_start3A_1813 : memref<8x128xi32, #tpu.memory_space<hbm>>) target(%dma_start3A_1804 : memref<8x128xi32, #tpu.memory_space<vmem>>) target_semaphore(%arg10 : memref<!tpu.dma_semaphore, #tpu.memory_space<semaphore_mem>>)
          } else {
          }
        } else {
        }
        %jit3A_1627 = arith.constant 2 : i32
        %eq3A_1628 = arith.constant 0 : i32
        %eq3A_1629 = arith.cmpi eq, %jit3A_1627, %eq3A_1628 : i32
        %jit3A_1630 = arith.constant 1 : i32
        %select_n3A_1631 = arith.select %eq3A_1629, %jit3A_1630, %jit3A_1627 : i32
        %rem3A_1632 = arith.remsi %select_n3A_1603, %select_n3A_1631 : i32
        %ne3A_1633 = arith.constant 0 : i32
        %ne3A_1634 = arith.cmpi ne, %rem3A_1632, %ne3A_1633 : i32
        %lt3A_1635 = arith.constant 0 : i32
        %lt3A_1636 = arith.cmpi slt, %rem3A_1632, %lt3A_1635 : i32
        %lt3A_1637 = arith.constant 0 : i32
        %lt3A_1638 = arith.cmpi slt, %select_n3A_1631, %lt3A_1637 : i32
        %ne3A_1639 = arith.xori %lt3A_1636, %lt3A_1638 : i1
        %and3A_1640 = arith.andi %ne3A_1639, %ne3A_1634 : i1
        %add3A_1641 = arith.addi %rem3A_1632, %select_n3A_1631 : i32
        %select_n3A_1642 = arith.select %and3A_1640, %add3A_1641, %rem3A_1632 : i32
        %dma_start3A_1643 = arith.constant 0 : i32
        %dma_start3A_1644 = arith.constant 0 : i32
        %dma_start3A_1645 = tpu.memref_slice %arg5[%select_n3A_1642, %dma_start3A_1643, %dma_start3A_1644] : memref<2x8x128xi32, #tpu.memory_space<vmem>> -> memref<1x8x128xi32, #tpu.memory_space<vmem>>
        %dma_start3A_1646 = tpu.memref_squeeze %dma_start3A_1645 : memref<1x8x128xi32, #tpu.memory_space<vmem>> -> memref<8x128xi32, #tpu.memory_space<vmem>>
        %dma_start3A_1647 = arith.constant 0 : i32
        %dma_start3A_1648 = tpu.memref_slice %dma_start3A_1646[%select_n3A_1621, %dma_start3A_1647] : memref<8x128xi32, #tpu.memory_space<vmem>> -> memref<1x128xi32, #tpu.memory_space<vmem>>
        %dma_start3A_1649 = tpu.memref_squeeze %dma_start3A_1648 : memref<1x128xi32, #tpu.memory_space<vmem>> -> memref<128xi32, #tpu.memory_space<vmem>>
        %dma_start3A_1650 = arith.constant 0 : i32
        %dma_start3A_1651 = arith.constant 0 : i32
        %dma_start3A_1652 = tpu.memref_slice %arg2[%dma_start3A_1650, %dma_start3A_1651] : memref<1000000x32xf32, #tpu.memory_space<hbm>> -> memref<1000000x32xf32, #tpu.memory_space<hbm>>
        tpu.enqueue_indirect_dma source(%dma_start3A_1652 : memref<1000000x32xf32, #tpu.memory_space<hbm>>) target(%arg7 : memref<128x32xf32, #tpu.memory_space<vmem>>) offsets(%dma_start3A_1649 : memref<128xi32, #tpu.memory_space<vmem>>) semaphore(%arg11 : memref<!tpu.dma_semaphore, #tpu.memory_space<semaphore_mem>>)
      } else {
      }
      %ge3A = arith.constant 2 : i32
      %ge3A_749 = arith.cmpi sge, %add3A_731, %ge3A : i32
      %convert_element_type3A_750 = arith.extui %ge3A_749 : i1 to i32
      %cond3A_751 = arith.constant 0 : i32
      %cond3A_752 = arith.cmpi ne, %convert_element_type3A_750, %cond3A_751 : i32
      scf.if %cond3A_752 {
        %add3A_1578 = arith.constant 0 : i32
        %add3A_1579 = arith.addi %mul3A_2, %add3A_1578 : i32
        %jit3A_1580 = arith.constant 128 : i32
        %div3A_1581 = arith.divsi %add3A_1579, %jit3A_1580 : i32
        %sign3A_1582 = arith.constant 0 : i32
        %sign3A_1583 = arith.cmpi sgt, %add3A_1579, %sign3A_1582 : i32
        %sign3A_1584 = arith.extui %sign3A_1583 : i1 to i32
        %sign3A_1585 = arith.constant 0 : i32
        %sign3A_1586 = arith.cmpi slt, %add3A_1579, %sign3A_1585 : i32
        %sign3A_1587 = arith.extui %sign3A_1586 : i1 to i32
        %sign3A_1588 = arith.subi %sign3A_1584, %sign3A_1587 : i32
        %sign3A_1589 = arith.constant 0 : i32
        %sign3A_1590 = arith.cmpi sgt, %jit3A_1580, %sign3A_1589 : i32
        %sign3A_1591 = arith.extui %sign3A_1590 : i1 to i32
        %sign3A_1592 = arith.constant 0 : i32
        %sign3A_1593 = arith.cmpi slt, %jit3A_1580, %sign3A_1592 : i32
        %sign3A_1594 = arith.extui %sign3A_1593 : i1 to i32
        %sign3A_1595 = arith.subi %sign3A_1591, %sign3A_1594 : i32
        %ne3A_1596 = arith.cmpi ne, %sign3A_1588, %sign3A_1595 : i32
        %rem3A_1597 = arith.remsi %add3A_1579, %jit3A_1580 : i32
        %ne3A_1598 = arith.constant 0 : i32
        %ne3A_1599 = arith.cmpi ne, %rem3A_1597, %ne3A_1598 : i32
        %and3A_1600 = arith.andi %ne3A_1596, %ne3A_1599 : i1
        %sub3A_1601 = arith.constant 1 : i32
        %sub3A_1602 = arith.subi %div3A_1581, %sub3A_1601 : i32
        %select_n3A_1603 = arith.select %and3A_1600, %sub3A_1602, %div3A_1581 : i32
        %mul3A_1604 = arith.constant 8 : i32
        %mul3A_1605 = arith.muli %select_n3A_1603, %mul3A_1604 : i32
        %add3A_1606 = arith.constant 0 : i32
        %add3A_1607 = arith.addi %mul3A_1605, %add3A_1606 : i32
        %mul3A_1608 = arith.constant 512 : i32
        %mul3A_1609 = arith.muli %add3A_1607, %mul3A_1608 : i32
        %add3A_1610 = arith.constant 0 : i32
        %add3A_1611 = arith.addi %mul3A_1609, %add3A_1610 : i32
        %jit3A_1612 = arith.constant 128 : i32
        %eq3A_1613 = arith.constant 0 : i32
        %eq3A_1614 = arith.cmpi eq, %jit3A_1612, %eq3A_1613 : i32
        %jit3A_1615 = arith.constant 1 : i32
        %select_n3A_1616 = arith.select %eq3A_1614, %jit3A_1615, %jit3A_1612 : i32
        %rem3A_1617 = arith.remsi %add3A_1579, %select_n3A_1616 : i32
        %ne3A_1618 = arith.constant 0 : i32
        %ne3A_1619 = arith.cmpi ne, %rem3A_1617, %ne3A_1618 : i32
        %lt3A_1620 = arith.constant 0 : i32
        %lt3A_1621 = arith.cmpi slt, %rem3A_1617, %lt3A_1620 : i32
        %lt3A_1622 = arith.constant 0 : i32
        %lt3A_1623 = arith.cmpi slt, %select_n3A_1616, %lt3A_1622 : i32
        %ne3A_1624 = arith.xori %lt3A_1621, %lt3A_1623 : i1
        %and3A_1625 = arith.andi %ne3A_1624, %ne3A_1619 : i1
        %add3A_1626 = arith.addi %rem3A_1617, %select_n3A_1616 : i32
        %select_n3A_1627 = arith.select %and3A_1625, %add3A_1626, %rem3A_1617 : i32
        %add3A_1628 = arith.addi %add3A_1611, %select_n3A_1627 : i32
        %dma_wait3A_1629 = arith.constant 0 : i32
        %dma_wait3A_1630 = tpu.memref_slice %arg8[%dma_wait3A_1629] : memref<4096xf32, #tpu.memory_space<vmem>> -> memref<1024xf32, #tpu.memory_space<vmem>>
        %dma_wait3A_1631 = arith.constant 0 : i32
        %dma_wait3A_1632 = tpu.memref_slice %arg4[%add3A_1628, %dma_wait3A_1631] : memref<102400x1024xf32, #tpu.memory_space<hbm>> -> memref<1x1024xf32, #tpu.memory_space<hbm>>
        %dma_wait3A_1633 = tpu.memref_squeeze %dma_wait3A_1632 : memref<1x1024xf32, #tpu.memory_space<hbm>> -> memref<1024xf32, #tpu.memory_space<hbm>>
        %dma_wait3A_1634 = arith.constant 0 : i32
        %dma_wait3A_1635 = tpu.memref_slice %arg4[%add3A_1628, %dma_wait3A_1634] : memref<102400x1024xf32, #tpu.memory_space<hbm>> -> memref<1x1024xf32, #tpu.memory_space<hbm>>
        %dma_wait3A_1636 = tpu.memref_squeeze %dma_wait3A_1635 : memref<1x1024xf32, #tpu.memory_space<hbm>> -> memref<1024xf32, #tpu.memory_space<hbm>>
        %dma_wait3A_1637 = arith.constant 0 : i32
        %dma_wait3A_1638 = tpu.memref_slice %arg8[%dma_wait3A_1637] : memref<4096xf32, #tpu.memory_space<vmem>> -> memref<1024xf32, #tpu.memory_space<vmem>>
        tpu.wait_dma2 semaphore(%arg12 : memref<!tpu.dma_semaphore, #tpu.memory_space<semaphore_mem>>) src(%dma_wait3A_1638 : memref<1024xf32, #tpu.memory_space<vmem>>) dst(%dma_wait3A_1636 : memref<1024xf32, #tpu.memory_space<hbm>>)
        %add3A_1639 = arith.constant 0 : i32
        %add3A_1640 = arith.addi %mul3A_2, %add3A_1639 : i32
        %jit3A_1641 = arith.constant 128 : i32
        %div3A_1642 = arith.divsi %add3A_1640, %jit3A_1641 : i32
        %sign3A_1643 = arith.constant 0 : i32
        %sign3A_1644 = arith.cmpi sgt, %add3A_1640, %sign3A_1643 : i32
        %sign3A_1645 = arith.extui %sign3A_1644 : i1 to i32
        %sign3A_1646 = arith.constant 0 : i32
        %sign3A_1647 = arith.cmpi slt, %add3A_1640, %sign3A_1646 : i32
        %sign3A_1648 = arith.extui %sign3A_1647 : i1 to i32
        %sign3A_1649 = arith.subi %sign3A_1645, %sign3A_1648 : i32
        %sign3A_1650 = arith.constant 0 : i32
        %sign3A_1651 = arith.cmpi sgt, %jit3A_1641, %sign3A_1650 : i32
        %sign3A_1652 = arith.extui %sign3A_1651 : i1 to i32
        %sign3A_1653 = arith.constant 0 : i32
        %sign3A_1654 = arith.cmpi slt, %jit3A_1641, %sign3A_1653 : i32
        %sign3A_1655 = arith.extui %sign3A_1654 : i1 to i32
        %sign3A_1656 = arith.subi %sign3A_1652, %sign3A_1655 : i32
        %ne3A_1657 = arith.cmpi ne, %sign3A_1649, %sign3A_1656 : i32
        %rem3A_1658 = arith.remsi %add3A_1640, %jit3A_1641 : i32
        %ne3A_1659 = arith.constant 0 : i32
        %ne3A_1660 = arith.cmpi ne, %rem3A_1658, %ne3A_1659 : i32
        %and3A_1661 = arith.andi %ne3A_1657, %ne3A_1660 : i1
        %sub3A_1662 = arith.constant 1 : i32
        %sub3A_1663 = arith.subi %div3A_1642, %sub3A_1662 : i32
        %select_n3A_1664 = arith.select %and3A_1661, %sub3A_1663, %div3A_1642 : i32
        %mul3A_1665 = arith.constant 8 : i32
        %mul3A_1666 = arith.muli %select_n3A_1664, %mul3A_1665 : i32
        %add3A_1667 = arith.constant 0 : i32
        %add3A_1668 = arith.addi %mul3A_1666, %add3A_1667 : i32
        %mul3A_1669 = arith.constant 512 : i32
        %mul3A_1670 = arith.muli %add3A_1668, %mul3A_1669 : i32
        %add3A_1671 = arith.constant 128 : i32
        %add3A_1672 = arith.addi %mul3A_1670, %add3A_1671 : i32
        %jit3A_1673 = arith.constant 128 : i32
        %eq3A_1674 = arith.constant 0 : i32
        %eq3A_1675 = arith.cmpi eq, %jit3A_1673, %eq3A_1674 : i32
        %jit3A_1676 = arith.constant 1 : i32
        %select_n3A_1677 = arith.select %eq3A_1675, %jit3A_1676, %jit3A_1673 : i32
        %rem3A_1678 = arith.remsi %add3A_1640, %select_n3A_1677 : i32
        %ne3A_1679 = arith.constant 0 : i32
        %ne3A_1680 = arith.cmpi ne, %rem3A_1678, %ne3A_1679 : i32
        %lt3A_1681 = arith.constant 0 : i32
        %lt3A_1682 = arith.cmpi slt, %rem3A_1678, %lt3A_1681 : i32
        %lt3A_1683 = arith.constant 0 : i32
        %lt3A_1684 = arith.cmpi slt, %select_n3A_1677, %lt3A_1683 : i32
        %ne3A_1685 = arith.xori %lt3A_1682, %lt3A_1684 : i1
        %and3A_1686 = arith.andi %ne3A_1685, %ne3A_1680 : i1
        %add3A_1687 = arith.addi %rem3A_1678, %select_n3A_1677 : i32
        %select_n3A_1688 = arith.select %and3A_1686, %add3A_1687, %rem3A_1678 : i32
        %add3A_1689 = arith.addi %add3A_1672, %select_n3A_1688 : i32
        %dma_wait3A_1690 = arith.constant 1024 : i32
        %dma_wait3A_1691 = tpu.memref_slice %arg8[%dma_wait3A_1690] : memref<4096xf32, #tpu.memory_space<vmem>> -> memref<1024xf32, #tpu.memory_space<vmem>>
        %dma_wait3A_1692 = arith.constant 0 : i32
        %dma_wait3A_1693 = tpu.memref_slice %arg4[%add3A_1689, %dma_wait3A_1692] : memref<102400x1024xf32, #tpu.memory_space<hbm>> -> memref<1x1024xf32, #tpu.memory_space<hbm>>
        %dma_wait3A_1694 = tpu.memref_squeeze %dma_wait3A_1693 : memref<1x1024xf32, #tpu.memory_space<hbm>> -> memref<1024xf32, #tpu.memory_space<hbm>>
        %dma_wait3A_1695 = arith.constant 0 : i32
        %dma_wait3A_1696 = tpu.memref_slice %arg4[%add3A_1689, %dma_wait3A_1695] : memref<102400x1024xf32, #tpu.memory_space<hbm>> -> memref<1x1024xf32, #tpu.memory_space<hbm>>
        %dma_wait3A_1697 = tpu.memref_squeeze %dma_wait3A_1696 : memref<1x1024xf32, #tpu.memory_space<hbm>> -> memref<1024xf32, #tpu.memory_space<hbm>>
        %dma_wait3A_1698 = arith.constant 1024 : i32
        %dma_wait3A_1699 = tpu.memref_slice %arg8[%dma_wait3A_1698] : memref<4096xf32, #tpu.memory_space<vmem>> -> memref<1024xf32, #tpu.memory_space<vmem>>
        tpu.wait_dma2 semaphore(%arg12 : memref<!tpu.dma_semaphore, #tpu.memory_space<semaphore_mem>>) src(%dma_wait3A_1699 : memref<1024xf32, #tpu.memory_space<vmem>>) dst(%dma_wait3A_1697 : memref<1024xf32, #tpu.memory_space<hbm>>)
        %add3A_1700 = arith.constant 0 : i32
        %add3A_1701 = arith.addi %mul3A_2, %add3A_1700 : i32
        %jit3A_1702 = arith.constant 128 : i32
        %div3A_1703 = arith.divsi %add3A_1701, %jit3A_1702 : i32
        %sign3A_1704 = arith.constant 0 : i32
        %sign3A_1705 = arith.cmpi sgt, %add3A_1701, %sign3A_1704 : i32
        %sign3A_1706 = arith.extui %sign3A_1705 : i1 to i32
        %sign3A_1707 = arith.constant 0 : i32
        %sign3A_1708 = arith.cmpi slt, %add3A_1701, %sign3A_1707 : i32
        %sign3A_1709 = arith.extui %sign3A_1708 : i1 to i32
        %sign3A_1710 = arith.subi %sign3A_1706, %sign3A_1709 : i32
        %sign3A_1711 = arith.constant 0 : i32
        %sign3A_1712 = arith.cmpi sgt, %jit3A_1702, %sign3A_1711 : i32
        %sign3A_1713 = arith.extui %sign3A_1712 : i1 to i32
        %sign3A_1714 = arith.constant 0 : i32
        %sign3A_1715 = arith.cmpi slt, %jit3A_1702, %sign3A_1714 : i32
        %sign3A_1716 = arith.extui %sign3A_1715 : i1 to i32
        %sign3A_1717 = arith.subi %sign3A_1713, %sign3A_1716 : i32
        %ne3A_1718 = arith.cmpi ne, %sign3A_1710, %sign3A_1717 : i32
        %rem3A_1719 = arith.remsi %add3A_1701, %jit3A_1702 : i32
        %ne3A_1720 = arith.constant 0 : i32
        %ne3A_1721 = arith.cmpi ne, %rem3A_1719, %ne3A_1720 : i32
        %and3A_1722 = arith.andi %ne3A_1718, %ne3A_1721 : i1
        %sub3A_1723 = arith.constant 1 : i32
        %sub3A_1724 = arith.subi %div3A_1703, %sub3A_1723 : i32
        %select_n3A_1725 = arith.select %and3A_1722, %sub3A_1724, %div3A_1703 : i32
        %mul3A_1726 = arith.constant 8 : i32
        %mul3A_1727 = arith.muli %select_n3A_1725, %mul3A_1726 : i32
        %add3A_1728 = arith.constant 0 : i32
        %add3A_1729 = arith.addi %mul3A_1727, %add3A_1728 : i32
        %mul3A_1730 = arith.constant 512 : i32
        %mul3A_1731 = arith.muli %add3A_1729, %mul3A_1730 : i32
        %add3A_1732 = arith.constant 256 : i32
        %add3A_1733 = arith.addi %mul3A_1731, %add3A_1732 : i32
        %jit3A_1734 = arith.constant 128 : i32
        %eq3A_1735 = arith.constant 0 : i32
        %eq3A_1736 = arith.cmpi eq, %jit3A_1734, %eq3A_1735 : i32
        %jit3A_1737 = arith.constant 1 : i32
        %select_n3A_1738 = arith.select %eq3A_1736, %jit3A_1737, %jit3A_1734 : i32
        %rem3A_1739 = arith.remsi %add3A_1701, %select_n3A_1738 : i32
        %ne3A_1740 = arith.constant 0 : i32
        %ne3A_1741 = arith.cmpi ne, %rem3A_1739, %ne3A_1740 : i32
        %lt3A_1742 = arith.constant 0 : i32
        %lt3A_1743 = arith.cmpi slt, %rem3A_1739, %lt3A_1742 : i32
        %lt3A_1744 = arith.constant 0 : i32
        %lt3A_1745 = arith.cmpi slt, %select_n3A_1738, %lt3A_1744 : i32
        %ne3A_1746 = arith.xori %lt3A_1743, %lt3A_1745 : i1
        %and3A_1747 = arith.andi %ne3A_1746, %ne3A_1741 : i1
        %add3A_1748 = arith.addi %rem3A_1739, %select_n3A_1738 : i32
        %select_n3A_1749 = arith.select %and3A_1747, %add3A_1748, %rem3A_1739 : i32
        %add3A_1750 = arith.addi %add3A_1733, %select_n3A_1749 : i32
        %dma_wait3A_1751 = arith.constant 2048 : i32
        %dma_wait3A_1752 = tpu.memref_slice %arg8[%dma_wait3A_1751] : memref<4096xf32, #tpu.memory_space<vmem>> -> memref<1024xf32, #tpu.memory_space<vmem>>
        %dma_wait3A_1753 = arith.constant 0 : i32
        %dma_wait3A_1754 = tpu.memref_slice %arg4[%add3A_1750, %dma_wait3A_1753] : memref<102400x1024xf32, #tpu.memory_space<hbm>> -> memref<1x1024xf32, #tpu.memory_space<hbm>>
        %dma_wait3A_1755 = tpu.memref_squeeze %dma_wait3A_1754 : memref<1x1024xf32, #tpu.memory_space<hbm>> -> memref<1024xf32, #tpu.memory_space<hbm>>
        %dma_wait3A_1756 = arith.constant 0 : i32
        %dma_wait3A_1757 = tpu.memref_slice %arg4[%add3A_1750, %dma_wait3A_1756] : memref<102400x1024xf32, #tpu.memory_space<hbm>> -> memref<1x1024xf32, #tpu.memory_space<hbm>>
        %dma_wait3A_1758 = tpu.memref_squeeze %dma_wait3A_1757 : memref<1x1024xf32, #tpu.memory_space<hbm>> -> memref<1024xf32, #tpu.memory_space<hbm>>
        %dma_wait3A_1759 = arith.constant 2048 : i32
        %dma_wait3A_1760 = tpu.memref_slice %arg8[%dma_wait3A_1759] : memref<4096xf32, #tpu.memory_space<vmem>> -> memref<1024xf32, #tpu.memory_space<vmem>>
        tpu.wait_dma2 semaphore(%arg12 : memref<!tpu.dma_semaphore, #tpu.memory_space<semaphore_mem>>) src(%dma_wait3A_1760 : memref<1024xf32, #tpu.memory_space<vmem>>) dst(%dma_wait3A_1758 : memref<1024xf32, #tpu.memory_space<hbm>>)
        %add3A_1761 = arith.constant 0 : i32
        %add3A_1762 = arith.addi %mul3A_2, %add3A_1761 : i32
        %jit3A_1763 = arith.constant 128 : i32
        %div3A_1764 = arith.divsi %add3A_1762, %jit3A_1763 : i32
        %sign3A_1765 = arith.constant 0 : i32
        %sign3A_1766 = arith.cmpi sgt, %add3A_1762, %sign3A_1765 : i32
        %sign3A_1767 = arith.extui %sign3A_1766 : i1 to i32
        %sign3A_1768 = arith.constant 0 : i32
        %sign3A_1769 = arith.cmpi slt, %add3A_1762, %sign3A_1768 : i32
        %sign3A_1770 = arith.extui %sign3A_1769 : i1 to i32
        %sign3A_1771 = arith.subi %sign3A_1767, %sign3A_1770 : i32
        %sign3A_1772 = arith.constant 0 : i32
        %sign3A_1773 = arith.cmpi sgt, %jit3A_1763, %sign3A_1772 : i32
        %sign3A_1774 = arith.extui %sign3A_1773 : i1 to i32
        %sign3A_1775 = arith.constant 0 : i32
        %sign3A_1776 = arith.cmpi slt, %jit3A_1763, %sign3A_1775 : i32
        %sign3A_1777 = arith.extui %sign3A_1776 : i1 to i32
        %sign3A_1778 = arith.subi %sign3A_1774, %sign3A_1777 : i32
        %ne3A_1779 = arith.cmpi ne, %sign3A_1771, %sign3A_1778 : i32
        %rem3A_1780 = arith.remsi %add3A_1762, %jit3A_1763 : i32
        %ne3A_1781 = arith.constant 0 : i32
        %ne3A_1782 = arith.cmpi ne, %rem3A_1780, %ne3A_1781 : i32
        %and3A_1783 = arith.andi %ne3A_1779, %ne3A_1782 : i1
        %sub3A_1784 = arith.constant 1 : i32
        %sub3A_1785 = arith.subi %div3A_1764, %sub3A_1784 : i32
        %select_n3A_1786 = arith.select %and3A_1783, %sub3A_1785, %div3A_1764 : i32
        %mul3A_1787 = arith.constant 8 : i32
        %mul3A_1788 = arith.muli %select_n3A_1786, %mul3A_1787 : i32
        %add3A_1789 = arith.constant 0 : i32
        %add3A_1790 = arith.addi %mul3A_1788, %add3A_1789 : i32
        %mul3A_1791 = arith.constant 512 : i32
        %mul3A_1792 = arith.muli %add3A_1790, %mul3A_1791 : i32
        %add3A_1793 = arith.constant 384 : i32
        %add3A_1794 = arith.addi %mul3A_1792, %add3A_1793 : i32
        %jit3A_1795 = arith.constant 128 : i32
        %eq3A_1796 = arith.constant 0 : i32
        %eq3A_1797 = arith.cmpi eq, %jit3A_1795, %eq3A_1796 : i32
        %jit3A_1798 = arith.constant 1 : i32
        %select_n3A_1799 = arith.select %eq3A_1797, %jit3A_1798, %jit3A_1795 : i32
        %rem3A_1800 = arith.remsi %add3A_1762, %select_n3A_1799 : i32
        %ne3A_1801 = arith.constant 0 : i32
        %ne3A_1802 = arith.cmpi ne, %rem3A_1800, %ne3A_1801 : i32
        %lt3A_1803 = arith.constant 0 : i32
        %lt3A_1804 = arith.cmpi slt, %rem3A_1800, %lt3A_1803 : i32
        %lt3A_1805 = arith.constant 0 : i32
        %lt3A_1806 = arith.cmpi slt, %select_n3A_1799, %lt3A_1805 : i32
        %ne3A_1807 = arith.xori %lt3A_1804, %lt3A_1806 : i1
        %and3A_1808 = arith.andi %ne3A_1807, %ne3A_1802 : i1
        %add3A_1809 = arith.addi %rem3A_1800, %select_n3A_1799 : i32
        %select_n3A_1810 = arith.select %and3A_1808, %add3A_1809, %rem3A_1800 : i32
        %add3A_1811 = arith.addi %add3A_1794, %select_n3A_1810 : i32
        %dma_wait3A_1812 = arith.constant 3072 : i32
        %dma_wait3A_1813 = tpu.memref_slice %arg8[%dma_wait3A_1812] : memref<4096xf32, #tpu.memory_space<vmem>> -> memref<1024xf32, #tpu.memory_space<vmem>>
        %dma_wait3A_1814 = arith.constant 0 : i32
        %dma_wait3A_1815 = tpu.memref_slice %arg4[%add3A_1811, %dma_wait3A_1814] : memref<102400x1024xf32, #tpu.memory_space<hbm>> -> memref<1x1024xf32, #tpu.memory_space<hbm>>
        %dma_wait3A_1816 = tpu.memref_squeeze %dma_wait3A_1815 : memref<1x1024xf32, #tpu.memory_space<hbm>> -> memref<1024xf32, #tpu.memory_space<hbm>>
        %dma_wait3A_1817 = arith.constant 0 : i32
        %dma_wait3A_1818 = tpu.memref_slice %arg4[%add3A_1811, %dma_wait3A_1817] : memref<102400x1024xf32, #tpu.memory_space<hbm>> -> memref<1x1024xf32, #tpu.memory_space<hbm>>
        %dma_wait3A_1819 = tpu.memref_squeeze %dma_wait3A_1818 : memref<1x1024xf32, #tpu.memory_space<hbm>> -> memref<1024xf32, #tpu.memory_space<hbm>>
        %dma_wait3A_1820 = arith.constant 3072 : i32
        %dma_wait3A_1821 = tpu.memref_slice %arg8[%dma_wait3A_1820] : memref<4096xf32, #tpu.memory_space<vmem>> -> memref<1024xf32, #tpu.memory_space<vmem>>
        tpu.wait_dma2 semaphore(%arg12 : memref<!tpu.dma_semaphore, #tpu.memory_space<semaphore_mem>>) src(%dma_wait3A_1821 : memref<1024xf32, #tpu.memory_space<vmem>>) dst(%dma_wait3A_1819 : memref<1024xf32, #tpu.memory_space<hbm>>)
      } else {
      }
      %parallel_loop3A = arith.constant 0 : i32
      %parallel_loop3A_753 = arith.constant 32 : i32
      %parallel_loop3A_754 = arith.constant 1 : i32
      scf.for %parallel_loop3A_1578 = %parallel_loop3A to %parallel_loop3A_753 step %parallel_loop3A_754  : i32 {
        %parallel_loop3A_1579 = vector.broadcast %parallel_loop3A_1578 : i32 to vector<16xi32>
        %parallel_loop3A_1580 = arith.addi %iota3A, %parallel_loop3A_1579 : vector<16xi32>
        %parallel_loop3A_1581 = arith.constant 31 : i32
        %parallel_loop3A_1582 = vector.broadcast %parallel_loop3A_1581 : i32 to vector<16xi32>
        %parallel_loop3A_1583 = arith.andi %parallel_loop3A_1580, %parallel_loop3A_1582 : vector<16xi32>
        %parallel_loop3A_1584 = arith.constant 7 : i32
        %parallel_loop3A_1585 = vector.broadcast %parallel_loop3A_1584 : i32 to vector<16xi32>
        %parallel_loop3A_1586 = arith.shli %parallel_loop3A_1583, %parallel_loop3A_1585 : vector<16xi32>
        %parallel_loop3A_1587 = tpu.vector_load_idx %arg6[%add3A_5, %parallel_loop3A_1583] : memref<128x32xf32, #tpu.memory_space<vmem>>[vector<16xi32>, vector<16xi32>], vector<16xf32>,
        %parallel_loop3A_1588 = arith.addi %parallel_loop3A_1586, %add3A_5 : vector<16xi32>
        tpu.vector_store_idx %arg8[%parallel_loop3A_1588], %parallel_loop3A_1587 : memref<4096xf32, #tpu.memory_space<vmem>>[vector<16xi32>], vector<16xf32>,
        %parallel_loop3A_1589 = tpu.vector_load_idx %arg6[%add3A_8, %parallel_loop3A_1583] : memref<128x32xf32, #tpu.memory_space<vmem>>[vector<16xi32>, vector<16xi32>], vector<16xf32>,
        %parallel_loop3A_1590 = arith.addi %parallel_loop3A_1586, %add3A_8 : vector<16xi32>
        tpu.vector_store_idx %arg8[%parallel_loop3A_1590], %parallel_loop3A_1589 : memref<4096xf32, #tpu.memory_space<vmem>>[vector<16xi32>], vector<16xf32>,
        %parallel_loop3A_1591 = tpu.vector_load_idx %arg6[%add3A_11, %parallel_loop3A_1583] : memref<128x32xf32, #tpu.memory_space<vmem>>[vector<16xi32>, vector<16xi32>], vector<16xf32>,
        %parallel_loop3A_1592 = arith.addi %parallel_loop3A_1586, %add3A_11 : vector<16xi32>
        tpu.vector_store_idx %arg8[%parallel_loop3A_1592], %parallel_loop3A_1591 : memref<4096xf32, #tpu.memory_space<vmem>>[vector<16xi32>], vector<16xf32>,
        %parallel_loop3A_1593 = tpu.vector_load_idx %arg6[%add3A_14, %parallel_loop3A_1583] : memref<128x32xf32, #tpu.memory_space<vmem>>[vector<16xi32>, vector<16xi32>], vector<16xf32>,
        %parallel_loop3A_1594 = arith.addi %parallel_loop3A_1586, %add3A_14 : vector<16xi32>
        tpu.vector_store_idx %arg8[%parallel_loop3A_1594], %parallel_loop3A_1593 : memref<4096xf32, #tpu.memory_space<vmem>>[vector<16xi32>], vector<16xf32>,
        %parallel_loop3A_1595 = tpu.vector_load_idx %arg6[%add3A_17, %parallel_loop3A_1583] : memref<128x32xf32, #tpu.memory_space<vmem>>[vector<16xi32>, vector<16xi32>], vector<16xf32>,
        %parallel_loop3A_1596 = arith.addi %parallel_loop3A_1586, %add3A_17 : vector<16xi32>
        tpu.vector_store_idx %arg8[%parallel_loop3A_1596], %parallel_loop3A_1595 : memref<4096xf32, #tpu.memory_space<vmem>>[vector<16xi32>], vector<16xf32>,
        %parallel_loop3A_1597 = tpu.vector_load_idx %arg6[%add3A_20, %parallel_loop3A_1583] : memref<128x32xf32, #tpu.memory_space<vmem>>[vector<16xi32>, vector<16xi32>], vector<16xf32>,
        %parallel_loop3A_1598 = arith.addi %parallel_loop3A_1586, %add3A_20 : vector<16xi32>
        tpu.vector_store_idx %arg8[%parallel_loop3A_1598], %parallel_loop3A_1597 : memref<4096xf32, #tpu.memory_space<vmem>>[vector<16xi32>], vector<16xf32>,
        %parallel_loop3A_1599 = tpu.vector_load_idx %arg6[%add3A_23, %parallel_loop3A_1583] : memref<128x32xf32, #tpu.memory_space<vmem>>[vector<16xi32>, vector<16xi32>], vector<16xf32>,
        %parallel_loop3A_1600 = arith.addi %parallel_loop3A_1586, %add3A_23 : vector<16xi32>
        tpu.vector_store_idx %arg8[%parallel_loop3A_1600], %parallel_loop3A_1599 : memref<4096xf32, #tpu.memory_space<vmem>>[vector<16xi32>], vector<16xf32>,
        %parallel_loop3A_1601 = tpu.vector_load_idx %arg6[%add3A_26, %parallel_loop3A_1583] : memref<128x32xf32, #tpu.memory_space<vmem>>[vector<16xi32>, vector<16xi32>], vector<16xf32>,
        %parallel_loop3A_1602 = arith.addi %parallel_loop3A_1586, %add3A_26 : vector<16xi32>
        tpu.vector_store_idx %arg8[%parallel_loop3A_1602], %parallel_loop3A_1601 : memref<4096xf32, #tpu.memory_space<vmem>>[vector<16xi32>], vector<16xf32>,
      } {sc.loop_unroll_factor = 8 : i64, sc.parallel_access}
      %jit3A_755 = arith.constant 8 : i32
      %div3A_756 = arith.divsi %add3A_731, %jit3A_755 : i32
      %sign3A_757 = arith.constant 0 : i32
      %sign3A_758 = arith.cmpi sgt, %add3A_731, %sign3A_757 : i32
      %sign3A_759 = arith.extui %sign3A_758 : i1 to i32
      %sign3A_760 = arith.constant 0 : i32
      %sign3A_761 = arith.cmpi slt, %add3A_731, %sign3A_760 : i32
      %sign3A_762 = arith.extui %sign3A_761 : i1 to i32
      %sign3A_763 = arith.subi %sign3A_759, %sign3A_762 : i32
      %sign3A_764 = arith.constant 0 : i32
      %sign3A_765 = arith.cmpi sgt, %jit3A_755, %sign3A_764 : i32
      %sign3A_766 = arith.extui %sign3A_765 : i1 to i32
      %sign3A_767 = arith.constant 0 : i32
      %sign3A_768 = arith.cmpi slt, %jit3A_755, %sign3A_767 : i32
      %sign3A_769 = arith.extui %sign3A_768 : i1 to i32
      %sign3A_770 = arith.subi %sign3A_766, %sign3A_769 : i32
      %ne3A_771 = arith.cmpi ne, %sign3A_763, %sign3A_770 : i32
      %rem3A_772 = arith.remsi %add3A_731, %jit3A_755 : i32
      %ne3A_773 = arith.constant 0 : i32
      %ne3A_774 = arith.cmpi ne, %rem3A_772, %ne3A_773 : i32
      %and3A_775 = arith.andi %ne3A_771, %ne3A_774 : i1
      %sub3A_776 = arith.constant 1 : i32
      %sub3A_777 = arith.subi %div3A_756, %sub3A_776 : i32
      %select_n3A_778 = arith.select %and3A_775, %sub3A_777, %div3A_756 : i32
      %add3A_779 = arith.addi %mul3A_2, %select_n3A_778 : i32
      %jit3A_780 = arith.constant 128 : i32
      %div3A_781 = arith.divsi %add3A_779, %jit3A_780 : i32
      %sign3A_782 = arith.constant 0 : i32
      %sign3A_783 = arith.cmpi sgt, %add3A_779, %sign3A_782 : i32
      %sign3A_784 = arith.extui %sign3A_783 : i1 to i32
      %sign3A_785 = arith.constant 0 : i32
      %sign3A_786 = arith.cmpi slt, %add3A_779, %sign3A_785 : i32
      %sign3A_787 = arith.extui %sign3A_786 : i1 to i32
      %sign3A_788 = arith.subi %sign3A_784, %sign3A_787 : i32
      %sign3A_789 = arith.constant 0 : i32
      %sign3A_790 = arith.cmpi sgt, %jit3A_780, %sign3A_789 : i32
      %sign3A_791 = arith.extui %sign3A_790 : i1 to i32
      %sign3A_792 = arith.constant 0 : i32
      %sign3A_793 = arith.cmpi slt, %jit3A_780, %sign3A_792 : i32
      %sign3A_794 = arith.extui %sign3A_793 : i1 to i32
      %sign3A_795 = arith.subi %sign3A_791, %sign3A_794 : i32
      %ne3A_796 = arith.cmpi ne, %sign3A_788, %sign3A_795 : i32
      %rem3A_797 = arith.remsi %add3A_779, %jit3A_780 : i32
      %ne3A_798 = arith.constant 0 : i32
      %ne3A_799 = arith.cmpi ne, %rem3A_797, %ne3A_798 : i32
      %and3A_800 = arith.andi %ne3A_796, %ne3A_799 : i1
      %sub3A_801 = arith.constant 1 : i32
      %sub3A_802 = arith.subi %div3A_781, %sub3A_801 : i32
      %select_n3A_803 = arith.select %and3A_800, %sub3A_802, %div3A_781 : i32
      %mul3A_804 = arith.constant 8 : i32
      %mul3A_805 = arith.muli %select_n3A_803, %mul3A_804 : i32
      %jit3A_806 = arith.constant 8 : i32
      %eq3A_807 = arith.constant 0 : i32
      %eq3A_808 = arith.cmpi eq, %jit3A_806, %eq3A_807 : i32
      %jit3A_809 = arith.constant 1 : i32
      %select_n3A_810 = arith.select %eq3A_808, %jit3A_809, %jit3A_806 : i32
      %rem3A_811 = arith.remsi %add3A_731, %select_n3A_810 : i32
      %ne3A_812 = arith.constant 0 : i32
      %ne3A_813 = arith.cmpi ne, %rem3A_811, %ne3A_812 : i32
      %lt3A_814 = arith.constant 0 : i32
      %lt3A_815 = arith.cmpi slt, %rem3A_811, %lt3A_814 : i32
      %lt3A_816 = arith.constant 0 : i32
      %lt3A_817 = arith.cmpi slt, %select_n3A_810, %lt3A_816 : i32
      %ne3A_818 = arith.xori %lt3A_815, %lt3A_817 : i1
      %and3A_819 = arith.andi %ne3A_818, %ne3A_813 : i1
      %add3A_820 = arith.addi %rem3A_811, %select_n3A_810 : i32
      %select_n3A_821 = arith.select %and3A_819, %add3A_820, %rem3A_811 : i32
      %add3A_822 = arith.addi %mul3A_805, %select_n3A_821 : i32
      %mul3A_823 = arith.constant 512 : i32
      %mul3A_824 = arith.muli %add3A_822, %mul3A_823 : i32
      %add3A_825 = arith.constant 0 : i32
      %add3A_826 = arith.addi %mul3A_824, %add3A_825 : i32
      %jit3A_827 = arith.constant 128 : i32
      %eq3A_828 = arith.constant 0 : i32
      %eq3A_829 = arith.cmpi eq, %jit3A_827, %eq3A_828 : i32
      %jit3A_830 = arith.constant 1 : i32
      %select_n3A_831 = arith.select %eq3A_829, %jit3A_830, %jit3A_827 : i32
      %rem3A_832 = arith.remsi %add3A_779, %select_n3A_831 : i32
      %ne3A_833 = arith.constant 0 : i32
      %ne3A_834 = arith.cmpi ne, %rem3A_832, %ne3A_833 : i32
      %lt3A_835 = arith.constant 0 : i32
      %lt3A_836 = arith.cmpi slt, %rem3A_832, %lt3A_835 : i32
      %lt3A_837 = arith.constant 0 : i32
      %lt3A_838 = arith.cmpi slt, %select_n3A_831, %lt3A_837 : i32
      %ne3A_839 = arith.xori %lt3A_836, %lt3A_838 : i1
      %and3A_840 = arith.andi %ne3A_839, %ne3A_834 : i1
      %add3A_841 = arith.addi %rem3A_832, %select_n3A_831 : i32
      %select_n3A_842 = arith.select %and3A_840, %add3A_841, %rem3A_832 : i32
      %add3A_843 = arith.addi %add3A_826, %select_n3A_842 : i32
      %dma_start3A_844 = arith.constant 0 : i32
      %dma_start3A_845 = tpu.memref_slice %arg8[%dma_start3A_844] : memref<4096xf32, #tpu.memory_space<vmem>> -> memref<1024xf32, #tpu.memory_space<vmem>>
      %dma_start3A_846 = arith.constant 0 : i32
      %dma_start3A_847 = tpu.memref_slice %arg4[%add3A_843, %dma_start3A_846] : memref<102400x1024xf32, #tpu.memory_space<hbm>> -> memref<1x1024xf32, #tpu.memory_space<hbm>>
      %dma_start3A_848 = tpu.memref_squeeze %dma_start3A_847 : memref<1x1024xf32, #tpu.memory_space<hbm>> -> memref<1024xf32, #tpu.memory_space<hbm>>
      %dma_start3A_849 = arith.constant 0 : i32
      %dma_start3A_850 = tpu.memref_slice %arg4[%add3A_843, %dma_start3A_849] : memref<102400x1024xf32, #tpu.memory_space<hbm>> -> memref<1x1024xf32, #tpu.memory_space<hbm>>
      %dma_start3A_851 = tpu.memref_squeeze %dma_start3A_850 : memref<1x1024xf32, #tpu.memory_space<hbm>> -> memref<1024xf32, #tpu.memory_space<hbm>>
      %dma_start3A_852 = arith.constant 0 : i32
      %dma_start3A_853 = tpu.memref_slice %arg8[%dma_start3A_852] : memref<4096xf32, #tpu.memory_space<vmem>> -> memref<1024xf32, #tpu.memory_space<vmem>>
      tpu.enqueue_dma source(%dma_start3A_853 : memref<1024xf32, #tpu.memory_space<vmem>>) target(%dma_start3A_851 : memref<1024xf32, #tpu.memory_space<hbm>>) target_semaphore(%arg12 : memref<!tpu.dma_semaphore, #tpu.memory_space<semaphore_mem>>)
      %jit3A_854 = arith.constant 8 : i32
      %div3A_855 = arith.divsi %add3A_731, %jit3A_854 : i32
      %sign3A_856 = arith.constant 0 : i32
      %sign3A_857 = arith.cmpi sgt, %add3A_731, %sign3A_856 : i32
      %sign3A_858 = arith.extui %sign3A_857 : i1 to i32
      %sign3A_859 = arith.constant 0 : i32
      %sign3A_860 = arith.cmpi slt, %add3A_731, %sign3A_859 : i32
      %sign3A_861 = arith.extui %sign3A_860 : i1 to i32
      %sign3A_862 = arith.subi %sign3A_858, %sign3A_861 : i32
      %sign3A_863 = arith.constant 0 : i32
      %sign3A_864 = arith.cmpi sgt, %jit3A_854, %sign3A_863 : i32
      %sign3A_865 = arith.extui %sign3A_864 : i1 to i32
      %sign3A_866 = arith.constant 0 : i32
      %sign3A_867 = arith.cmpi slt, %jit3A_854, %sign3A_866 : i32
      %sign3A_868 = arith.extui %sign3A_867 : i1 to i32
      %sign3A_869 = arith.subi %sign3A_865, %sign3A_868 : i32
      %ne3A_870 = arith.cmpi ne, %sign3A_862, %sign3A_869 : i32
      %rem3A_871 = arith.remsi %add3A_731, %jit3A_854 : i32
      %ne3A_872 = arith.constant 0 : i32
      %ne3A_873 = arith.cmpi ne, %rem3A_871, %ne3A_872 : i32
      %and3A_874 = arith.andi %ne3A_870, %ne3A_873 : i1
      %sub3A_875 = arith.constant 1 : i32
      %sub3A_876 = arith.subi %div3A_855, %sub3A_875 : i32
      %select_n3A_877 = arith.select %and3A_874, %sub3A_876, %div3A_855 : i32
      %add3A_878 = arith.addi %mul3A_2, %select_n3A_877 : i32
      %jit3A_879 = arith.constant 128 : i32
      %div3A_880 = arith.divsi %add3A_878, %jit3A_879 : i32
      %sign3A_881 = arith.constant 0 : i32
      %sign3A_882 = arith.cmpi sgt, %add3A_878, %sign3A_881 : i32
      %sign3A_883 = arith.extui %sign3A_882 : i1 to i32
      %sign3A_884 = arith.constant 0 : i32
      %sign3A_885 = arith.cmpi slt, %add3A_878, %sign3A_884 : i32
      %sign3A_886 = arith.extui %sign3A_885 : i1 to i32
      %sign3A_887 = arith.subi %sign3A_883, %sign3A_886 : i32
      %sign3A_888 = arith.constant 0 : i32
      %sign3A_889 = arith.cmpi sgt, %jit3A_879, %sign3A_888 : i32
      %sign3A_890 = arith.extui %sign3A_889 : i1 to i32
      %sign3A_891 = arith.constant 0 : i32
      %sign3A_892 = arith.cmpi slt, %jit3A_879, %sign3A_891 : i32
      %sign3A_893 = arith.extui %sign3A_892 : i1 to i32
      %sign3A_894 = arith.subi %sign3A_890, %sign3A_893 : i32
      %ne3A_895 = arith.cmpi ne, %sign3A_887, %sign3A_894 : i32
      %rem3A_896 = arith.remsi %add3A_878, %jit3A_879 : i32
      %ne3A_897 = arith.constant 0 : i32
      %ne3A_898 = arith.cmpi ne, %rem3A_896, %ne3A_897 : i32
      %and3A_899 = arith.andi %ne3A_895, %ne3A_898 : i1
      %sub3A_900 = arith.constant 1 : i32
      %sub3A_901 = arith.subi %div3A_880, %sub3A_900 : i32
      %select_n3A_902 = arith.select %and3A_899, %sub3A_901, %div3A_880 : i32
      %mul3A_903 = arith.constant 8 : i32
      %mul3A_904 = arith.muli %select_n3A_902, %mul3A_903 : i32
      %jit3A_905 = arith.constant 8 : i32
      %eq3A_906 = arith.constant 0 : i32
      %eq3A_907 = arith.cmpi eq, %jit3A_905, %eq3A_906 : i32
      %jit3A_908 = arith.constant 1 : i32
      %select_n3A_909 = arith.select %eq3A_907, %jit3A_908, %jit3A_905 : i32
      %rem3A_910 = arith.remsi %add3A_731, %select_n3A_909 : i32
      %ne3A_911 = arith.constant 0 : i32
      %ne3A_912 = arith.cmpi ne, %rem3A_910, %ne3A_911 : i32
      %lt3A_913 = arith.constant 0 : i32
      %lt3A_914 = arith.cmpi slt, %rem3A_910, %lt3A_913 : i32
      %lt3A_915 = arith.constant 0 : i32
      %lt3A_916 = arith.cmpi slt, %select_n3A_909, %lt3A_915 : i32
      %ne3A_917 = arith.xori %lt3A_914, %lt3A_916 : i1
      %and3A_918 = arith.andi %ne3A_917, %ne3A_912 : i1
      %add3A_919 = arith.addi %rem3A_910, %select_n3A_909 : i32
      %select_n3A_920 = arith.select %and3A_918, %add3A_919, %rem3A_910 : i32
      %add3A_921 = arith.addi %mul3A_904, %select_n3A_920 : i32
      %mul3A_922 = arith.constant 512 : i32
      %mul3A_923 = arith.muli %add3A_921, %mul3A_922 : i32
      %add3A_924 = arith.constant 128 : i32
      %add3A_925 = arith.addi %mul3A_923, %add3A_924 : i32
      %jit3A_926 = arith.constant 128 : i32
      %eq3A_927 = arith.constant 0 : i32
      %eq3A_928 = arith.cmpi eq, %jit3A_926, %eq3A_927 : i32
      %jit3A_929 = arith.constant 1 : i32
      %select_n3A_930 = arith.select %eq3A_928, %jit3A_929, %jit3A_926 : i32
      %rem3A_931 = arith.remsi %add3A_878, %select_n3A_930 : i32
      %ne3A_932 = arith.constant 0 : i32
      %ne3A_933 = arith.cmpi ne, %rem3A_931, %ne3A_932 : i32
      %lt3A_934 = arith.constant 0 : i32
      %lt3A_935 = arith.cmpi slt, %rem3A_931, %lt3A_934 : i32
      %lt3A_936 = arith.constant 0 : i32
      %lt3A_937 = arith.cmpi slt, %select_n3A_930, %lt3A_936 : i32
      %ne3A_938 = arith.xori %lt3A_935, %lt3A_937 : i1
      %and3A_939 = arith.andi %ne3A_938, %ne3A_933 : i1
      %add3A_940 = arith.addi %rem3A_931, %select_n3A_930 : i32
      %select_n3A_941 = arith.select %and3A_939, %add3A_940, %rem3A_931 : i32
      %add3A_942 = arith.addi %add3A_925, %select_n3A_941 : i32
      %dma_start3A_943 = arith.constant 1024 : i32
      %dma_start3A_944 = tpu.memref_slice %arg8[%dma_start3A_943] : memref<4096xf32, #tpu.memory_space<vmem>> -> memref<1024xf32, #tpu.memory_space<vmem>>
      %dma_start3A_945 = arith.constant 0 : i32
      %dma_start3A_946 = tpu.memref_slice %arg4[%add3A_942, %dma_start3A_945] : memref<102400x1024xf32, #tpu.memory_space<hbm>> -> memref<1x1024xf32, #tpu.memory_space<hbm>>
      %dma_start3A_947 = tpu.memref_squeeze %dma_start3A_946 : memref<1x1024xf32, #tpu.memory_space<hbm>> -> memref<1024xf32, #tpu.memory_space<hbm>>
      %dma_start3A_948 = arith.constant 0 : i32
      %dma_start3A_949 = tpu.memref_slice %arg4[%add3A_942, %dma_start3A_948] : memref<102400x1024xf32, #tpu.memory_space<hbm>> -> memref<1x1024xf32, #tpu.memory_space<hbm>>
      %dma_start3A_950 = tpu.memref_squeeze %dma_start3A_949 : memref<1x1024xf32, #tpu.memory_space<hbm>> -> memref<1024xf32, #tpu.memory_space<hbm>>
      %dma_start3A_951 = arith.constant 1024 : i32
      %dma_start3A_952 = tpu.memref_slice %arg8[%dma_start3A_951] : memref<4096xf32, #tpu.memory_space<vmem>> -> memref<1024xf32, #tpu.memory_space<vmem>>
      tpu.enqueue_dma source(%dma_start3A_952 : memref<1024xf32, #tpu.memory_space<vmem>>) target(%dma_start3A_950 : memref<1024xf32, #tpu.memory_space<hbm>>) target_semaphore(%arg12 : memref<!tpu.dma_semaphore, #tpu.memory_space<semaphore_mem>>)
      %jit3A_953 = arith.constant 8 : i32
      %div3A_954 = arith.divsi %add3A_731, %jit3A_953 : i32
      %sign3A_955 = arith.constant 0 : i32
      %sign3A_956 = arith.cmpi sgt, %add3A_731, %sign3A_955 : i32
      %sign3A_957 = arith.extui %sign3A_956 : i1 to i32
      %sign3A_958 = arith.constant 0 : i32
      %sign3A_959 = arith.cmpi slt, %add3A_731, %sign3A_958 : i32
      %sign3A_960 = arith.extui %sign3A_959 : i1 to i32
      %sign3A_961 = arith.subi %sign3A_957, %sign3A_960 : i32
      %sign3A_962 = arith.constant 0 : i32
      %sign3A_963 = arith.cmpi sgt, %jit3A_953, %sign3A_962 : i32
      %sign3A_964 = arith.extui %sign3A_963 : i1 to i32
      %sign3A_965 = arith.constant 0 : i32
      %sign3A_966 = arith.cmpi slt, %jit3A_953, %sign3A_965 : i32
      %sign3A_967 = arith.extui %sign3A_966 : i1 to i32
      %sign3A_968 = arith.subi %sign3A_964, %sign3A_967 : i32
      %ne3A_969 = arith.cmpi ne, %sign3A_961, %sign3A_968 : i32
      %rem3A_970 = arith.remsi %add3A_731, %jit3A_953 : i32
      %ne3A_971 = arith.constant 0 : i32
      %ne3A_972 = arith.cmpi ne, %rem3A_970, %ne3A_971 : i32
      %and3A_973 = arith.andi %ne3A_969, %ne3A_972 : i1
      %sub3A_974 = arith.constant 1 : i32
      %sub3A_975 = arith.subi %div3A_954, %sub3A_974 : i32
      %select_n3A_976 = arith.select %and3A_973, %sub3A_975, %div3A_954 : i32
      %add3A_977 = arith.addi %mul3A_2, %select_n3A_976 : i32
      %jit3A_978 = arith.constant 128 : i32
      %div3A_979 = arith.divsi %add3A_977, %jit3A_978 : i32
      %sign3A_980 = arith.constant 0 : i32
      %sign3A_981 = arith.cmpi sgt, %add3A_977, %sign3A_980 : i32
      %sign3A_982 = arith.extui %sign3A_981 : i1 to i32
      %sign3A_983 = arith.constant 0 : i32
      %sign3A_984 = arith.cmpi slt, %add3A_977, %sign3A_983 : i32
      %sign3A_985 = arith.extui %sign3A_984 : i1 to i32
      %sign3A_986 = arith.subi %sign3A_982, %sign3A_985 : i32
      %sign3A_987 = arith.constant 0 : i32
      %sign3A_988 = arith.cmpi sgt, %jit3A_978, %sign3A_987 : i32
      %sign3A_989 = arith.extui %sign3A_988 : i1 to i32
      %sign3A_990 = arith.constant 0 : i32
      %sign3A_991 = arith.cmpi slt, %jit3A_978, %sign3A_990 : i32
      %sign3A_992 = arith.extui %sign3A_991 : i1 to i32
      %sign3A_993 = arith.subi %sign3A_989, %sign3A_992 : i32
      %ne3A_994 = arith.cmpi ne, %sign3A_986, %sign3A_993 : i32
      %rem3A_995 = arith.remsi %add3A_977, %jit3A_978 : i32
      %ne3A_996 = arith.constant 0 : i32
      %ne3A_997 = arith.cmpi ne, %rem3A_995, %ne3A_996 : i32
      %and3A_998 = arith.andi %ne3A_994, %ne3A_997 : i1
      %sub3A_999 = arith.constant 1 : i32
      %sub3A_1000 = arith.subi %div3A_979, %sub3A_999 : i32
      %select_n3A_1001 = arith.select %and3A_998, %sub3A_1000, %div3A_979 : i32
      %mul3A_1002 = arith.constant 8 : i32
      %mul3A_1003 = arith.muli %select_n3A_1001, %mul3A_1002 : i32
      %jit3A_1004 = arith.constant 8 : i32
      %eq3A_1005 = arith.constant 0 : i32
      %eq3A_1006 = arith.cmpi eq, %jit3A_1004, %eq3A_1005 : i32
      %jit3A_1007 = arith.constant 1 : i32
      %select_n3A_1008 = arith.select %eq3A_1006, %jit3A_1007, %jit3A_1004 : i32
      %rem3A_1009 = arith.remsi %add3A_731, %select_n3A_1008 : i32
      %ne3A_1010 = arith.constant 0 : i32
      %ne3A_1011 = arith.cmpi ne, %rem3A_1009, %ne3A_1010 : i32
      %lt3A_1012 = arith.constant 0 : i32
      %lt3A_1013 = arith.cmpi slt, %rem3A_1009, %lt3A_1012 : i32
      %lt3A_1014 = arith.constant 0 : i32
      %lt3A_1015 = arith.cmpi slt, %select_n3A_1008, %lt3A_1014 : i32
      %ne3A_1016 = arith.xori %lt3A_1013, %lt3A_1015 : i1
      %and3A_1017 = arith.andi %ne3A_1016, %ne3A_1011 : i1
      %add3A_1018 = arith.addi %rem3A_1009, %select_n3A_1008 : i32
      %select_n3A_1019 = arith.select %and3A_1017, %add3A_1018, %rem3A_1009 : i32
      %add3A_1020 = arith.addi %mul3A_1003, %select_n3A_1019 : i32
      %mul3A_1021 = arith.constant 512 : i32
      %mul3A_1022 = arith.muli %add3A_1020, %mul3A_1021 : i32
      %add3A_1023 = arith.constant 256 : i32
      %add3A_1024 = arith.addi %mul3A_1022, %add3A_1023 : i32
      %jit3A_1025 = arith.constant 128 : i32
      %eq3A_1026 = arith.constant 0 : i32
      %eq3A_1027 = arith.cmpi eq, %jit3A_1025, %eq3A_1026 : i32
      %jit3A_1028 = arith.constant 1 : i32
      %select_n3A_1029 = arith.select %eq3A_1027, %jit3A_1028, %jit3A_1025 : i32
      %rem3A_1030 = arith.remsi %add3A_977, %select_n3A_1029 : i32
      %ne3A_1031 = arith.constant 0 : i32
      %ne3A_1032 = arith.cmpi ne, %rem3A_1030, %ne3A_1031 : i32
      %lt3A_1033 = arith.constant 0 : i32
      %lt3A_1034 = arith.cmpi slt, %rem3A_1030, %lt3A_1033 : i32
      %lt3A_1035 = arith.constant 0 : i32
      %lt3A_1036 = arith.cmpi slt, %select_n3A_1029, %lt3A_1035 : i32
      %ne3A_1037 = arith.xori %lt3A_1034, %lt3A_1036 : i1
      %and3A_1038 = arith.andi %ne3A_1037, %ne3A_1032 : i1
      %add3A_1039 = arith.addi %rem3A_1030, %select_n3A_1029 : i32
      %select_n3A_1040 = arith.select %and3A_1038, %add3A_1039, %rem3A_1030 : i32
      %add3A_1041 = arith.addi %add3A_1024, %select_n3A_1040 : i32
      %dma_start3A_1042 = arith.constant 2048 : i32
      %dma_start3A_1043 = tpu.memref_slice %arg8[%dma_start3A_1042] : memref<4096xf32, #tpu.memory_space<vmem>> -> memref<1024xf32, #tpu.memory_space<vmem>>
      %dma_start3A_1044 = arith.constant 0 : i32
      %dma_start3A_1045 = tpu.memref_slice %arg4[%add3A_1041, %dma_start3A_1044] : memref<102400x1024xf32, #tpu.memory_space<hbm>> -> memref<1x1024xf32, #tpu.memory_space<hbm>>
      %dma_start3A_1046 = tpu.memref_squeeze %dma_start3A_1045 : memref<1x1024xf32, #tpu.memory_space<hbm>> -> memref<1024xf32, #tpu.memory_space<hbm>>
      %dma_start3A_1047 = arith.constant 0 : i32
      %dma_start3A_1048 = tpu.memref_slice %arg4[%add3A_1041, %dma_start3A_1047] : memref<102400x1024xf32, #tpu.memory_space<hbm>> -> memref<1x1024xf32, #tpu.memory_space<hbm>>
      %dma_start3A_1049 = tpu.memref_squeeze %dma_start3A_1048 : memref<1x1024xf32, #tpu.memory_space<hbm>> -> memref<1024xf32, #tpu.memory_space<hbm>>
      %dma_start3A_1050 = arith.constant 2048 : i32
      %dma_start3A_1051 = tpu.memref_slice %arg8[%dma_start3A_1050] : memref<4096xf32, #tpu.memory_space<vmem>> -> memref<1024xf32, #tpu.memory_space<vmem>>
      tpu.enqueue_dma source(%dma_start3A_1051 : memref<1024xf32, #tpu.memory_space<vmem>>) target(%dma_start3A_1049 : memref<1024xf32, #tpu.memory_space<hbm>>) target_semaphore(%arg12 : memref<!tpu.dma_semaphore, #tpu.memory_space<semaphore_mem>>)
      %jit3A_1052 = arith.constant 8 : i32
      %div3A_1053 = arith.divsi %add3A_731, %jit3A_1052 : i32
      %sign3A_1054 = arith.constant 0 : i32
      %sign3A_1055 = arith.cmpi sgt, %add3A_731, %sign3A_1054 : i32
      %sign3A_1056 = arith.extui %sign3A_1055 : i1 to i32
      %sign3A_1057 = arith.constant 0 : i32
      %sign3A_1058 = arith.cmpi slt, %add3A_731, %sign3A_1057 : i32
      %sign3A_1059 = arith.extui %sign3A_1058 : i1 to i32
      %sign3A_1060 = arith.subi %sign3A_1056, %sign3A_1059 : i32
      %sign3A_1061 = arith.constant 0 : i32
      %sign3A_1062 = arith.cmpi sgt, %jit3A_1052, %sign3A_1061 : i32
      %sign3A_1063 = arith.extui %sign3A_1062 : i1 to i32
      %sign3A_1064 = arith.constant 0 : i32
      %sign3A_1065 = arith.cmpi slt, %jit3A_1052, %sign3A_1064 : i32
      %sign3A_1066 = arith.extui %sign3A_1065 : i1 to i32
      %sign3A_1067 = arith.subi %sign3A_1063, %sign3A_1066 : i32
      %ne3A_1068 = arith.cmpi ne, %sign3A_1060, %sign3A_1067 : i32
      %rem3A_1069 = arith.remsi %add3A_731, %jit3A_1052 : i32
      %ne3A_1070 = arith.constant 0 : i32
      %ne3A_1071 = arith.cmpi ne, %rem3A_1069, %ne3A_1070 : i32
      %and3A_1072 = arith.andi %ne3A_1068, %ne3A_1071 : i1
      %sub3A_1073 = arith.constant 1 : i32
      %sub3A_1074 = arith.subi %div3A_1053, %sub3A_1073 : i32
      %select_n3A_1075 = arith.select %and3A_1072, %sub3A_1074, %div3A_1053 : i32
      %add3A_1076 = arith.addi %mul3A_2, %select_n3A_1075 : i32
      %jit3A_1077 = arith.constant 128 : i32
      %div3A_1078 = arith.divsi %add3A_1076, %jit3A_1077 : i32
      %sign3A_1079 = arith.constant 0 : i32
      %sign3A_1080 = arith.cmpi sgt, %add3A_1076, %sign3A_1079 : i32
      %sign3A_1081 = arith.extui %sign3A_1080 : i1 to i32
      %sign3A_1082 = arith.constant 0 : i32
      %sign3A_1083 = arith.cmpi slt, %add3A_1076, %sign3A_1082 : i32
      %sign3A_1084 = arith.extui %sign3A_1083 : i1 to i32
      %sign3A_1085 = arith.subi %sign3A_1081, %sign3A_1084 : i32
      %sign3A_1086 = arith.constant 0 : i32
      %sign3A_1087 = arith.cmpi sgt, %jit3A_1077, %sign3A_1086 : i32
      %sign3A_1088 = arith.extui %sign3A_1087 : i1 to i32
      %sign3A_1089 = arith.constant 0 : i32
      %sign3A_1090 = arith.cmpi slt, %jit3A_1077, %sign3A_1089 : i32
      %sign3A_1091 = arith.extui %sign3A_1090 : i1 to i32
      %sign3A_1092 = arith.subi %sign3A_1088, %sign3A_1091 : i32
      %ne3A_1093 = arith.cmpi ne, %sign3A_1085, %sign3A_1092 : i32
      %rem3A_1094 = arith.remsi %add3A_1076, %jit3A_1077 : i32
      %ne3A_1095 = arith.constant 0 : i32
      %ne3A_1096 = arith.cmpi ne, %rem3A_1094, %ne3A_1095 : i32
      %and3A_1097 = arith.andi %ne3A_1093, %ne3A_1096 : i1
      %sub3A_1098 = arith.constant 1 : i32
      %sub3A_1099 = arith.subi %div3A_1078, %sub3A_1098 : i32
      %select_n3A_1100 = arith.select %and3A_1097, %sub3A_1099, %div3A_1078 : i32
      %mul3A_1101 = arith.constant 8 : i32
      %mul3A_1102 = arith.muli %select_n3A_1100, %mul3A_1101 : i32
      %jit3A_1103 = arith.constant 8 : i32
      %eq3A_1104 = arith.constant 0 : i32
      %eq3A_1105 = arith.cmpi eq, %jit3A_1103, %eq3A_1104 : i32
      %jit3A_1106 = arith.constant 1 : i32
      %select_n3A_1107 = arith.select %eq3A_1105, %jit3A_1106, %jit3A_1103 : i32
      %rem3A_1108 = arith.remsi %add3A_731, %select_n3A_1107 : i32
      %ne3A_1109 = arith.constant 0 : i32
      %ne3A_1110 = arith.cmpi ne, %rem3A_1108, %ne3A_1109 : i32
      %lt3A_1111 = arith.constant 0 : i32
      %lt3A_1112 = arith.cmpi slt, %rem3A_1108, %lt3A_1111 : i32
      %lt3A_1113 = arith.constant 0 : i32
      %lt3A_1114 = arith.cmpi slt, %select_n3A_1107, %lt3A_1113 : i32
      %ne3A_1115 = arith.xori %lt3A_1112, %lt3A_1114 : i1
      %and3A_1116 = arith.andi %ne3A_1115, %ne3A_1110 : i1
      %add3A_1117 = arith.addi %rem3A_1108, %select_n3A_1107 : i32
      %select_n3A_1118 = arith.select %and3A_1116, %add3A_1117, %rem3A_1108 : i32
      %add3A_1119 = arith.addi %mul3A_1102, %select_n3A_1118 : i32
      %mul3A_1120 = arith.constant 512 : i32
      %mul3A_1121 = arith.muli %add3A_1119, %mul3A_1120 : i32
      %add3A_1122 = arith.constant 384 : i32
      %add3A_1123 = arith.addi %mul3A_1121, %add3A_1122 : i32
      %jit3A_1124 = arith.constant 128 : i32
      %eq3A_1125 = arith.constant 0 : i32
      %eq3A_1126 = arith.cmpi eq, %jit3A_1124, %eq3A_1125 : i32
      %jit3A_1127 = arith.constant 1 : i32
      %select_n3A_1128 = arith.select %eq3A_1126, %jit3A_1127, %jit3A_1124 : i32
      %rem3A_1129 = arith.remsi %add3A_1076, %select_n3A_1128 : i32
      %ne3A_1130 = arith.constant 0 : i32
      %ne3A_1131 = arith.cmpi ne, %rem3A_1129, %ne3A_1130 : i32
      %lt3A_1132 = arith.constant 0 : i32
      %lt3A_1133 = arith.cmpi slt, %rem3A_1129, %lt3A_1132 : i32
      %lt3A_1134 = arith.constant 0 : i32
      %lt3A_1135 = arith.cmpi slt, %select_n3A_1128, %lt3A_1134 : i32
      %ne3A_1136 = arith.xori %lt3A_1133, %lt3A_1135 : i1
      %and3A_1137 = arith.andi %ne3A_1136, %ne3A_1131 : i1
      %add3A_1138 = arith.addi %rem3A_1129, %select_n3A_1128 : i32
      %select_n3A_1139 = arith.select %and3A_1137, %add3A_1138, %rem3A_1129 : i32
      %add3A_1140 = arith.addi %add3A_1123, %select_n3A_1139 : i32
      %dma_start3A_1141 = arith.constant 3072 : i32
      %dma_start3A_1142 = tpu.memref_slice %arg8[%dma_start3A_1141] : memref<4096xf32, #tpu.memory_space<vmem>> -> memref<1024xf32, #tpu.memory_space<vmem>>
      %dma_start3A_1143 = arith.constant 0 : i32
      %dma_start3A_1144 = tpu.memref_slice %arg4[%add3A_1140, %dma_start3A_1143] : memref<102400x1024xf32, #tpu.memory_space<hbm>> -> memref<1x1024xf32, #tpu.memory_space<hbm>>
      %dma_start3A_1145 = tpu.memref_squeeze %dma_start3A_1144 : memref<1x1024xf32, #tpu.memory_space<hbm>> -> memref<1024xf32, #tpu.memory_space<hbm>>
      %dma_start3A_1146 = arith.constant 0 : i32
      %dma_start3A_1147 = tpu.memref_slice %arg4[%add3A_1140, %dma_start3A_1146] : memref<102400x1024xf32, #tpu.memory_space<hbm>> -> memref<1x1024xf32, #tpu.memory_space<hbm>>
      %dma_start3A_1148 = tpu.memref_squeeze %dma_start3A_1147 : memref<1x1024xf32, #tpu.memory_space<hbm>> -> memref<1024xf32, #tpu.memory_space<hbm>>
      %dma_start3A_1149 = arith.constant 3072 : i32
      %dma_start3A_1150 = tpu.memref_slice %arg8[%dma_start3A_1149] : memref<4096xf32, #tpu.memory_space<vmem>> -> memref<1024xf32, #tpu.memory_space<vmem>>
      tpu.enqueue_dma source(%dma_start3A_1150 : memref<1024xf32, #tpu.memory_space<vmem>>) target(%dma_start3A_1148 : memref<1024xf32, #tpu.memory_space<hbm>>) target_semaphore(%arg12 : memref<!tpu.dma_semaphore, #tpu.memory_space<semaphore_mem>>)
      %mul3A_1151 = arith.constant 2 : i32
      %mul3A_1152 = arith.muli %mul3A_1151, %scan3A_727 : i32
      %add3A_1153 = arith.constant 1 : i32
      %add3A_1154 = arith.addi %mul3A_1152, %add3A_1153 : i32
      %dma_wait3A_1155 = arith.constant 0 : i32
      %dma_wait3A_1156 = arith.constant 0 : i32
      %dma_wait3A_1157 = arith.constant 0 : i32
      %dma_wait3A_1158 = arith.constant 0 : i32
      %dma_wait3A_1159 = tpu.memref_slice %arg5[%dma_wait3A_1155, %dma_wait3A_1157, %dma_wait3A_1158] : memref<2x8x128xi32, #tpu.memory_space<vmem>> -> memref<1x8x128xi32, #tpu.memory_space<vmem>>
      %dma_wait3A_1160 = tpu.memref_squeeze %dma_wait3A_1159 : memref<1x8x128xi32, #tpu.memory_space<vmem>> -> memref<8x128xi32, #tpu.memory_space<vmem>>
      %dma_wait3A_1161 = arith.constant 0 : i32
      %dma_wait3A_1162 = tpu.memref_slice %dma_wait3A_1160[%dma_wait3A_1156, %dma_wait3A_1161] : memref<8x128xi32, #tpu.memory_space<vmem>> -> memref<1x128xi32, #tpu.memory_space<vmem>>
      %dma_wait3A_1163 = tpu.memref_squeeze %dma_wait3A_1162 : memref<1x128xi32, #tpu.memory_space<vmem>> -> memref<128xi32, #tpu.memory_space<vmem>>
      %dma_wait3A_1164 = arith.constant 0 : i32
      %dma_wait3A_1165 = arith.constant 0 : i32
      %dma_wait3A_1166 = tpu.memref_slice %arg2[%dma_wait3A_1164, %dma_wait3A_1165] : memref<1000000x32xf32, #tpu.memory_space<hbm>> -> memref<1000000x32xf32, #tpu.memory_space<hbm>>
      tpu.wait_indirect_dma semaphore(%arg11 : memref<!tpu.dma_semaphore, #tpu.memory_space<semaphore_mem>>) src(%dma_wait3A_1166 : memref<1000000x32xf32, #tpu.memory_space<hbm>>) dst(%arg7 : memref<128x32xf32, #tpu.memory_space<vmem>>)
      %add3A_1167 = arith.constant 1 : i32
      %add3A_1168 = arith.addi %add3A_1154, %add3A_1167 : i32
      %lt3A_1169 = arith.constant 800 : i32
      %lt3A_1170 = arith.cmpi slt, %add3A_1168, %lt3A_1169 : i32
      %convert_element_type3A_1171 = arith.extui %lt3A_1170 : i1 to i32
      %cond3A_1172 = arith.constant 0 : i32
      %cond3A_1173 = arith.cmpi ne, %convert_element_type3A_1171, %cond3A_1172 : i32
      scf.if %cond3A_1173 {
        %add3A_1578 = arith.constant 1 : i32
        %add3A_1579 = arith.addi %add3A_1154, %add3A_1578 : i32
        %jit3A_1580 = arith.constant 8 : i32
        %div3A_1581 = arith.divsi %add3A_1579, %jit3A_1580 : i32
        %sign3A_1582 = arith.constant 0 : i32
        %sign3A_1583 = arith.cmpi sgt, %add3A_1579, %sign3A_1582 : i32
        %sign3A_1584 = arith.extui %sign3A_1583 : i1 to i32
        %sign3A_1585 = arith.constant 0 : i32
        %sign3A_1586 = arith.cmpi slt, %add3A_1579, %sign3A_1585 : i32
        %sign3A_1587 = arith.extui %sign3A_1586 : i1 to i32
        %sign3A_1588 = arith.subi %sign3A_1584, %sign3A_1587 : i32
        %sign3A_1589 = arith.constant 0 : i32
        %sign3A_1590 = arith.cmpi sgt, %jit3A_1580, %sign3A_1589 : i32
        %sign3A_1591 = arith.extui %sign3A_1590 : i1 to i32
        %sign3A_1592 = arith.constant 0 : i32
        %sign3A_1593 = arith.cmpi slt, %jit3A_1580, %sign3A_1592 : i32
        %sign3A_1594 = arith.extui %sign3A_1593 : i1 to i32
        %sign3A_1595 = arith.subi %sign3A_1591, %sign3A_1594 : i32
        %ne3A_1596 = arith.cmpi ne, %sign3A_1588, %sign3A_1595 : i32
        %rem3A_1597 = arith.remsi %add3A_1579, %jit3A_1580 : i32
        %ne3A_1598 = arith.constant 0 : i32
        %ne3A_1599 = arith.cmpi ne, %rem3A_1597, %ne3A_1598 : i32
        %and3A_1600 = arith.andi %ne3A_1596, %ne3A_1599 : i1
        %sub3A_1601 = arith.constant 1 : i32
        %sub3A_1602 = arith.subi %div3A_1581, %sub3A_1601 : i32
        %select_n3A_1603 = arith.select %and3A_1600, %sub3A_1602, %div3A_1581 : i32
        %add3A_1604 = arith.constant 1 : i32
        %add3A_1605 = arith.addi %add3A_1154, %add3A_1604 : i32
        %jit3A_1606 = arith.constant 8 : i32
        %eq3A_1607 = arith.constant 0 : i32
        %eq3A_1608 = arith.cmpi eq, %jit3A_1606, %eq3A_1607 : i32
        %jit3A_1609 = arith.constant 1 : i32
        %select_n3A_1610 = arith.select %eq3A_1608, %jit3A_1609, %jit3A_1606 : i32
        %rem3A_1611 = arith.remsi %add3A_1605, %select_n3A_1610 : i32
        %ne3A_1612 = arith.constant 0 : i32
        %ne3A_1613 = arith.cmpi ne, %rem3A_1611, %ne3A_1612 : i32
        %lt3A_1614 = arith.constant 0 : i32
        %lt3A_1615 = arith.cmpi slt, %rem3A_1611, %lt3A_1614 : i32
        %lt3A_1616 = arith.constant 0 : i32
        %lt3A_1617 = arith.cmpi slt, %select_n3A_1610, %lt3A_1616 : i32
        %ne3A_1618 = arith.xori %lt3A_1615, %lt3A_1617 : i1
        %and3A_1619 = arith.andi %ne3A_1618, %ne3A_1613 : i1
        %add3A_1620 = arith.addi %rem3A_1611, %select_n3A_1610 : i32
        %select_n3A_1621 = arith.select %and3A_1619, %add3A_1620, %rem3A_1611 : i32
        %eq3A_1622 = arith.constant 0 : i32
        %eq3A_1623 = arith.cmpi eq, %select_n3A_1621, %eq3A_1622 : i32
        %convert_element_type3A_1624 = arith.extui %eq3A_1623 : i1 to i32
        %cond3A_1625 = arith.constant 0 : i32
        %cond3A_1626 = arith.cmpi ne, %convert_element_type3A_1624, %cond3A_1625 : i32
        scf.if %cond3A_1626 {
          %add3A_1653 = arith.constant 0 : i32
          %add3A_1654 = arith.addi %mul3A_2, %add3A_1653 : i32
          %jit3A_1655 = arith.constant 128 : i32
          %div3A_1656 = arith.divsi %add3A_1654, %jit3A_1655 : i32
          %sign3A_1657 = arith.constant 0 : i32
          %sign3A_1658 = arith.cmpi sgt, %add3A_1654, %sign3A_1657 : i32
          %sign3A_1659 = arith.extui %sign3A_1658 : i1 to i32
          %sign3A_1660 = arith.constant 0 : i32
          %sign3A_1661 = arith.cmpi slt, %add3A_1654, %sign3A_1660 : i32
          %sign3A_1662 = arith.extui %sign3A_1661 : i1 to i32
          %sign3A_1663 = arith.subi %sign3A_1659, %sign3A_1662 : i32
          %sign3A_1664 = arith.constant 0 : i32
          %sign3A_1665 = arith.cmpi sgt, %jit3A_1655, %sign3A_1664 : i32
          %sign3A_1666 = arith.extui %sign3A_1665 : i1 to i32
          %sign3A_1667 = arith.constant 0 : i32
          %sign3A_1668 = arith.cmpi slt, %jit3A_1655, %sign3A_1667 : i32
          %sign3A_1669 = arith.extui %sign3A_1668 : i1 to i32
          %sign3A_1670 = arith.subi %sign3A_1666, %sign3A_1669 : i32
          %ne3A_1671 = arith.cmpi ne, %sign3A_1663, %sign3A_1670 : i32
          %rem3A_1672 = arith.remsi %add3A_1654, %jit3A_1655 : i32
          %ne3A_1673 = arith.constant 0 : i32
          %ne3A_1674 = arith.cmpi ne, %rem3A_1672, %ne3A_1673 : i32
          %and3A_1675 = arith.andi %ne3A_1671, %ne3A_1674 : i1
          %sub3A_1676 = arith.constant 1 : i32
          %sub3A_1677 = arith.subi %div3A_1656, %sub3A_1676 : i32
          %select_n3A_1678 = arith.select %and3A_1675, %sub3A_1677, %div3A_1656 : i32
          %jit3A_1679 = arith.constant 128 : i32
          %eq3A_1680 = arith.constant 0 : i32
          %eq3A_1681 = arith.cmpi eq, %jit3A_1679, %eq3A_1680 : i32
          %jit3A_1682 = arith.constant 1 : i32
          %select_n3A_1683 = arith.select %eq3A_1681, %jit3A_1682, %jit3A_1679 : i32
          %rem3A_1684 = arith.remsi %add3A_1654, %select_n3A_1683 : i32
          %ne3A_1685 = arith.constant 0 : i32
          %ne3A_1686 = arith.cmpi ne, %rem3A_1684, %ne3A_1685 : i32
          %lt3A_1687 = arith.constant 0 : i32
          %lt3A_1688 = arith.cmpi slt, %rem3A_1684, %lt3A_1687 : i32
          %lt3A_1689 = arith.constant 0 : i32
          %lt3A_1690 = arith.cmpi slt, %select_n3A_1683, %lt3A_1689 : i32
          %ne3A_1691 = arith.xori %lt3A_1688, %lt3A_1690 : i1
          %and3A_1692 = arith.andi %ne3A_1691, %ne3A_1686 : i1
          %add3A_1693 = arith.addi %rem3A_1684, %select_n3A_1683 : i32
          %select_n3A_1694 = arith.select %and3A_1692, %add3A_1693, %rem3A_1684 : i32
          %dma_wait3A_1695 = arith.constant 0 : i32
          %dma_wait3A_1696 = arith.constant 0 : i32
          %dma_wait3A_1697 = arith.constant 0 : i32
          %dma_wait3A_1698 = tpu.memref_slice %arg5[%dma_wait3A_1695, %dma_wait3A_1696, %dma_wait3A_1697] : memref<2x8x128xi32, #tpu.memory_space<vmem>> -> memref<1x8x128xi32, #tpu.memory_space<vmem>>
          %dma_wait3A_1699 = tpu.memref_squeeze %dma_wait3A_1698 : memref<1x8x128xi32, #tpu.memory_space<vmem>> -> memref<8x128xi32, #tpu.memory_space<vmem>>
          %dma_wait3A_1700 = arith.constant 0 : i32
          %dma_wait3A_1701 = arith.constant 0 : i32
          %dma_wait3A_1702 = arith.constant 0 : i32
          %dma_wait3A_1703 = tpu.memref_slice %arg3[%select_n3A_1678, %dma_wait3A_1700, %dma_wait3A_1701, %dma_wait3A_1702] : memref<25x128x8x128xi32, #tpu.memory_space<hbm>> -> memref<1x128x8x128xi32, #tpu.memory_space<hbm>>
          %dma_wait3A_1704 = tpu.memref_squeeze %dma_wait3A_1703 : memref<1x128x8x128xi32, #tpu.memory_space<hbm>> -> memref<128x8x128xi32, #tpu.memory_space<hbm>>
          %dma_wait3A_1705 = arith.constant 0 : i32
          %dma_wait3A_1706 = arith.constant 0 : i32
          %dma_wait3A_1707 = tpu.memref_slice %dma_wait3A_1704[%select_n3A_1694, %dma_wait3A_1705, %dma_wait3A_1706] : memref<128x8x128xi32, #tpu.memory_space<hbm>> -> memref<1x8x128xi32, #tpu.memory_space<hbm>>
          %dma_wait3A_1708 = tpu.memref_squeeze %dma_wait3A_1707 : memref<1x8x128xi32, #tpu.memory_space<hbm>> -> memref<8x128xi32, #tpu.memory_space<hbm>>
          %dma_wait3A_1709 = arith.constant 0 : i32
          %dma_wait3A_1710 = arith.constant 0 : i32
          %dma_wait3A_1711 = tpu.memref_slice %arg5[%dma_wait3A_1695, %dma_wait3A_1709, %dma_wait3A_1710] : memref<2x8x128xi32, #tpu.memory_space<vmem>> -> memref<1x8x128xi32, #tpu.memory_space<vmem>>
          %dma_wait3A_1712 = tpu.memref_squeeze %dma_wait3A_1711 : memref<1x8x128xi32, #tpu.memory_space<vmem>> -> memref<8x128xi32, #tpu.memory_space<vmem>>
          %dma_wait3A_1713 = arith.constant 0 : i32
          %dma_wait3A_1714 = arith.constant 0 : i32
          %dma_wait3A_1715 = arith.constant 0 : i32
          %dma_wait3A_1716 = tpu.memref_slice %arg3[%select_n3A_1678, %dma_wait3A_1713, %dma_wait3A_1714, %dma_wait3A_1715] : memref<25x128x8x128xi32, #tpu.memory_space<hbm>> -> memref<1x128x8x128xi32, #tpu.memory_space<hbm>>
          %dma_wait3A_1717 = tpu.memref_squeeze %dma_wait3A_1716 : memref<1x128x8x128xi32, #tpu.memory_space<hbm>> -> memref<128x8x128xi32, #tpu.memory_space<hbm>>
          %dma_wait3A_1718 = arith.constant 0 : i32
          %dma_wait3A_1719 = arith.constant 0 : i32
          %dma_wait3A_1720 = tpu.memref_slice %dma_wait3A_1717[%select_n3A_1694, %dma_wait3A_1718, %dma_wait3A_1719] : memref<128x8x128xi32, #tpu.memory_space<hbm>> -> memref<1x8x128xi32, #tpu.memory_space<hbm>>
          %dma_wait3A_1721 = tpu.memref_squeeze %dma_wait3A_1720 : memref<1x8x128xi32, #tpu.memory_space<hbm>> -> memref<8x128xi32, #tpu.memory_space<hbm>>
          tpu.wait_dma2 semaphore(%arg10 : memref<!tpu.dma_semaphore, #tpu.memory_space<semaphore_mem>>) src(%dma_wait3A_1721 : memref<8x128xi32, #tpu.memory_space<hbm>>) dst(%dma_wait3A_1712 : memref<8x128xi32, #tpu.memory_space<vmem>>)
          %add3A_1722 = arith.constant 1 : i32
          %add3A_1723 = arith.addi %select_n3A_1603, %add3A_1722 : i32
          %lt3A_1724 = arith.constant 100 : i32
          %lt3A_1725 = arith.cmpi slt, %add3A_1723, %lt3A_1724 : i32
          %convert_element_type3A_1726 = arith.extui %lt3A_1725 : i1 to i32
          %cond3A_1727 = arith.constant 0 : i32
          %cond3A_1728 = arith.cmpi ne, %convert_element_type3A_1726, %cond3A_1727 : i32
          scf.if %cond3A_1728 {
            %add3A_1729 = arith.constant 1 : i32
            %add3A_1730 = arith.addi %select_n3A_1603, %add3A_1729 : i32
            %add3A_1731 = arith.addi %mul3A_2, %add3A_1730 : i32
            %jit3A_1732 = arith.constant 128 : i32
            %div3A_1733 = arith.divsi %add3A_1731, %jit3A_1732 : i32
            %sign3A_1734 = arith.constant 0 : i32
            %sign3A_1735 = arith.cmpi sgt, %add3A_1731, %sign3A_1734 : i32
            %sign3A_1736 = arith.extui %sign3A_1735 : i1 to i32
            %sign3A_1737 = arith.constant 0 : i32
            %sign3A_1738 = arith.cmpi slt, %add3A_1731, %sign3A_1737 : i32
            %sign3A_1739 = arith.extui %sign3A_1738 : i1 to i32
            %sign3A_1740 = arith.subi %sign3A_1736, %sign3A_1739 : i32
            %sign3A_1741 = arith.constant 0 : i32
            %sign3A_1742 = arith.cmpi sgt, %jit3A_1732, %sign3A_1741 : i32
            %sign3A_1743 = arith.extui %sign3A_1742 : i1 to i32
            %sign3A_1744 = arith.constant 0 : i32
            %sign3A_1745 = arith.cmpi slt, %jit3A_1732, %sign3A_1744 : i32
            %sign3A_1746 = arith.extui %sign3A_1745 : i1 to i32
            %sign3A_1747 = arith.subi %sign3A_1743, %sign3A_1746 : i32
            %ne3A_1748 = arith.cmpi ne, %sign3A_1740, %sign3A_1747 : i32
            %rem3A_1749 = arith.remsi %add3A_1731, %jit3A_1732 : i32
            %ne3A_1750 = arith.constant 0 : i32
            %ne3A_1751 = arith.cmpi ne, %rem3A_1749, %ne3A_1750 : i32
            %and3A_1752 = arith.andi %ne3A_1748, %ne3A_1751 : i1
            %sub3A_1753 = arith.constant 1 : i32
            %sub3A_1754 = arith.subi %div3A_1733, %sub3A_1753 : i32
            %select_n3A_1755 = arith.select %and3A_1752, %sub3A_1754, %div3A_1733 : i32
            %jit3A_1756 = arith.constant 128 : i32
            %eq3A_1757 = arith.constant 0 : i32
            %eq3A_1758 = arith.cmpi eq, %jit3A_1756, %eq3A_1757 : i32
            %jit3A_1759 = arith.constant 1 : i32
            %select_n3A_1760 = arith.select %eq3A_1758, %jit3A_1759, %jit3A_1756 : i32
            %rem3A_1761 = arith.remsi %add3A_1731, %select_n3A_1760 : i32
            %ne3A_1762 = arith.constant 0 : i32
            %ne3A_1763 = arith.cmpi ne, %rem3A_1761, %ne3A_1762 : i32
            %lt3A_1764 = arith.constant 0 : i32
            %lt3A_1765 = arith.cmpi slt, %rem3A_1761, %lt3A_1764 : i32
            %lt3A_1766 = arith.constant 0 : i32
            %lt3A_1767 = arith.cmpi slt, %select_n3A_1760, %lt3A_1766 : i32
            %ne3A_1768 = arith.xori %lt3A_1765, %lt3A_1767 : i1
            %and3A_1769 = arith.andi %ne3A_1768, %ne3A_1763 : i1
            %add3A_1770 = arith.addi %rem3A_1761, %select_n3A_1760 : i32
            %select_n3A_1771 = arith.select %and3A_1769, %add3A_1770, %rem3A_1761 : i32
            %jit3A_1772 = arith.constant 2 : i32
            %eq3A_1773 = arith.constant 0 : i32
            %eq3A_1774 = arith.cmpi eq, %jit3A_1772, %eq3A_1773 : i32
            %jit3A_1775 = arith.constant 1 : i32
            %select_n3A_1776 = arith.select %eq3A_1774, %jit3A_1775, %jit3A_1772 : i32
            %rem3A_1777 = arith.remsi %add3A_1730, %select_n3A_1776 : i32
            %ne3A_1778 = arith.constant 0 : i32
            %ne3A_1779 = arith.cmpi ne, %rem3A_1777, %ne3A_1778 : i32
            %lt3A_1780 = arith.constant 0 : i32
            %lt3A_1781 = arith.cmpi slt, %rem3A_1777, %lt3A_1780 : i32
            %lt3A_1782 = arith.constant 0 : i32
            %lt3A_1783 = arith.cmpi slt, %select_n3A_1776, %lt3A_1782 : i32
            %ne3A_1784 = arith.xori %lt3A_1781, %lt3A_1783 : i1
            %and3A_1785 = arith.andi %ne3A_1784, %ne3A_1779 : i1
            %add3A_1786 = arith.addi %rem3A_1777, %select_n3A_1776 : i32
            %select_n3A_1787 = arith.select %and3A_1785, %add3A_1786, %rem3A_1777 : i32
            %dma_start3A_1788 = arith.constant 0 : i32
            %dma_start3A_1789 = arith.constant 0 : i32
            %dma_start3A_1790 = tpu.memref_slice %arg5[%select_n3A_1787, %dma_start3A_1788, %dma_start3A_1789] : memref<2x8x128xi32, #tpu.memory_space<vmem>> -> memref<1x8x128xi32, #tpu.memory_space<vmem>>
            %dma_start3A_1791 = tpu.memref_squeeze %dma_start3A_1790 : memref<1x8x128xi32, #tpu.memory_space<vmem>> -> memref<8x128xi32, #tpu.memory_space<vmem>>
            %dma_start3A_1792 = arith.constant 0 : i32
            %dma_start3A_1793 = arith.constant 0 : i32
            %dma_start3A_1794 = arith.constant 0 : i32
            %dma_start3A_1795 = tpu.memref_slice %arg3[%select_n3A_1755, %dma_start3A_1792, %dma_start3A_1793, %dma_start3A_1794] : memref<25x128x8x128xi32, #tpu.memory_space<hbm>> -> memref<1x128x8x128xi32, #tpu.memory_space<hbm>>
            %dma_start3A_1796 = tpu.memref_squeeze %dma_start3A_1795 : memref<1x128x8x128xi32, #tpu.memory_space<hbm>> -> memref<128x8x128xi32, #tpu.memory_space<hbm>>
            %dma_start3A_1797 = arith.constant 0 : i32
            %dma_start3A_1798 = arith.constant 0 : i32
            %dma_start3A_1799 = tpu.memref_slice %dma_start3A_1796[%select_n3A_1771, %dma_start3A_1797, %dma_start3A_1798] : memref<128x8x128xi32, #tpu.memory_space<hbm>> -> memref<1x8x128xi32, #tpu.memory_space<hbm>>
            %dma_start3A_1800 = tpu.memref_squeeze %dma_start3A_1799 : memref<1x8x128xi32, #tpu.memory_space<hbm>> -> memref<8x128xi32, #tpu.memory_space<hbm>>
            %dma_start3A_1801 = arith.constant 0 : i32
            %dma_start3A_1802 = arith.constant 0 : i32
            %dma_start3A_1803 = tpu.memref_slice %arg5[%select_n3A_1787, %dma_start3A_1801, %dma_start3A_1802] : memref<2x8x128xi32, #tpu.memory_space<vmem>> -> memref<1x8x128xi32, #tpu.memory_space<vmem>>
            %dma_start3A_1804 = tpu.memref_squeeze %dma_start3A_1803 : memref<1x8x128xi32, #tpu.memory_space<vmem>> -> memref<8x128xi32, #tpu.memory_space<vmem>>
            %dma_start3A_1805 = arith.constant 0 : i32
            %dma_start3A_1806 = arith.constant 0 : i32
            %dma_start3A_1807 = arith.constant 0 : i32
            %dma_start3A_1808 = tpu.memref_slice %arg3[%select_n3A_1755, %dma_start3A_1805, %dma_start3A_1806, %dma_start3A_1807] : memref<25x128x8x128xi32, #tpu.memory_space<hbm>> -> memref<1x128x8x128xi32, #tpu.memory_space<hbm>>
            %dma_start3A_1809 = tpu.memref_squeeze %dma_start3A_1808 : memref<1x128x8x128xi32, #tpu.memory_space<hbm>> -> memref<128x8x128xi32, #tpu.memory_space<hbm>>
            %dma_start3A_1810 = arith.constant 0 : i32
            %dma_start3A_1811 = arith.constant 0 : i32
            %dma_start3A_1812 = tpu.memref_slice %dma_start3A_1809[%select_n3A_1771, %dma_start3A_1810, %dma_start3A_1811] : memref<128x8x128xi32, #tpu.memory_space<hbm>> -> memref<1x8x128xi32, #tpu.memory_space<hbm>>
            %dma_start3A_1813 = tpu.memref_squeeze %dma_start3A_1812 : memref<1x8x128xi32, #tpu.memory_space<hbm>> -> memref<8x128xi32, #tpu.memory_space<hbm>>
            tpu.enqueue_dma source(%dma_start3A_1813 : memref<8x128xi32, #tpu.memory_space<hbm>>) target(%dma_start3A_1804 : memref<8x128xi32, #tpu.memory_space<vmem>>) target_semaphore(%arg10 : memref<!tpu.dma_semaphore, #tpu.memory_space<semaphore_mem>>)
          } else {
          }
        } else {
        }
        %jit3A_1627 = arith.constant 2 : i32
        %eq3A_1628 = arith.constant 0 : i32
        %eq3A_1629 = arith.cmpi eq, %jit3A_1627, %eq3A_1628 : i32
        %jit3A_1630 = arith.constant 1 : i32
        %select_n3A_1631 = arith.select %eq3A_1629, %jit3A_1630, %jit3A_1627 : i32
        %rem3A_1632 = arith.remsi %select_n3A_1603, %select_n3A_1631 : i32
        %ne3A_1633 = arith.constant 0 : i32
        %ne3A_1634 = arith.cmpi ne, %rem3A_1632, %ne3A_1633 : i32
        %lt3A_1635 = arith.constant 0 : i32
        %lt3A_1636 = arith.cmpi slt, %rem3A_1632, %lt3A_1635 : i32
        %lt3A_1637 = arith.constant 0 : i32
        %lt3A_1638 = arith.cmpi slt, %select_n3A_1631, %lt3A_1637 : i32
        %ne3A_1639 = arith.xori %lt3A_1636, %lt3A_1638 : i1
        %and3A_1640 = arith.andi %ne3A_1639, %ne3A_1634 : i1
        %add3A_1641 = arith.addi %rem3A_1632, %select_n3A_1631 : i32
        %select_n3A_1642 = arith.select %and3A_1640, %add3A_1641, %rem3A_1632 : i32
        %dma_start3A_1643 = arith.constant 0 : i32
        %dma_start3A_1644 = arith.constant 0 : i32
        %dma_start3A_1645 = tpu.memref_slice %arg5[%select_n3A_1642, %dma_start3A_1643, %dma_start3A_1644] : memref<2x8x128xi32, #tpu.memory_space<vmem>> -> memref<1x8x128xi32, #tpu.memory_space<vmem>>
        %dma_start3A_1646 = tpu.memref_squeeze %dma_start3A_1645 : memref<1x8x128xi32, #tpu.memory_space<vmem>> -> memref<8x128xi32, #tpu.memory_space<vmem>>
        %dma_start3A_1647 = arith.constant 0 : i32
        %dma_start3A_1648 = tpu.memref_slice %dma_start3A_1646[%select_n3A_1621, %dma_start3A_1647] : memref<8x128xi32, #tpu.memory_space<vmem>> -> memref<1x128xi32, #tpu.memory_space<vmem>>
        %dma_start3A_1649 = tpu.memref_squeeze %dma_start3A_1648 : memref<1x128xi32, #tpu.memory_space<vmem>> -> memref<128xi32, #tpu.memory_space<vmem>>
        %dma_start3A_1650 = arith.constant 0 : i32
        %dma_start3A_1651 = arith.constant 0 : i32
        %dma_start3A_1652 = tpu.memref_slice %arg2[%dma_start3A_1650, %dma_start3A_1651] : memref<1000000x32xf32, #tpu.memory_space<hbm>> -> memref<1000000x32xf32, #tpu.memory_space<hbm>>
        tpu.enqueue_indirect_dma source(%dma_start3A_1652 : memref<1000000x32xf32, #tpu.memory_space<hbm>>) target(%arg6 : memref<128x32xf32, #tpu.memory_space<vmem>>) offsets(%dma_start3A_1649 : memref<128xi32, #tpu.memory_space<vmem>>) semaphore(%arg11 : memref<!tpu.dma_semaphore, #tpu.memory_space<semaphore_mem>>)
      } else {
      }
      %ge3A_1174 = arith.constant 2 : i32
      %ge3A_1175 = arith.cmpi sge, %add3A_1154, %ge3A_1174 : i32
      %convert_element_type3A_1176 = arith.extui %ge3A_1175 : i1 to i32
      %cond3A_1177 = arith.constant 0 : i32
      %cond3A_1178 = arith.cmpi ne, %convert_element_type3A_1176, %cond3A_1177 : i32
      scf.if %cond3A_1178 {
        %add3A_1578 = arith.constant 0 : i32
        %add3A_1579 = arith.addi %mul3A_2, %add3A_1578 : i32
        %jit3A_1580 = arith.constant 128 : i32
        %div3A_1581 = arith.divsi %add3A_1579, %jit3A_1580 : i32
        %sign3A_1582 = arith.constant 0 : i32
        %sign3A_1583 = arith.cmpi sgt, %add3A_1579, %sign3A_1582 : i32
        %sign3A_1584 = arith.extui %sign3A_1583 : i1 to i32
        %sign3A_1585 = arith.constant 0 : i32
        %sign3A_1586 = arith.cmpi slt, %add3A_1579, %sign3A_1585 : i32
        %sign3A_1587 = arith.extui %sign3A_1586 : i1 to i32
        %sign3A_1588 = arith.subi %sign3A_1584, %sign3A_1587 : i32
        %sign3A_1589 = arith.constant 0 : i32
        %sign3A_1590 = arith.cmpi sgt, %jit3A_1580, %sign3A_1589 : i32
        %sign3A_1591 = arith.extui %sign3A_1590 : i1 to i32
        %sign3A_1592 = arith.constant 0 : i32
        %sign3A_1593 = arith.cmpi slt, %jit3A_1580, %sign3A_1592 : i32
        %sign3A_1594 = arith.extui %sign3A_1593 : i1 to i32
        %sign3A_1595 = arith.subi %sign3A_1591, %sign3A_1594 : i32
        %ne3A_1596 = arith.cmpi ne, %sign3A_1588, %sign3A_1595 : i32
        %rem3A_1597 = arith.remsi %add3A_1579, %jit3A_1580 : i32
        %ne3A_1598 = arith.constant 0 : i32
        %ne3A_1599 = arith.cmpi ne, %rem3A_1597, %ne3A_1598 : i32
        %and3A_1600 = arith.andi %ne3A_1596, %ne3A_1599 : i1
        %sub3A_1601 = arith.constant 1 : i32
        %sub3A_1602 = arith.subi %div3A_1581, %sub3A_1601 : i32
        %select_n3A_1603 = arith.select %and3A_1600, %sub3A_1602, %div3A_1581 : i32
        %mul3A_1604 = arith.constant 8 : i32
        %mul3A_1605 = arith.muli %select_n3A_1603, %mul3A_1604 : i32
        %add3A_1606 = arith.constant 0 : i32
        %add3A_1607 = arith.addi %mul3A_1605, %add3A_1606 : i32
        %mul3A_1608 = arith.constant 512 : i32
        %mul3A_1609 = arith.muli %add3A_1607, %mul3A_1608 : i32
        %add3A_1610 = arith.constant 0 : i32
        %add3A_1611 = arith.addi %mul3A_1609, %add3A_1610 : i32
        %jit3A_1612 = arith.constant 128 : i32
        %eq3A_1613 = arith.constant 0 : i32
        %eq3A_1614 = arith.cmpi eq, %jit3A_1612, %eq3A_1613 : i32
        %jit3A_1615 = arith.constant 1 : i32
        %select_n3A_1616 = arith.select %eq3A_1614, %jit3A_1615, %jit3A_1612 : i32
        %rem3A_1617 = arith.remsi %add3A_1579, %select_n3A_1616 : i32
        %ne3A_1618 = arith.constant 0 : i32
        %ne3A_1619 = arith.cmpi ne, %rem3A_1617, %ne3A_1618 : i32
        %lt3A_1620 = arith.constant 0 : i32
        %lt3A_1621 = arith.cmpi slt, %rem3A_1617, %lt3A_1620 : i32
        %lt3A_1622 = arith.constant 0 : i32
        %lt3A_1623 = arith.cmpi slt, %select_n3A_1616, %lt3A_1622 : i32
        %ne3A_1624 = arith.xori %lt3A_1621, %lt3A_1623 : i1
        %and3A_1625 = arith.andi %ne3A_1624, %ne3A_1619 : i1
        %add3A_1626 = arith.addi %rem3A_1617, %select_n3A_1616 : i32
        %select_n3A_1627 = arith.select %and3A_1625, %add3A_1626, %rem3A_1617 : i32
        %add3A_1628 = arith.addi %add3A_1611, %select_n3A_1627 : i32
        %dma_wait3A_1629 = arith.constant 0 : i32
        %dma_wait3A_1630 = tpu.memref_slice %arg9[%dma_wait3A_1629] : memref<4096xf32, #tpu.memory_space<vmem>> -> memref<1024xf32, #tpu.memory_space<vmem>>
        %dma_wait3A_1631 = arith.constant 0 : i32
        %dma_wait3A_1632 = tpu.memref_slice %arg4[%add3A_1628, %dma_wait3A_1631] : memref<102400x1024xf32, #tpu.memory_space<hbm>> -> memref<1x1024xf32, #tpu.memory_space<hbm>>
        %dma_wait3A_1633 = tpu.memref_squeeze %dma_wait3A_1632 : memref<1x1024xf32, #tpu.memory_space<hbm>> -> memref<1024xf32, #tpu.memory_space<hbm>>
        %dma_wait3A_1634 = arith.constant 0 : i32
        %dma_wait3A_1635 = tpu.memref_slice %arg4[%add3A_1628, %dma_wait3A_1634] : memref<102400x1024xf32, #tpu.memory_space<hbm>> -> memref<1x1024xf32, #tpu.memory_space<hbm>>
        %dma_wait3A_1636 = tpu.memref_squeeze %dma_wait3A_1635 : memref<1x1024xf32, #tpu.memory_space<hbm>> -> memref<1024xf32, #tpu.memory_space<hbm>>
        %dma_wait3A_1637 = arith.constant 0 : i32
        %dma_wait3A_1638 = tpu.memref_slice %arg9[%dma_wait3A_1637] : memref<4096xf32, #tpu.memory_space<vmem>> -> memref<1024xf32, #tpu.memory_space<vmem>>
        tpu.wait_dma2 semaphore(%arg12 : memref<!tpu.dma_semaphore, #tpu.memory_space<semaphore_mem>>) src(%dma_wait3A_1638 : memref<1024xf32, #tpu.memory_space<vmem>>) dst(%dma_wait3A_1636 : memref<1024xf32, #tpu.memory_space<hbm>>)
        %add3A_1639 = arith.constant 0 : i32
        %add3A_1640 = arith.addi %mul3A_2, %add3A_1639 : i32
        %jit3A_1641 = arith.constant 128 : i32
        %div3A_1642 = arith.divsi %add3A_1640, %jit3A_1641 : i32
        %sign3A_1643 = arith.constant 0 : i32
        %sign3A_1644 = arith.cmpi sgt, %add3A_1640, %sign3A_1643 : i32
        %sign3A_1645 = arith.extui %sign3A_1644 : i1 to i32
        %sign3A_1646 = arith.constant 0 : i32
        %sign3A_1647 = arith.cmpi slt, %add3A_1640, %sign3A_1646 : i32
        %sign3A_1648 = arith.extui %sign3A_1647 : i1 to i32
        %sign3A_1649 = arith.subi %sign3A_1645, %sign3A_1648 : i32
        %sign3A_1650 = arith.constant 0 : i32
        %sign3A_1651 = arith.cmpi sgt, %jit3A_1641, %sign3A_1650 : i32
        %sign3A_1652 = arith.extui %sign3A_1651 : i1 to i32
        %sign3A_1653 = arith.constant 0 : i32
        %sign3A_1654 = arith.cmpi slt, %jit3A_1641, %sign3A_1653 : i32
        %sign3A_1655 = arith.extui %sign3A_1654 : i1 to i32
        %sign3A_1656 = arith.subi %sign3A_1652, %sign3A_1655 : i32
        %ne3A_1657 = arith.cmpi ne, %sign3A_1649, %sign3A_1656 : i32
        %rem3A_1658 = arith.remsi %add3A_1640, %jit3A_1641 : i32
        %ne3A_1659 = arith.constant 0 : i32
        %ne3A_1660 = arith.cmpi ne, %rem3A_1658, %ne3A_1659 : i32
        %and3A_1661 = arith.andi %ne3A_1657, %ne3A_1660 : i1
        %sub3A_1662 = arith.constant 1 : i32
        %sub3A_1663 = arith.subi %div3A_1642, %sub3A_1662 : i32
        %select_n3A_1664 = arith.select %and3A_1661, %sub3A_1663, %div3A_1642 : i32
        %mul3A_1665 = arith.constant 8 : i32
        %mul3A_1666 = arith.muli %select_n3A_1664, %mul3A_1665 : i32
        %add3A_1667 = arith.constant 0 : i32
        %add3A_1668 = arith.addi %mul3A_1666, %add3A_1667 : i32
        %mul3A_1669 = arith.constant 512 : i32
        %mul3A_1670 = arith.muli %add3A_1668, %mul3A_1669 : i32
        %add3A_1671 = arith.constant 128 : i32
        %add3A_1672 = arith.addi %mul3A_1670, %add3A_1671 : i32
        %jit3A_1673 = arith.constant 128 : i32
        %eq3A_1674 = arith.constant 0 : i32
        %eq3A_1675 = arith.cmpi eq, %jit3A_1673, %eq3A_1674 : i32
        %jit3A_1676 = arith.constant 1 : i32
        %select_n3A_1677 = arith.select %eq3A_1675, %jit3A_1676, %jit3A_1673 : i32
        %rem3A_1678 = arith.remsi %add3A_1640, %select_n3A_1677 : i32
        %ne3A_1679 = arith.constant 0 : i32
        %ne3A_1680 = arith.cmpi ne, %rem3A_1678, %ne3A_1679 : i32
        %lt3A_1681 = arith.constant 0 : i32
        %lt3A_1682 = arith.cmpi slt, %rem3A_1678, %lt3A_1681 : i32
        %lt3A_1683 = arith.constant 0 : i32
        %lt3A_1684 = arith.cmpi slt, %select_n3A_1677, %lt3A_1683 : i32
        %ne3A_1685 = arith.xori %lt3A_1682, %lt3A_1684 : i1
        %and3A_1686 = arith.andi %ne3A_1685, %ne3A_1680 : i1
        %add3A_1687 = arith.addi %rem3A_1678, %select_n3A_1677 : i32
        %select_n3A_1688 = arith.select %and3A_1686, %add3A_1687, %rem3A_1678 : i32
        %add3A_1689 = arith.addi %add3A_1672, %select_n3A_1688 : i32
        %dma_wait3A_1690 = arith.constant 1024 : i32
        %dma_wait3A_1691 = tpu.memref_slice %arg9[%dma_wait3A_1690] : memref<4096xf32, #tpu.memory_space<vmem>> -> memref<1024xf32, #tpu.memory_space<vmem>>
        %dma_wait3A_1692 = arith.constant 0 : i32
        %dma_wait3A_1693 = tpu.memref_slice %arg4[%add3A_1689, %dma_wait3A_1692] : memref<102400x1024xf32, #tpu.memory_space<hbm>> -> memref<1x1024xf32, #tpu.memory_space<hbm>>
        %dma_wait3A_1694 = tpu.memref_squeeze %dma_wait3A_1693 : memref<1x1024xf32, #tpu.memory_space<hbm>> -> memref<1024xf32, #tpu.memory_space<hbm>>
        %dma_wait3A_1695 = arith.constant 0 : i32
        %dma_wait3A_1696 = tpu.memref_slice %arg4[%add3A_1689, %dma_wait3A_1695] : memref<102400x1024xf32, #tpu.memory_space<hbm>> -> memref<1x1024xf32, #tpu.memory_space<hbm>>
        %dma_wait3A_1697 = tpu.memref_squeeze %dma_wait3A_1696 : memref<1x1024xf32, #tpu.memory_space<hbm>> -> memref<1024xf32, #tpu.memory_space<hbm>>
        %dma_wait3A_1698 = arith.constant 1024 : i32
        %dma_wait3A_1699 = tpu.memref_slice %arg9[%dma_wait3A_1698] : memref<4096xf32, #tpu.memory_space<vmem>> -> memref<1024xf32, #tpu.memory_space<vmem>>
        tpu.wait_dma2 semaphore(%arg12 : memref<!tpu.dma_semaphore, #tpu.memory_space<semaphore_mem>>) src(%dma_wait3A_1699 : memref<1024xf32, #tpu.memory_space<vmem>>) dst(%dma_wait3A_1697 : memref<1024xf32, #tpu.memory_space<hbm>>)
        %add3A_1700 = arith.constant 0 : i32
        %add3A_1701 = arith.addi %mul3A_2, %add3A_1700 : i32
        %jit3A_1702 = arith.constant 128 : i32
        %div3A_1703 = arith.divsi %add3A_1701, %jit3A_1702 : i32
        %sign3A_1704 = arith.constant 0 : i32
        %sign3A_1705 = arith.cmpi sgt, %add3A_1701, %sign3A_1704 : i32
        %sign3A_1706 = arith.extui %sign3A_1705 : i1 to i32
        %sign3A_1707 = arith.constant 0 : i32
        %sign3A_1708 = arith.cmpi slt, %add3A_1701, %sign3A_1707 : i32
        %sign3A_1709 = arith.extui %sign3A_1708 : i1 to i32
        %sign3A_1710 = arith.subi %sign3A_1706, %sign3A_1709 : i32
        %sign3A_1711 = arith.constant 0 : i32
        %sign3A_1712 = arith.cmpi sgt, %jit3A_1702, %sign3A_1711 : i32
        %sign3A_1713 = arith.extui %sign3A_1712 : i1 to i32
        %sign3A_1714 = arith.constant 0 : i32
        %sign3A_1715 = arith.cmpi slt, %jit3A_1702, %sign3A_1714 : i32
        %sign3A_1716 = arith.extui %sign3A_1715 : i1 to i32
        %sign3A_1717 = arith.subi %sign3A_1713, %sign3A_1716 : i32
        %ne3A_1718 = arith.cmpi ne, %sign3A_1710, %sign3A_1717 : i32
        %rem3A_1719 = arith.remsi %add3A_1701, %jit3A_1702 : i32
        %ne3A_1720 = arith.constant 0 : i32
        %ne3A_1721 = arith.cmpi ne, %rem3A_1719, %ne3A_1720 : i32
        %and3A_1722 = arith.andi %ne3A_1718, %ne3A_1721 : i1
        %sub3A_1723 = arith.constant 1 : i32
        %sub3A_1724 = arith.subi %div3A_1703, %sub3A_1723 : i32
        %select_n3A_1725 = arith.select %and3A_1722, %sub3A_1724, %div3A_1703 : i32
        %mul3A_1726 = arith.constant 8 : i32
        %mul3A_1727 = arith.muli %select_n3A_1725, %mul3A_1726 : i32
        %add3A_1728 = arith.constant 0 : i32
        %add3A_1729 = arith.addi %mul3A_1727, %add3A_1728 : i32
        %mul3A_1730 = arith.constant 512 : i32
        %mul3A_1731 = arith.muli %add3A_1729, %mul3A_1730 : i32
        %add3A_1732 = arith.constant 256 : i32
        %add3A_1733 = arith.addi %mul3A_1731, %add3A_1732 : i32
        %jit3A_1734 = arith.constant 128 : i32
        %eq3A_1735 = arith.constant 0 : i32
        %eq3A_1736 = arith.cmpi eq, %jit3A_1734, %eq3A_1735 : i32
        %jit3A_1737 = arith.constant 1 : i32
        %select_n3A_1738 = arith.select %eq3A_1736, %jit3A_1737, %jit3A_1734 : i32
        %rem3A_1739 = arith.remsi %add3A_1701, %select_n3A_1738 : i32
        %ne3A_1740 = arith.constant 0 : i32
        %ne3A_1741 = arith.cmpi ne, %rem3A_1739, %ne3A_1740 : i32
        %lt3A_1742 = arith.constant 0 : i32
        %lt3A_1743 = arith.cmpi slt, %rem3A_1739, %lt3A_1742 : i32
        %lt3A_1744 = arith.constant 0 : i32
        %lt3A_1745 = arith.cmpi slt, %select_n3A_1738, %lt3A_1744 : i32
        %ne3A_1746 = arith.xori %lt3A_1743, %lt3A_1745 : i1
        %and3A_1747 = arith.andi %ne3A_1746, %ne3A_1741 : i1
        %add3A_1748 = arith.addi %rem3A_1739, %select_n3A_1738 : i32
        %select_n3A_1749 = arith.select %and3A_1747, %add3A_1748, %rem3A_1739 : i32
        %add3A_1750 = arith.addi %add3A_1733, %select_n3A_1749 : i32
        %dma_wait3A_1751 = arith.constant 2048 : i32
        %dma_wait3A_1752 = tpu.memref_slice %arg9[%dma_wait3A_1751] : memref<4096xf32, #tpu.memory_space<vmem>> -> memref<1024xf32, #tpu.memory_space<vmem>>
        %dma_wait3A_1753 = arith.constant 0 : i32
        %dma_wait3A_1754 = tpu.memref_slice %arg4[%add3A_1750, %dma_wait3A_1753] : memref<102400x1024xf32, #tpu.memory_space<hbm>> -> memref<1x1024xf32, #tpu.memory_space<hbm>>
        %dma_wait3A_1755 = tpu.memref_squeeze %dma_wait3A_1754 : memref<1x1024xf32, #tpu.memory_space<hbm>> -> memref<1024xf32, #tpu.memory_space<hbm>>
        %dma_wait3A_1756 = arith.constant 0 : i32
        %dma_wait3A_1757 = tpu.memref_slice %arg4[%add3A_1750, %dma_wait3A_1756] : memref<102400x1024xf32, #tpu.memory_space<hbm>> -> memref<1x1024xf32, #tpu.memory_space<hbm>>
        %dma_wait3A_1758 = tpu.memref_squeeze %dma_wait3A_1757 : memref<1x1024xf32, #tpu.memory_space<hbm>> -> memref<1024xf32, #tpu.memory_space<hbm>>
        %dma_wait3A_1759 = arith.constant 2048 : i32
        %dma_wait3A_1760 = tpu.memref_slice %arg9[%dma_wait3A_1759] : memref<4096xf32, #tpu.memory_space<vmem>> -> memref<1024xf32, #tpu.memory_space<vmem>>
        tpu.wait_dma2 semaphore(%arg12 : memref<!tpu.dma_semaphore, #tpu.memory_space<semaphore_mem>>) src(%dma_wait3A_1760 : memref<1024xf32, #tpu.memory_space<vmem>>) dst(%dma_wait3A_1758 : memref<1024xf32, #tpu.memory_space<hbm>>)
        %add3A_1761 = arith.constant 0 : i32
        %add3A_1762 = arith.addi %mul3A_2, %add3A_1761 : i32
        %jit3A_1763 = arith.constant 128 : i32
        %div3A_1764 = arith.divsi %add3A_1762, %jit3A_1763 : i32
        %sign3A_1765 = arith.constant 0 : i32
        %sign3A_1766 = arith.cmpi sgt, %add3A_1762, %sign3A_1765 : i32
        %sign3A_1767 = arith.extui %sign3A_1766 : i1 to i32
        %sign3A_1768 = arith.constant 0 : i32
        %sign3A_1769 = arith.cmpi slt, %add3A_1762, %sign3A_1768 : i32
        %sign3A_1770 = arith.extui %sign3A_1769 : i1 to i32
        %sign3A_1771 = arith.subi %sign3A_1767, %sign3A_1770 : i32
        %sign3A_1772 = arith.constant 0 : i32
        %sign3A_1773 = arith.cmpi sgt, %jit3A_1763, %sign3A_1772 : i32
        %sign3A_1774 = arith.extui %sign3A_1773 : i1 to i32
        %sign3A_1775 = arith.constant 0 : i32
        %sign3A_1776 = arith.cmpi slt, %jit3A_1763, %sign3A_1775 : i32
        %sign3A_1777 = arith.extui %sign3A_1776 : i1 to i32
        %sign3A_1778 = arith.subi %sign3A_1774, %sign3A_1777 : i32
        %ne3A_1779 = arith.cmpi ne, %sign3A_1771, %sign3A_1778 : i32
        %rem3A_1780 = arith.remsi %add3A_1762, %jit3A_1763 : i32
        %ne3A_1781 = arith.constant 0 : i32
        %ne3A_1782 = arith.cmpi ne, %rem3A_1780, %ne3A_1781 : i32
        %and3A_1783 = arith.andi %ne3A_1779, %ne3A_1782 : i1
        %sub3A_1784 = arith.constant 1 : i32
        %sub3A_1785 = arith.subi %div3A_1764, %sub3A_1784 : i32
        %select_n3A_1786 = arith.select %and3A_1783, %sub3A_1785, %div3A_1764 : i32
        %mul3A_1787 = arith.constant 8 : i32
        %mul3A_1788 = arith.muli %select_n3A_1786, %mul3A_1787 : i32
        %add3A_1789 = arith.constant 0 : i32
        %add3A_1790 = arith.addi %mul3A_1788, %add3A_1789 : i32
        %mul3A_1791 = arith.constant 512 : i32
        %mul3A_1792 = arith.muli %add3A_1790, %mul3A_1791 : i32
        %add3A_1793 = arith.constant 384 : i32
        %add3A_1794 = arith.addi %mul3A_1792, %add3A_1793 : i32
        %jit3A_1795 = arith.constant 128 : i32
        %eq3A_1796 = arith.constant 0 : i32
        %eq3A_1797 = arith.cmpi eq, %jit3A_1795, %eq3A_1796 : i32
        %jit3A_1798 = arith.constant 1 : i32
        %select_n3A_1799 = arith.select %eq3A_1797, %jit3A_1798, %jit3A_1795 : i32
        %rem3A_1800 = arith.remsi %add3A_1762, %select_n3A_1799 : i32
        %ne3A_1801 = arith.constant 0 : i32
        %ne3A_1802 = arith.cmpi ne, %rem3A_1800, %ne3A_1801 : i32
        %lt3A_1803 = arith.constant 0 : i32
        %lt3A_1804 = arith.cmpi slt, %rem3A_1800, %lt3A_1803 : i32
        %lt3A_1805 = arith.constant 0 : i32
        %lt3A_1806 = arith.cmpi slt, %select_n3A_1799, %lt3A_1805 : i32
        %ne3A_1807 = arith.xori %lt3A_1804, %lt3A_1806 : i1
        %and3A_1808 = arith.andi %ne3A_1807, %ne3A_1802 : i1
        %add3A_1809 = arith.addi %rem3A_1800, %select_n3A_1799 : i32
        %select_n3A_1810 = arith.select %and3A_1808, %add3A_1809, %rem3A_1800 : i32
        %add3A_1811 = arith.addi %add3A_1794, %select_n3A_1810 : i32
        %dma_wait3A_1812 = arith.constant 3072 : i32
        %dma_wait3A_1813 = tpu.memref_slice %arg9[%dma_wait3A_1812] : memref<4096xf32, #tpu.memory_space<vmem>> -> memref<1024xf32, #tpu.memory_space<vmem>>
        %dma_wait3A_1814 = arith.constant 0 : i32
        %dma_wait3A_1815 = tpu.memref_slice %arg4[%add3A_1811, %dma_wait3A_1814] : memref<102400x1024xf32, #tpu.memory_space<hbm>> -> memref<1x1024xf32, #tpu.memory_space<hbm>>
        %dma_wait3A_1816 = tpu.memref_squeeze %dma_wait3A_1815 : memref<1x1024xf32, #tpu.memory_space<hbm>> -> memref<1024xf32, #tpu.memory_space<hbm>>
        %dma_wait3A_1817 = arith.constant 0 : i32
        %dma_wait3A_1818 = tpu.memref_slice %arg4[%add3A_1811, %dma_wait3A_1817] : memref<102400x1024xf32, #tpu.memory_space<hbm>> -> memref<1x1024xf32, #tpu.memory_space<hbm>>
        %dma_wait3A_1819 = tpu.memref_squeeze %dma_wait3A_1818 : memref<1x1024xf32, #tpu.memory_space<hbm>> -> memref<1024xf32, #tpu.memory_space<hbm>>
        %dma_wait3A_1820 = arith.constant 3072 : i32
        %dma_wait3A_1821 = tpu.memref_slice %arg9[%dma_wait3A_1820] : memref<4096xf32, #tpu.memory_space<vmem>> -> memref<1024xf32, #tpu.memory_space<vmem>>
        tpu.wait_dma2 semaphore(%arg12 : memref<!tpu.dma_semaphore, #tpu.memory_space<semaphore_mem>>) src(%dma_wait3A_1821 : memref<1024xf32, #tpu.memory_space<vmem>>) dst(%dma_wait3A_1819 : memref<1024xf32, #tpu.memory_space<hbm>>)
      } else {
      }
      %parallel_loop3A_1179 = arith.constant 0 : i32
      %parallel_loop3A_1180 = arith.constant 32 : i32
      %parallel_loop3A_1181 = arith.constant 1 : i32
      scf.for %parallel_loop3A_1578 = %parallel_loop3A_1179 to %parallel_loop3A_1180 step %parallel_loop3A_1181  : i32 {
        %parallel_loop3A_1579 = vector.broadcast %parallel_loop3A_1578 : i32 to vector<16xi32>
        %parallel_loop3A_1580 = arith.addi %iota3A, %parallel_loop3A_1579 : vector<16xi32>
        %parallel_loop3A_1581 = arith.constant 31 : i32
        %parallel_loop3A_1582 = vector.broadcast %parallel_loop3A_1581 : i32 to vector<16xi32>
        %parallel_loop3A_1583 = arith.andi %parallel_loop3A_1580, %parallel_loop3A_1582 : vector<16xi32>
        %parallel_loop3A_1584 = arith.constant 7 : i32
        %parallel_loop3A_1585 = vector.broadcast %parallel_loop3A_1584 : i32 to vector<16xi32>
        %parallel_loop3A_1586 = arith.shli %parallel_loop3A_1583, %parallel_loop3A_1585 : vector<16xi32>
        %parallel_loop3A_1587 = tpu.vector_load_idx %arg7[%add3A_5, %parallel_loop3A_1583] : memref<128x32xf32, #tpu.memory_space<vmem>>[vector<16xi32>, vector<16xi32>], vector<16xf32>,
        %parallel_loop3A_1588 = arith.addi %parallel_loop3A_1586, %add3A_5 : vector<16xi32>
        tpu.vector_store_idx %arg9[%parallel_loop3A_1588], %parallel_loop3A_1587 : memref<4096xf32, #tpu.memory_space<vmem>>[vector<16xi32>], vector<16xf32>,
        %parallel_loop3A_1589 = tpu.vector_load_idx %arg7[%add3A_8, %parallel_loop3A_1583] : memref<128x32xf32, #tpu.memory_space<vmem>>[vector<16xi32>, vector<16xi32>], vector<16xf32>,
        %parallel_loop3A_1590 = arith.addi %parallel_loop3A_1586, %add3A_8 : vector<16xi32>
        tpu.vector_store_idx %arg9[%parallel_loop3A_1590], %parallel_loop3A_1589 : memref<4096xf32, #tpu.memory_space<vmem>>[vector<16xi32>], vector<16xf32>,
        %parallel_loop3A_1591 = tpu.vector_load_idx %arg7[%add3A_11, %parallel_loop3A_1583] : memref<128x32xf32, #tpu.memory_space<vmem>>[vector<16xi32>, vector<16xi32>], vector<16xf32>,
        %parallel_loop3A_1592 = arith.addi %parallel_loop3A_1586, %add3A_11 : vector<16xi32>
        tpu.vector_store_idx %arg9[%parallel_loop3A_1592], %parallel_loop3A_1591 : memref<4096xf32, #tpu.memory_space<vmem>>[vector<16xi32>], vector<16xf32>,
        %parallel_loop3A_1593 = tpu.vector_load_idx %arg7[%add3A_14, %parallel_loop3A_1583] : memref<128x32xf32, #tpu.memory_space<vmem>>[vector<16xi32>, vector<16xi32>], vector<16xf32>,
        %parallel_loop3A_1594 = arith.addi %parallel_loop3A_1586, %add3A_14 : vector<16xi32>
        tpu.vector_store_idx %arg9[%parallel_loop3A_1594], %parallel_loop3A_1593 : memref<4096xf32, #tpu.memory_space<vmem>>[vector<16xi32>], vector<16xf32>,
        %parallel_loop3A_1595 = tpu.vector_load_idx %arg7[%add3A_17, %parallel_loop3A_1583] : memref<128x32xf32, #tpu.memory_space<vmem>>[vector<16xi32>, vector<16xi32>], vector<16xf32>,
        %parallel_loop3A_1596 = arith.addi %parallel_loop3A_1586, %add3A_17 : vector<16xi32>
        tpu.vector_store_idx %arg9[%parallel_loop3A_1596], %parallel_loop3A_1595 : memref<4096xf32, #tpu.memory_space<vmem>>[vector<16xi32>], vector<16xf32>,
        %parallel_loop3A_1597 = tpu.vector_load_idx %arg7[%add3A_20, %parallel_loop3A_1583] : memref<128x32xf32, #tpu.memory_space<vmem>>[vector<16xi32>, vector<16xi32>], vector<16xf32>,
        %parallel_loop3A_1598 = arith.addi %parallel_loop3A_1586, %add3A_20 : vector<16xi32>
        tpu.vector_store_idx %arg9[%parallel_loop3A_1598], %parallel_loop3A_1597 : memref<4096xf32, #tpu.memory_space<vmem>>[vector<16xi32>], vector<16xf32>,
        %parallel_loop3A_1599 = tpu.vector_load_idx %arg7[%add3A_23, %parallel_loop3A_1583] : memref<128x32xf32, #tpu.memory_space<vmem>>[vector<16xi32>, vector<16xi32>], vector<16xf32>,
        %parallel_loop3A_1600 = arith.addi %parallel_loop3A_1586, %add3A_23 : vector<16xi32>
        tpu.vector_store_idx %arg9[%parallel_loop3A_1600], %parallel_loop3A_1599 : memref<4096xf32, #tpu.memory_space<vmem>>[vector<16xi32>], vector<16xf32>,
        %parallel_loop3A_1601 = tpu.vector_load_idx %arg7[%add3A_26, %parallel_loop3A_1583] : memref<128x32xf32, #tpu.memory_space<vmem>>[vector<16xi32>, vector<16xi32>], vector<16xf32>,
        %parallel_loop3A_1602 = arith.addi %parallel_loop3A_1586, %add3A_26 : vector<16xi32>
        tpu.vector_store_idx %arg9[%parallel_loop3A_1602], %parallel_loop3A_1601 : memref<4096xf32, #tpu.memory_space<vmem>>[vector<16xi32>], vector<16xf32>,
      } {sc.loop_unroll_factor = 8 : i64, sc.parallel_access}
      %jit3A_1182 = arith.constant 8 : i32
      %div3A_1183 = arith.divsi %add3A_1154, %jit3A_1182 : i32
      %sign3A_1184 = arith.constant 0 : i32
      %sign3A_1185 = arith.cmpi sgt, %add3A_1154, %sign3A_1184 : i32
      %sign3A_1186 = arith.extui %sign3A_1185 : i1 to i32
      %sign3A_1187 = arith.constant 0 : i32
      %sign3A_1188 = arith.cmpi slt, %add3A_1154, %sign3A_1187 : i32
      %sign3A_1189 = arith.extui %sign3A_1188 : i1 to i32
      %sign3A_1190 = arith.subi %sign3A_1186, %sign3A_1189 : i32
      %sign3A_1191 = arith.constant 0 : i32
      %sign3A_1192 = arith.cmpi sgt, %jit3A_1182, %sign3A_1191 : i32
      %sign3A_1193 = arith.extui %sign3A_1192 : i1 to i32
      %sign3A_1194 = arith.constant 0 : i32
      %sign3A_1195 = arith.cmpi slt, %jit3A_1182, %sign3A_1194 : i32
      %sign3A_1196 = arith.extui %sign3A_1195 : i1 to i32
      %sign3A_1197 = arith.subi %sign3A_1193, %sign3A_1196 : i32
      %ne3A_1198 = arith.cmpi ne, %sign3A_1190, %sign3A_1197 : i32
      %rem3A_1199 = arith.remsi %add3A_1154, %jit3A_1182 : i32
      %ne3A_1200 = arith.constant 0 : i32
      %ne3A_1201 = arith.cmpi ne, %rem3A_1199, %ne3A_1200 : i32
      %and3A_1202 = arith.andi %ne3A_1198, %ne3A_1201 : i1
      %sub3A_1203 = arith.constant 1 : i32
      %sub3A_1204 = arith.subi %div3A_1183, %sub3A_1203 : i32
      %select_n3A_1205 = arith.select %and3A_1202, %sub3A_1204, %div3A_1183 : i32
      %add3A_1206 = arith.addi %mul3A_2, %select_n3A_1205 : i32
      %jit3A_1207 = arith.constant 128 : i32
      %div3A_1208 = arith.divsi %add3A_1206, %jit3A_1207 : i32
      %sign3A_1209 = arith.constant 0 : i32
      %sign3A_1210 = arith.cmpi sgt, %add3A_1206, %sign3A_1209 : i32
      %sign3A_1211 = arith.extui %sign3A_1210 : i1 to i32
      %sign3A_1212 = arith.constant 0 : i32
      %sign3A_1213 = arith.cmpi slt, %add3A_1206, %sign3A_1212 : i32
      %sign3A_1214 = arith.extui %sign3A_1213 : i1 to i32
      %sign3A_1215 = arith.subi %sign3A_1211, %sign3A_1214 : i32
      %sign3A_1216 = arith.constant 0 : i32
      %sign3A_1217 = arith.cmpi sgt, %jit3A_1207, %sign3A_1216 : i32
      %sign3A_1218 = arith.extui %sign3A_1217 : i1 to i32
      %sign3A_1219 = arith.constant 0 : i32
      %sign3A_1220 = arith.cmpi slt, %jit3A_1207, %sign3A_1219 : i32
      %sign3A_1221 = arith.extui %sign3A_1220 : i1 to i32
      %sign3A_1222 = arith.subi %sign3A_1218, %sign3A_1221 : i32
      %ne3A_1223 = arith.cmpi ne, %sign3A_1215, %sign3A_1222 : i32
      %rem3A_1224 = arith.remsi %add3A_1206, %jit3A_1207 : i32
      %ne3A_1225 = arith.constant 0 : i32
      %ne3A_1226 = arith.cmpi ne, %rem3A_1224, %ne3A_1225 : i32
      %and3A_1227 = arith.andi %ne3A_1223, %ne3A_1226 : i1
      %sub3A_1228 = arith.constant 1 : i32
      %sub3A_1229 = arith.subi %div3A_1208, %sub3A_1228 : i32
      %select_n3A_1230 = arith.select %and3A_1227, %sub3A_1229, %div3A_1208 : i32
      %mul3A_1231 = arith.constant 8 : i32
      %mul3A_1232 = arith.muli %select_n3A_1230, %mul3A_1231 : i32
      %jit3A_1233 = arith.constant 8 : i32
      %eq3A_1234 = arith.constant 0 : i32
      %eq3A_1235 = arith.cmpi eq, %jit3A_1233, %eq3A_1234 : i32
      %jit3A_1236 = arith.constant 1 : i32
      %select_n3A_1237 = arith.select %eq3A_1235, %jit3A_1236, %jit3A_1233 : i32
      %rem3A_1238 = arith.remsi %add3A_1154, %select_n3A_1237 : i32
      %ne3A_1239 = arith.constant 0 : i32
      %ne3A_1240 = arith.cmpi ne, %rem3A_1238, %ne3A_1239 : i32
      %lt3A_1241 = arith.constant 0 : i32
      %lt3A_1242 = arith.cmpi slt, %rem3A_1238, %lt3A_1241 : i32
      %lt3A_1243 = arith.constant 0 : i32
      %lt3A_1244 = arith.cmpi slt, %select_n3A_1237, %lt3A_1243 : i32
      %ne3A_1245 = arith.xori %lt3A_1242, %lt3A_1244 : i1
      %and3A_1246 = arith.andi %ne3A_1245, %ne3A_1240 : i1
      %add3A_1247 = arith.addi %rem3A_1238, %select_n3A_1237 : i32
      %select_n3A_1248 = arith.select %and3A_1246, %add3A_1247, %rem3A_1238 : i32
      %add3A_1249 = arith.addi %mul3A_1232, %select_n3A_1248 : i32
      %mul3A_1250 = arith.constant 512 : i32
      %mul3A_1251 = arith.muli %add3A_1249, %mul3A_1250 : i32
      %add3A_1252 = arith.constant 0 : i32
      %add3A_1253 = arith.addi %mul3A_1251, %add3A_1252 : i32
      %jit3A_1254 = arith.constant 128 : i32
      %eq3A_1255 = arith.constant 0 : i32
      %eq3A_1256 = arith.cmpi eq, %jit3A_1254, %eq3A_1255 : i32
      %jit3A_1257 = arith.constant 1 : i32
      %select_n3A_1258 = arith.select %eq3A_1256, %jit3A_1257, %jit3A_1254 : i32
      %rem3A_1259 = arith.remsi %add3A_1206, %select_n3A_1258 : i32
      %ne3A_1260 = arith.constant 0 : i32
      %ne3A_1261 = arith.cmpi ne, %rem3A_1259, %ne3A_1260 : i32
      %lt3A_1262 = arith.constant 0 : i32
      %lt3A_1263 = arith.cmpi slt, %rem3A_1259, %lt3A_1262 : i32
      %lt3A_1264 = arith.constant 0 : i32
      %lt3A_1265 = arith.cmpi slt, %select_n3A_1258, %lt3A_1264 : i32
      %ne3A_1266 = arith.xori %lt3A_1263, %lt3A_1265 : i1
      %and3A_1267 = arith.andi %ne3A_1266, %ne3A_1261 : i1
      %add3A_1268 = arith.addi %rem3A_1259, %select_n3A_1258 : i32
      %select_n3A_1269 = arith.select %and3A_1267, %add3A_1268, %rem3A_1259 : i32
      %add3A_1270 = arith.addi %add3A_1253, %select_n3A_1269 : i32
      %dma_start3A_1271 = arith.constant 0 : i32
      %dma_start3A_1272 = tpu.memref_slice %arg9[%dma_start3A_1271] : memref<4096xf32, #tpu.memory_space<vmem>> -> memref<1024xf32, #tpu.memory_space<vmem>>
      %dma_start3A_1273 = arith.constant 0 : i32
      %dma_start3A_1274 = tpu.memref_slice %arg4[%add3A_1270, %dma_start3A_1273] : memref<102400x1024xf32, #tpu.memory_space<hbm>> -> memref<1x1024xf32, #tpu.memory_space<hbm>>
      %dma_start3A_1275 = tpu.memref_squeeze %dma_start3A_1274 : memref<1x1024xf32, #tpu.memory_space<hbm>> -> memref<1024xf32, #tpu.memory_space<hbm>>
      %dma_start3A_1276 = arith.constant 0 : i32
      %dma_start3A_1277 = tpu.memref_slice %arg4[%add3A_1270, %dma_start3A_1276] : memref<102400x1024xf32, #tpu.memory_space<hbm>> -> memref<1x1024xf32, #tpu.memory_space<hbm>>
      %dma_start3A_1278 = tpu.memref_squeeze %dma_start3A_1277 : memref<1x1024xf32, #tpu.memory_space<hbm>> -> memref<1024xf32, #tpu.memory_space<hbm>>
      %dma_start3A_1279 = arith.constant 0 : i32
      %dma_start3A_1280 = tpu.memref_slice %arg9[%dma_start3A_1279] : memref<4096xf32, #tpu.memory_space<vmem>> -> memref<1024xf32, #tpu.memory_space<vmem>>
      tpu.enqueue_dma source(%dma_start3A_1280 : memref<1024xf32, #tpu.memory_space<vmem>>) target(%dma_start3A_1278 : memref<1024xf32, #tpu.memory_space<hbm>>) target_semaphore(%arg12 : memref<!tpu.dma_semaphore, #tpu.memory_space<semaphore_mem>>)
      %jit3A_1281 = arith.constant 8 : i32
      %div3A_1282 = arith.divsi %add3A_1154, %jit3A_1281 : i32
      %sign3A_1283 = arith.constant 0 : i32
      %sign3A_1284 = arith.cmpi sgt, %add3A_1154, %sign3A_1283 : i32
      %sign3A_1285 = arith.extui %sign3A_1284 : i1 to i32
      %sign3A_1286 = arith.constant 0 : i32
      %sign3A_1287 = arith.cmpi slt, %add3A_1154, %sign3A_1286 : i32
      %sign3A_1288 = arith.extui %sign3A_1287 : i1 to i32
      %sign3A_1289 = arith.subi %sign3A_1285, %sign3A_1288 : i32
      %sign3A_1290 = arith.constant 0 : i32
      %sign3A_1291 = arith.cmpi sgt, %jit3A_1281, %sign3A_1290 : i32
      %sign3A_1292 = arith.extui %sign3A_1291 : i1 to i32
      %sign3A_1293 = arith.constant 0 : i32
      %sign3A_1294 = arith.cmpi slt, %jit3A_1281, %sign3A_1293 : i32
      %sign3A_1295 = arith.extui %sign3A_1294 : i1 to i32
      %sign3A_1296 = arith.subi %sign3A_1292, %sign3A_1295 : i32
      %ne3A_1297 = arith.cmpi ne, %sign3A_1289, %sign3A_1296 : i32
      %rem3A_1298 = arith.remsi %add3A_1154, %jit3A_1281 : i32
      %ne3A_1299 = arith.constant 0 : i32
      %ne3A_1300 = arith.cmpi ne, %rem3A_1298, %ne3A_1299 : i32
      %and3A_1301 = arith.andi %ne3A_1297, %ne3A_1300 : i1
      %sub3A_1302 = arith.constant 1 : i32
      %sub3A_1303 = arith.subi %div3A_1282, %sub3A_1302 : i32
      %select_n3A_1304 = arith.select %and3A_1301, %sub3A_1303, %div3A_1282 : i32
      %add3A_1305 = arith.addi %mul3A_2, %select_n3A_1304 : i32
      %jit3A_1306 = arith.constant 128 : i32
      %div3A_1307 = arith.divsi %add3A_1305, %jit3A_1306 : i32
      %sign3A_1308 = arith.constant 0 : i32
      %sign3A_1309 = arith.cmpi sgt, %add3A_1305, %sign3A_1308 : i32
      %sign3A_1310 = arith.extui %sign3A_1309 : i1 to i32
      %sign3A_1311 = arith.constant 0 : i32
      %sign3A_1312 = arith.cmpi slt, %add3A_1305, %sign3A_1311 : i32
      %sign3A_1313 = arith.extui %sign3A_1312 : i1 to i32
      %sign3A_1314 = arith.subi %sign3A_1310, %sign3A_1313 : i32
      %sign3A_1315 = arith.constant 0 : i32
      %sign3A_1316 = arith.cmpi sgt, %jit3A_1306, %sign3A_1315 : i32
      %sign3A_1317 = arith.extui %sign3A_1316 : i1 to i32
      %sign3A_1318 = arith.constant 0 : i32
      %sign3A_1319 = arith.cmpi slt, %jit3A_1306, %sign3A_1318 : i32
      %sign3A_1320 = arith.extui %sign3A_1319 : i1 to i32
      %sign3A_1321 = arith.subi %sign3A_1317, %sign3A_1320 : i32
      %ne3A_1322 = arith.cmpi ne, %sign3A_1314, %sign3A_1321 : i32
      %rem3A_1323 = arith.remsi %add3A_1305, %jit3A_1306 : i32
      %ne3A_1324 = arith.constant 0 : i32
      %ne3A_1325 = arith.cmpi ne, %rem3A_1323, %ne3A_1324 : i32
      %and3A_1326 = arith.andi %ne3A_1322, %ne3A_1325 : i1
      %sub3A_1327 = arith.constant 1 : i32
      %sub3A_1328 = arith.subi %div3A_1307, %sub3A_1327 : i32
      %select_n3A_1329 = arith.select %and3A_1326, %sub3A_1328, %div3A_1307 : i32
      %mul3A_1330 = arith.constant 8 : i32
      %mul3A_1331 = arith.muli %select_n3A_1329, %mul3A_1330 : i32
      %jit3A_1332 = arith.constant 8 : i32
      %eq3A_1333 = arith.constant 0 : i32
      %eq3A_1334 = arith.cmpi eq, %jit3A_1332, %eq3A_1333 : i32
      %jit3A_1335 = arith.constant 1 : i32
      %select_n3A_1336 = arith.select %eq3A_1334, %jit3A_1335, %jit3A_1332 : i32
      %rem3A_1337 = arith.remsi %add3A_1154, %select_n3A_1336 : i32
      %ne3A_1338 = arith.constant 0 : i32
      %ne3A_1339 = arith.cmpi ne, %rem3A_1337, %ne3A_1338 : i32
      %lt3A_1340 = arith.constant 0 : i32
      %lt3A_1341 = arith.cmpi slt, %rem3A_1337, %lt3A_1340 : i32
      %lt3A_1342 = arith.constant 0 : i32
      %lt3A_1343 = arith.cmpi slt, %select_n3A_1336, %lt3A_1342 : i32
      %ne3A_1344 = arith.xori %lt3A_1341, %lt3A_1343 : i1
      %and3A_1345 = arith.andi %ne3A_1344, %ne3A_1339 : i1
      %add3A_1346 = arith.addi %rem3A_1337, %select_n3A_1336 : i32
      %select_n3A_1347 = arith.select %and3A_1345, %add3A_1346, %rem3A_1337 : i32
      %add3A_1348 = arith.addi %mul3A_1331, %select_n3A_1347 : i32
      %mul3A_1349 = arith.constant 512 : i32
      %mul3A_1350 = arith.muli %add3A_1348, %mul3A_1349 : i32
      %add3A_1351 = arith.constant 128 : i32
      %add3A_1352 = arith.addi %mul3A_1350, %add3A_1351 : i32
      %jit3A_1353 = arith.constant 128 : i32
      %eq3A_1354 = arith.constant 0 : i32
      %eq3A_1355 = arith.cmpi eq, %jit3A_1353, %eq3A_1354 : i32
      %jit3A_1356 = arith.constant 1 : i32
      %select_n3A_1357 = arith.select %eq3A_1355, %jit3A_1356, %jit3A_1353 : i32
      %rem3A_1358 = arith.remsi %add3A_1305, %select_n3A_1357 : i32
      %ne3A_1359 = arith.constant 0 : i32
      %ne3A_1360 = arith.cmpi ne, %rem3A_1358, %ne3A_1359 : i32
      %lt3A_1361 = arith.constant 0 : i32
      %lt3A_1362 = arith.cmpi slt, %rem3A_1358, %lt3A_1361 : i32
      %lt3A_1363 = arith.constant 0 : i32
      %lt3A_1364 = arith.cmpi slt, %select_n3A_1357, %lt3A_1363 : i32
      %ne3A_1365 = arith.xori %lt3A_1362, %lt3A_1364 : i1
      %and3A_1366 = arith.andi %ne3A_1365, %ne3A_1360 : i1
      %add3A_1367 = arith.addi %rem3A_1358, %select_n3A_1357 : i32
      %select_n3A_1368 = arith.select %and3A_1366, %add3A_1367, %rem3A_1358 : i32
      %add3A_1369 = arith.addi %add3A_1352, %select_n3A_1368 : i32
      %dma_start3A_1370 = arith.constant 1024 : i32
      %dma_start3A_1371 = tpu.memref_slice %arg9[%dma_start3A_1370] : memref<4096xf32, #tpu.memory_space<vmem>> -> memref<1024xf32, #tpu.memory_space<vmem>>
      %dma_start3A_1372 = arith.constant 0 : i32
      %dma_start3A_1373 = tpu.memref_slice %arg4[%add3A_1369, %dma_start3A_1372] : memref<102400x1024xf32, #tpu.memory_space<hbm>> -> memref<1x1024xf32, #tpu.memory_space<hbm>>
      %dma_start3A_1374 = tpu.memref_squeeze %dma_start3A_1373 : memref<1x1024xf32, #tpu.memory_space<hbm>> -> memref<1024xf32, #tpu.memory_space<hbm>>
      %dma_start3A_1375 = arith.constant 0 : i32
      %dma_start3A_1376 = tpu.memref_slice %arg4[%add3A_1369, %dma_start3A_1375] : memref<102400x1024xf32, #tpu.memory_space<hbm>> -> memref<1x1024xf32, #tpu.memory_space<hbm>>
      %dma_start3A_1377 = tpu.memref_squeeze %dma_start3A_1376 : memref<1x1024xf32, #tpu.memory_space<hbm>> -> memref<1024xf32, #tpu.memory_space<hbm>>
      %dma_start3A_1378 = arith.constant 1024 : i32
      %dma_start3A_1379 = tpu.memref_slice %arg9[%dma_start3A_1378] : memref<4096xf32, #tpu.memory_space<vmem>> -> memref<1024xf32, #tpu.memory_space<vmem>>
      tpu.enqueue_dma source(%dma_start3A_1379 : memref<1024xf32, #tpu.memory_space<vmem>>) target(%dma_start3A_1377 : memref<1024xf32, #tpu.memory_space<hbm>>) target_semaphore(%arg12 : memref<!tpu.dma_semaphore, #tpu.memory_space<semaphore_mem>>)
      %jit3A_1380 = arith.constant 8 : i32
      %div3A_1381 = arith.divsi %add3A_1154, %jit3A_1380 : i32
      %sign3A_1382 = arith.constant 0 : i32
      %sign3A_1383 = arith.cmpi sgt, %add3A_1154, %sign3A_1382 : i32
      %sign3A_1384 = arith.extui %sign3A_1383 : i1 to i32
      %sign3A_1385 = arith.constant 0 : i32
      %sign3A_1386 = arith.cmpi slt, %add3A_1154, %sign3A_1385 : i32
      %sign3A_1387 = arith.extui %sign3A_1386 : i1 to i32
      %sign3A_1388 = arith.subi %sign3A_1384, %sign3A_1387 : i32
      %sign3A_1389 = arith.constant 0 : i32
      %sign3A_1390 = arith.cmpi sgt, %jit3A_1380, %sign3A_1389 : i32
      %sign3A_1391 = arith.extui %sign3A_1390 : i1 to i32
      %sign3A_1392 = arith.constant 0 : i32
      %sign3A_1393 = arith.cmpi slt, %jit3A_1380, %sign3A_1392 : i32
      %sign3A_1394 = arith.extui %sign3A_1393 : i1 to i32
      %sign3A_1395 = arith.subi %sign3A_1391, %sign3A_1394 : i32
      %ne3A_1396 = arith.cmpi ne, %sign3A_1388, %sign3A_1395 : i32
      %rem3A_1397 = arith.remsi %add3A_1154, %jit3A_1380 : i32
      %ne3A_1398 = arith.constant 0 : i32
      %ne3A_1399 = arith.cmpi ne, %rem3A_1397, %ne3A_1398 : i32
      %and3A_1400 = arith.andi %ne3A_1396, %ne3A_1399 : i1
      %sub3A_1401 = arith.constant 1 : i32
      %sub3A_1402 = arith.subi %div3A_1381, %sub3A_1401 : i32
      %select_n3A_1403 = arith.select %and3A_1400, %sub3A_1402, %div3A_1381 : i32
      %add3A_1404 = arith.addi %mul3A_2, %select_n3A_1403 : i32
      %jit3A_1405 = arith.constant 128 : i32
      %div3A_1406 = arith.divsi %add3A_1404, %jit3A_1405 : i32
      %sign3A_1407 = arith.constant 0 : i32
      %sign3A_1408 = arith.cmpi sgt, %add3A_1404, %sign3A_1407 : i32
      %sign3A_1409 = arith.extui %sign3A_1408 : i1 to i32
      %sign3A_1410 = arith.constant 0 : i32
      %sign3A_1411 = arith.cmpi slt, %add3A_1404, %sign3A_1410 : i32
      %sign3A_1412 = arith.extui %sign3A_1411 : i1 to i32
      %sign3A_1413 = arith.subi %sign3A_1409, %sign3A_1412 : i32
      %sign3A_1414 = arith.constant 0 : i32
      %sign3A_1415 = arith.cmpi sgt, %jit3A_1405, %sign3A_1414 : i32
      %sign3A_1416 = arith.extui %sign3A_1415 : i1 to i32
      %sign3A_1417 = arith.constant 0 : i32
      %sign3A_1418 = arith.cmpi slt, %jit3A_1405, %sign3A_1417 : i32
      %sign3A_1419 = arith.extui %sign3A_1418 : i1 to i32
      %sign3A_1420 = arith.subi %sign3A_1416, %sign3A_1419 : i32
      %ne3A_1421 = arith.cmpi ne, %sign3A_1413, %sign3A_1420 : i32
      %rem3A_1422 = arith.remsi %add3A_1404, %jit3A_1405 : i32
      %ne3A_1423 = arith.constant 0 : i32
      %ne3A_1424 = arith.cmpi ne, %rem3A_1422, %ne3A_1423 : i32
      %and3A_1425 = arith.andi %ne3A_1421, %ne3A_1424 : i1
      %sub3A_1426 = arith.constant 1 : i32
      %sub3A_1427 = arith.subi %div3A_1406, %sub3A_1426 : i32
      %select_n3A_1428 = arith.select %and3A_1425, %sub3A_1427, %div3A_1406 : i32
      %mul3A_1429 = arith.constant 8 : i32
      %mul3A_1430 = arith.muli %select_n3A_1428, %mul3A_1429 : i32
      %jit3A_1431 = arith.constant 8 : i32
      %eq3A_1432 = arith.constant 0 : i32
      %eq3A_1433 = arith.cmpi eq, %jit3A_1431, %eq3A_1432 : i32
      %jit3A_1434 = arith.constant 1 : i32
      %select_n3A_1435 = arith.select %eq3A_1433, %jit3A_1434, %jit3A_1431 : i32
      %rem3A_1436 = arith.remsi %add3A_1154, %select_n3A_1435 : i32
      %ne3A_1437 = arith.constant 0 : i32
      %ne3A_1438 = arith.cmpi ne, %rem3A_1436, %ne3A_1437 : i32
      %lt3A_1439 = arith.constant 0 : i32
      %lt3A_1440 = arith.cmpi slt, %rem3A_1436, %lt3A_1439 : i32
      %lt3A_1441 = arith.constant 0 : i32
      %lt3A_1442 = arith.cmpi slt, %select_n3A_1435, %lt3A_1441 : i32
      %ne3A_1443 = arith.xori %lt3A_1440, %lt3A_1442 : i1
      %and3A_1444 = arith.andi %ne3A_1443, %ne3A_1438 : i1
      %add3A_1445 = arith.addi %rem3A_1436, %select_n3A_1435 : i32
      %select_n3A_1446 = arith.select %and3A_1444, %add3A_1445, %rem3A_1436 : i32
      %add3A_1447 = arith.addi %mul3A_1430, %select_n3A_1446 : i32
      %mul3A_1448 = arith.constant 512 : i32
      %mul3A_1449 = arith.muli %add3A_1447, %mul3A_1448 : i32
      %add3A_1450 = arith.constant 256 : i32
      %add3A_1451 = arith.addi %mul3A_1449, %add3A_1450 : i32
      %jit3A_1452 = arith.constant 128 : i32
      %eq3A_1453 = arith.constant 0 : i32
      %eq3A_1454 = arith.cmpi eq, %jit3A_1452, %eq3A_1453 : i32
      %jit3A_1455 = arith.constant 1 : i32
      %select_n3A_1456 = arith.select %eq3A_1454, %jit3A_1455, %jit3A_1452 : i32
      %rem3A_1457 = arith.remsi %add3A_1404, %select_n3A_1456 : i32
      %ne3A_1458 = arith.constant 0 : i32
      %ne3A_1459 = arith.cmpi ne, %rem3A_1457, %ne3A_1458 : i32
      %lt3A_1460 = arith.constant 0 : i32
      %lt3A_1461 = arith.cmpi slt, %rem3A_1457, %lt3A_1460 : i32
      %lt3A_1462 = arith.constant 0 : i32
      %lt3A_1463 = arith.cmpi slt, %select_n3A_1456, %lt3A_1462 : i32
      %ne3A_1464 = arith.xori %lt3A_1461, %lt3A_1463 : i1
      %and3A_1465 = arith.andi %ne3A_1464, %ne3A_1459 : i1
      %add3A_1466 = arith.addi %rem3A_1457, %select_n3A_1456 : i32
      %select_n3A_1467 = arith.select %and3A_1465, %add3A_1466, %rem3A_1457 : i32
      %add3A_1468 = arith.addi %add3A_1451, %select_n3A_1467 : i32
      %dma_start3A_1469 = arith.constant 2048 : i32
      %dma_start3A_1470 = tpu.memref_slice %arg9[%dma_start3A_1469] : memref<4096xf32, #tpu.memory_space<vmem>> -> memref<1024xf32, #tpu.memory_space<vmem>>
      %dma_start3A_1471 = arith.constant 0 : i32
      %dma_start3A_1472 = tpu.memref_slice %arg4[%add3A_1468, %dma_start3A_1471] : memref<102400x1024xf32, #tpu.memory_space<hbm>> -> memref<1x1024xf32, #tpu.memory_space<hbm>>
      %dma_start3A_1473 = tpu.memref_squeeze %dma_start3A_1472 : memref<1x1024xf32, #tpu.memory_space<hbm>> -> memref<1024xf32, #tpu.memory_space<hbm>>
      %dma_start3A_1474 = arith.constant 0 : i32
      %dma_start3A_1475 = tpu.memref_slice %arg4[%add3A_1468, %dma_start3A_1474] : memref<102400x1024xf32, #tpu.memory_space<hbm>> -> memref<1x1024xf32, #tpu.memory_space<hbm>>
      %dma_start3A_1476 = tpu.memref_squeeze %dma_start3A_1475 : memref<1x1024xf32, #tpu.memory_space<hbm>> -> memref<1024xf32, #tpu.memory_space<hbm>>
      %dma_start3A_1477 = arith.constant 2048 : i32
      %dma_start3A_1478 = tpu.memref_slice %arg9[%dma_start3A_1477] : memref<4096xf32, #tpu.memory_space<vmem>> -> memref<1024xf32, #tpu.memory_space<vmem>>
      tpu.enqueue_dma source(%dma_start3A_1478 : memref<1024xf32, #tpu.memory_space<vmem>>) target(%dma_start3A_1476 : memref<1024xf32, #tpu.memory_space<hbm>>) target_semaphore(%arg12 : memref<!tpu.dma_semaphore, #tpu.memory_space<semaphore_mem>>)
      %jit3A_1479 = arith.constant 8 : i32
      %div3A_1480 = arith.divsi %add3A_1154, %jit3A_1479 : i32
      %sign3A_1481 = arith.constant 0 : i32
      %sign3A_1482 = arith.cmpi sgt, %add3A_1154, %sign3A_1481 : i32
      %sign3A_1483 = arith.extui %sign3A_1482 : i1 to i32
      %sign3A_1484 = arith.constant 0 : i32
      %sign3A_1485 = arith.cmpi slt, %add3A_1154, %sign3A_1484 : i32
      %sign3A_1486 = arith.extui %sign3A_1485 : i1 to i32
      %sign3A_1487 = arith.subi %sign3A_1483, %sign3A_1486 : i32
      %sign3A_1488 = arith.constant 0 : i32
      %sign3A_1489 = arith.cmpi sgt, %jit3A_1479, %sign3A_1488 : i32
      %sign3A_1490 = arith.extui %sign3A_1489 : i1 to i32
      %sign3A_1491 = arith.constant 0 : i32
      %sign3A_1492 = arith.cmpi slt, %jit3A_1479, %sign3A_1491 : i32
      %sign3A_1493 = arith.extui %sign3A_1492 : i1 to i32
      %sign3A_1494 = arith.subi %sign3A_1490, %sign3A_1493 : i32
      %ne3A_1495 = arith.cmpi ne, %sign3A_1487, %sign3A_1494 : i32
      %rem3A_1496 = arith.remsi %add3A_1154, %jit3A_1479 : i32
      %ne3A_1497 = arith.constant 0 : i32
      %ne3A_1498 = arith.cmpi ne, %rem3A_1496, %ne3A_1497 : i32
      %and3A_1499 = arith.andi %ne3A_1495, %ne3A_1498 : i1
      %sub3A_1500 = arith.constant 1 : i32
      %sub3A_1501 = arith.subi %div3A_1480, %sub3A_1500 : i32
      %select_n3A_1502 = arith.select %and3A_1499, %sub3A_1501, %div3A_1480 : i32
      %add3A_1503 = arith.addi %mul3A_2, %select_n3A_1502 : i32
      %jit3A_1504 = arith.constant 128 : i32
      %div3A_1505 = arith.divsi %add3A_1503, %jit3A_1504 : i32
      %sign3A_1506 = arith.constant 0 : i32
      %sign3A_1507 = arith.cmpi sgt, %add3A_1503, %sign3A_1506 : i32
      %sign3A_1508 = arith.extui %sign3A_1507 : i1 to i32
      %sign3A_1509 = arith.constant 0 : i32
      %sign3A_1510 = arith.cmpi slt, %add3A_1503, %sign3A_1509 : i32
      %sign3A_1511 = arith.extui %sign3A_1510 : i1 to i32
      %sign3A_1512 = arith.subi %sign3A_1508, %sign3A_1511 : i32
      %sign3A_1513 = arith.constant 0 : i32
      %sign3A_1514 = arith.cmpi sgt, %jit3A_1504, %sign3A_1513 : i32
      %sign3A_1515 = arith.extui %sign3A_1514 : i1 to i32
      %sign3A_1516 = arith.constant 0 : i32
      %sign3A_1517 = arith.cmpi slt, %jit3A_1504, %sign3A_1516 : i32
      %sign3A_1518 = arith.extui %sign3A_1517 : i1 to i32
      %sign3A_1519 = arith.subi %sign3A_1515, %sign3A_1518 : i32
      %ne3A_1520 = arith.cmpi ne, %sign3A_1512, %sign3A_1519 : i32
      %rem3A_1521 = arith.remsi %add3A_1503, %jit3A_1504 : i32
      %ne3A_1522 = arith.constant 0 : i32
      %ne3A_1523 = arith.cmpi ne, %rem3A_1521, %ne3A_1522 : i32
      %and3A_1524 = arith.andi %ne3A_1520, %ne3A_1523 : i1
      %sub3A_1525 = arith.constant 1 : i32
      %sub3A_1526 = arith.subi %div3A_1505, %sub3A_1525 : i32
      %select_n3A_1527 = arith.select %and3A_1524, %sub3A_1526, %div3A_1505 : i32
      %mul3A_1528 = arith.constant 8 : i32
      %mul3A_1529 = arith.muli %select_n3A_1527, %mul3A_1528 : i32
      %jit3A_1530 = arith.constant 8 : i32
      %eq3A_1531 = arith.constant 0 : i32
      %eq3A_1532 = arith.cmpi eq, %jit3A_1530, %eq3A_1531 : i32
      %jit3A_1533 = arith.constant 1 : i32
      %select_n3A_1534 = arith.select %eq3A_1532, %jit3A_1533, %jit3A_1530 : i32
      %rem3A_1535 = arith.remsi %add3A_1154, %select_n3A_1534 : i32
      %ne3A_1536 = arith.constant 0 : i32
      %ne3A_1537 = arith.cmpi ne, %rem3A_1535, %ne3A_1536 : i32
      %lt3A_1538 = arith.constant 0 : i32
      %lt3A_1539 = arith.cmpi slt, %rem3A_1535, %lt3A_1538 : i32
      %lt3A_1540 = arith.constant 0 : i32
      %lt3A_1541 = arith.cmpi slt, %select_n3A_1534, %lt3A_1540 : i32
      %ne3A_1542 = arith.xori %lt3A_1539, %lt3A_1541 : i1
      %and3A_1543 = arith.andi %ne3A_1542, %ne3A_1537 : i1
      %add3A_1544 = arith.addi %rem3A_1535, %select_n3A_1534 : i32
      %select_n3A_1545 = arith.select %and3A_1543, %add3A_1544, %rem3A_1535 : i32
      %add3A_1546 = arith.addi %mul3A_1529, %select_n3A_1545 : i32
      %mul3A_1547 = arith.constant 512 : i32
      %mul3A_1548 = arith.muli %add3A_1546, %mul3A_1547 : i32
      %add3A_1549 = arith.constant 384 : i32
      %add3A_1550 = arith.addi %mul3A_1548, %add3A_1549 : i32
      %jit3A_1551 = arith.constant 128 : i32
      %eq3A_1552 = arith.constant 0 : i32
      %eq3A_1553 = arith.cmpi eq, %jit3A_1551, %eq3A_1552 : i32
      %jit3A_1554 = arith.constant 1 : i32
      %select_n3A_1555 = arith.select %eq3A_1553, %jit3A_1554, %jit3A_1551 : i32
      %rem3A_1556 = arith.remsi %add3A_1503, %select_n3A_1555 : i32
      %ne3A_1557 = arith.constant 0 : i32
      %ne3A_1558 = arith.cmpi ne, %rem3A_1556, %ne3A_1557 : i32
      %lt3A_1559 = arith.constant 0 : i32
      %lt3A_1560 = arith.cmpi slt, %rem3A_1556, %lt3A_1559 : i32
      %lt3A_1561 = arith.constant 0 : i32
      %lt3A_1562 = arith.cmpi slt, %select_n3A_1555, %lt3A_1561 : i32
      %ne3A_1563 = arith.xori %lt3A_1560, %lt3A_1562 : i1
      %and3A_1564 = arith.andi %ne3A_1563, %ne3A_1558 : i1
      %add3A_1565 = arith.addi %rem3A_1556, %select_n3A_1555 : i32
      %select_n3A_1566 = arith.select %and3A_1564, %add3A_1565, %rem3A_1556 : i32
      %add3A_1567 = arith.addi %add3A_1550, %select_n3A_1566 : i32
      %dma_start3A_1568 = arith.constant 3072 : i32
      %dma_start3A_1569 = tpu.memref_slice %arg9[%dma_start3A_1568] : memref<4096xf32, #tpu.memory_space<vmem>> -> memref<1024xf32, #tpu.memory_space<vmem>>
      %dma_start3A_1570 = arith.constant 0 : i32
      %dma_start3A_1571 = tpu.memref_slice %arg4[%add3A_1567, %dma_start3A_1570] : memref<102400x1024xf32, #tpu.memory_space<hbm>> -> memref<1x1024xf32, #tpu.memory_space<hbm>>
      %dma_start3A_1572 = tpu.memref_squeeze %dma_start3A_1571 : memref<1x1024xf32, #tpu.memory_space<hbm>> -> memref<1024xf32, #tpu.memory_space<hbm>>
      %dma_start3A_1573 = arith.constant 0 : i32
      %dma_start3A_1574 = tpu.memref_slice %arg4[%add3A_1567, %dma_start3A_1573] : memref<102400x1024xf32, #tpu.memory_space<hbm>> -> memref<1x1024xf32, #tpu.memory_space<hbm>>
      %dma_start3A_1575 = tpu.memref_squeeze %dma_start3A_1574 : memref<1x1024xf32, #tpu.memory_space<hbm>> -> memref<1024xf32, #tpu.memory_space<hbm>>
      %dma_start3A_1576 = arith.constant 3072 : i32
      %dma_start3A_1577 = tpu.memref_slice %arg9[%dma_start3A_1576] : memref<4096xf32, #tpu.memory_space<vmem>> -> memref<1024xf32, #tpu.memory_space<vmem>>
      tpu.enqueue_dma source(%dma_start3A_1577 : memref<1024xf32, #tpu.memory_space<vmem>>) target(%dma_start3A_1575 : memref<1024xf32, #tpu.memory_space<hbm>>) target_semaphore(%arg12 : memref<!tpu.dma_semaphore, #tpu.memory_space<semaphore_mem>>)
    }
    %scan3A_238 = arith.constant 400 : i32
    %add3A_239 = arith.constant 0 : i32
    %add3A_240 = arith.addi %mul3A_2, %add3A_239 : i32
    %jit3A_241 = arith.constant 128 : i32
    %div3A_242 = arith.divsi %add3A_240, %jit3A_241 : i32
    %sign3A_243 = arith.constant 0 : i32
    %sign3A_244 = arith.cmpi sgt, %add3A_240, %sign3A_243 : i32
    %sign3A_245 = arith.extui %sign3A_244 : i1 to i32
    %sign3A_246 = arith.constant 0 : i32
    %sign3A_247 = arith.cmpi slt, %add3A_240, %sign3A_246 : i32
    %sign3A_248 = arith.extui %sign3A_247 : i1 to i32
    %sign3A_249 = arith.subi %sign3A_245, %sign3A_248 : i32
    %sign3A_250 = arith.constant 0 : i32
    %sign3A_251 = arith.cmpi sgt, %jit3A_241, %sign3A_250 : i32
    %sign3A_252 = arith.extui %sign3A_251 : i1 to i32
    %sign3A_253 = arith.constant 0 : i32
    %sign3A_254 = arith.cmpi slt, %jit3A_241, %sign3A_253 : i32
    %sign3A_255 = arith.extui %sign3A_254 : i1 to i32
    %sign3A_256 = arith.subi %sign3A_252, %sign3A_255 : i32
    %ne3A_257 = arith.cmpi ne, %sign3A_249, %sign3A_256 : i32
    %rem3A_258 = arith.remsi %add3A_240, %jit3A_241 : i32
    %ne3A_259 = arith.constant 0 : i32
    %ne3A_260 = arith.cmpi ne, %rem3A_258, %ne3A_259 : i32
    %and3A_261 = arith.andi %ne3A_257, %ne3A_260 : i1
    %sub3A_262 = arith.constant 1 : i32
    %sub3A_263 = arith.subi %div3A_242, %sub3A_262 : i32
    %select_n3A_264 = arith.select %and3A_261, %sub3A_263, %div3A_242 : i32
    %mul3A_265 = arith.constant 8 : i32
    %mul3A_266 = arith.muli %select_n3A_264, %mul3A_265 : i32
    %add3A_267 = arith.constant 0 : i32
    %add3A_268 = arith.addi %mul3A_266, %add3A_267 : i32
    %mul3A_269 = arith.constant 512 : i32
    %mul3A_270 = arith.muli %add3A_268, %mul3A_269 : i32
    %add3A_271 = arith.constant 0 : i32
    %add3A_272 = arith.addi %mul3A_270, %add3A_271 : i32
    %jit3A_273 = arith.constant 128 : i32
    %eq3A_274 = arith.constant 0 : i32
    %eq3A_275 = arith.cmpi eq, %jit3A_273, %eq3A_274 : i32
    %jit3A_276 = arith.constant 1 : i32
    %select_n3A_277 = arith.select %eq3A_275, %jit3A_276, %jit3A_273 : i32
    %rem3A_278 = arith.remsi %add3A_240, %select_n3A_277 : i32
    %ne3A_279 = arith.constant 0 : i32
    %ne3A_280 = arith.cmpi ne, %rem3A_278, %ne3A_279 : i32
    %lt3A_281 = arith.constant 0 : i32
    %lt3A_282 = arith.cmpi slt, %rem3A_278, %lt3A_281 : i32
    %lt3A_283 = arith.constant 0 : i32
    %lt3A_284 = arith.cmpi slt, %select_n3A_277, %lt3A_283 : i32
    %ne3A_285 = arith.xori %lt3A_282, %lt3A_284 : i1
    %and3A_286 = arith.andi %ne3A_285, %ne3A_280 : i1
    %add3A_287 = arith.addi %rem3A_278, %select_n3A_277 : i32
    %select_n3A_288 = arith.select %and3A_286, %add3A_287, %rem3A_278 : i32
    %add3A_289 = arith.addi %add3A_272, %select_n3A_288 : i32
    %dma_wait3A_290 = arith.constant 0 : i32
    %dma_wait3A_291 = tpu.memref_slice %arg8[%dma_wait3A_290] : memref<4096xf32, #tpu.memory_space<vmem>> -> memref<1024xf32, #tpu.memory_space<vmem>>
    %dma_wait3A_292 = arith.constant 0 : i32
    %dma_wait3A_293 = tpu.memref_slice %arg4[%add3A_289, %dma_wait3A_292] : memref<102400x1024xf32, #tpu.memory_space<hbm>> -> memref<1x1024xf32, #tpu.memory_space<hbm>>
    %dma_wait3A_294 = tpu.memref_squeeze %dma_wait3A_293 : memref<1x1024xf32, #tpu.memory_space<hbm>> -> memref<1024xf32, #tpu.memory_space<hbm>>
    %dma_wait3A_295 = arith.constant 0 : i32
    %dma_wait3A_296 = tpu.memref_slice %arg4[%add3A_289, %dma_wait3A_295] : memref<102400x1024xf32, #tpu.memory_space<hbm>> -> memref<1x1024xf32, #tpu.memory_space<hbm>>
    %dma_wait3A_297 = tpu.memref_squeeze %dma_wait3A_296 : memref<1x1024xf32, #tpu.memory_space<hbm>> -> memref<1024xf32, #tpu.memory_space<hbm>>
    %dma_wait3A_298 = arith.constant 0 : i32
    %dma_wait3A_299 = tpu.memref_slice %arg8[%dma_wait3A_298] : memref<4096xf32, #tpu.memory_space<vmem>> -> memref<1024xf32, #tpu.memory_space<vmem>>
    tpu.wait_dma2 semaphore(%arg12 : memref<!tpu.dma_semaphore, #tpu.memory_space<semaphore_mem>>) src(%dma_wait3A_299 : memref<1024xf32, #tpu.memory_space<vmem>>) dst(%dma_wait3A_297 : memref<1024xf32, #tpu.memory_space<hbm>>)
    %add3A_300 = arith.constant 0 : i32
    %add3A_301 = arith.addi %mul3A_2, %add3A_300 : i32
    %jit3A_302 = arith.constant 128 : i32
    %div3A_303 = arith.divsi %add3A_301, %jit3A_302 : i32
    %sign3A_304 = arith.constant 0 : i32
    %sign3A_305 = arith.cmpi sgt, %add3A_301, %sign3A_304 : i32
    %sign3A_306 = arith.extui %sign3A_305 : i1 to i32
    %sign3A_307 = arith.constant 0 : i32
    %sign3A_308 = arith.cmpi slt, %add3A_301, %sign3A_307 : i32
    %sign3A_309 = arith.extui %sign3A_308 : i1 to i32
    %sign3A_310 = arith.subi %sign3A_306, %sign3A_309 : i32
    %sign3A_311 = arith.constant 0 : i32
    %sign3A_312 = arith.cmpi sgt, %jit3A_302, %sign3A_311 : i32
    %sign3A_313 = arith.extui %sign3A_312 : i1 to i32
    %sign3A_314 = arith.constant 0 : i32
    %sign3A_315 = arith.cmpi slt, %jit3A_302, %sign3A_314 : i32
    %sign3A_316 = arith.extui %sign3A_315 : i1 to i32
    %sign3A_317 = arith.subi %sign3A_313, %sign3A_316 : i32
    %ne3A_318 = arith.cmpi ne, %sign3A_310, %sign3A_317 : i32
    %rem3A_319 = arith.remsi %add3A_301, %jit3A_302 : i32
    %ne3A_320 = arith.constant 0 : i32
    %ne3A_321 = arith.cmpi ne, %rem3A_319, %ne3A_320 : i32
    %and3A_322 = arith.andi %ne3A_318, %ne3A_321 : i1
    %sub3A_323 = arith.constant 1 : i32
    %sub3A_324 = arith.subi %div3A_303, %sub3A_323 : i32
    %select_n3A_325 = arith.select %and3A_322, %sub3A_324, %div3A_303 : i32
    %mul3A_326 = arith.constant 8 : i32
    %mul3A_327 = arith.muli %select_n3A_325, %mul3A_326 : i32
    %add3A_328 = arith.constant 0 : i32
    %add3A_329 = arith.addi %mul3A_327, %add3A_328 : i32
    %mul3A_330 = arith.constant 512 : i32
    %mul3A_331 = arith.muli %add3A_329, %mul3A_330 : i32
    %add3A_332 = arith.constant 128 : i32
    %add3A_333 = arith.addi %mul3A_331, %add3A_332 : i32
    %jit3A_334 = arith.constant 128 : i32
    %eq3A_335 = arith.constant 0 : i32
    %eq3A_336 = arith.cmpi eq, %jit3A_334, %eq3A_335 : i32
    %jit3A_337 = arith.constant 1 : i32
    %select_n3A_338 = arith.select %eq3A_336, %jit3A_337, %jit3A_334 : i32
    %rem3A_339 = arith.remsi %add3A_301, %select_n3A_338 : i32
    %ne3A_340 = arith.constant 0 : i32
    %ne3A_341 = arith.cmpi ne, %rem3A_339, %ne3A_340 : i32
    %lt3A_342 = arith.constant 0 : i32
    %lt3A_343 = arith.cmpi slt, %rem3A_339, %lt3A_342 : i32
    %lt3A_344 = arith.constant 0 : i32
    %lt3A_345 = arith.cmpi slt, %select_n3A_338, %lt3A_344 : i32
    %ne3A_346 = arith.xori %lt3A_343, %lt3A_345 : i1
    %and3A_347 = arith.andi %ne3A_346, %ne3A_341 : i1
    %add3A_348 = arith.addi %rem3A_339, %select_n3A_338 : i32
    %select_n3A_349 = arith.select %and3A_347, %add3A_348, %rem3A_339 : i32
    %add3A_350 = arith.addi %add3A_333, %select_n3A_349 : i32
    %dma_wait3A_351 = arith.constant 1024 : i32
    %dma_wait3A_352 = tpu.memref_slice %arg8[%dma_wait3A_351] : memref<4096xf32, #tpu.memory_space<vmem>> -> memref<1024xf32, #tpu.memory_space<vmem>>
    %dma_wait3A_353 = arith.constant 0 : i32
    %dma_wait3A_354 = tpu.memref_slice %arg4[%add3A_350, %dma_wait3A_353] : memref<102400x1024xf32, #tpu.memory_space<hbm>> -> memref<1x1024xf32, #tpu.memory_space<hbm>>
    %dma_wait3A_355 = tpu.memref_squeeze %dma_wait3A_354 : memref<1x1024xf32, #tpu.memory_space<hbm>> -> memref<1024xf32, #tpu.memory_space<hbm>>
    %dma_wait3A_356 = arith.constant 0 : i32
    %dma_wait3A_357 = tpu.memref_slice %arg4[%add3A_350, %dma_wait3A_356] : memref<102400x1024xf32, #tpu.memory_space<hbm>> -> memref<1x1024xf32, #tpu.memory_space<hbm>>
    %dma_wait3A_358 = tpu.memref_squeeze %dma_wait3A_357 : memref<1x1024xf32, #tpu.memory_space<hbm>> -> memref<1024xf32, #tpu.memory_space<hbm>>
    %dma_wait3A_359 = arith.constant 1024 : i32
    %dma_wait3A_360 = tpu.memref_slice %arg8[%dma_wait3A_359] : memref<4096xf32, #tpu.memory_space<vmem>> -> memref<1024xf32, #tpu.memory_space<vmem>>
    tpu.wait_dma2 semaphore(%arg12 : memref<!tpu.dma_semaphore, #tpu.memory_space<semaphore_mem>>) src(%dma_wait3A_360 : memref<1024xf32, #tpu.memory_space<vmem>>) dst(%dma_wait3A_358 : memref<1024xf32, #tpu.memory_space<hbm>>)
    %add3A_361 = arith.constant 0 : i32
    %add3A_362 = arith.addi %mul3A_2, %add3A_361 : i32
    %jit3A_363 = arith.constant 128 : i32
    %div3A_364 = arith.divsi %add3A_362, %jit3A_363 : i32
    %sign3A_365 = arith.constant 0 : i32
    %sign3A_366 = arith.cmpi sgt, %add3A_362, %sign3A_365 : i32
    %sign3A_367 = arith.extui %sign3A_366 : i1 to i32
    %sign3A_368 = arith.constant 0 : i32
    %sign3A_369 = arith.cmpi slt, %add3A_362, %sign3A_368 : i32
    %sign3A_370 = arith.extui %sign3A_369 : i1 to i32
    %sign3A_371 = arith.subi %sign3A_367, %sign3A_370 : i32
    %sign3A_372 = arith.constant 0 : i32
    %sign3A_373 = arith.cmpi sgt, %jit3A_363, %sign3A_372 : i32
    %sign3A_374 = arith.extui %sign3A_373 : i1 to i32
    %sign3A_375 = arith.constant 0 : i32
    %sign3A_376 = arith.cmpi slt, %jit3A_363, %sign3A_375 : i32
    %sign3A_377 = arith.extui %sign3A_376 : i1 to i32
    %sign3A_378 = arith.subi %sign3A_374, %sign3A_377 : i32
    %ne3A_379 = arith.cmpi ne, %sign3A_371, %sign3A_378 : i32
    %rem3A_380 = arith.remsi %add3A_362, %jit3A_363 : i32
    %ne3A_381 = arith.constant 0 : i32
    %ne3A_382 = arith.cmpi ne, %rem3A_380, %ne3A_381 : i32
    %and3A_383 = arith.andi %ne3A_379, %ne3A_382 : i1
    %sub3A_384 = arith.constant 1 : i32
    %sub3A_385 = arith.subi %div3A_364, %sub3A_384 : i32
    %select_n3A_386 = arith.select %and3A_383, %sub3A_385, %div3A_364 : i32
    %mul3A_387 = arith.constant 8 : i32
    %mul3A_388 = arith.muli %select_n3A_386, %mul3A_387 : i32
    %add3A_389 = arith.constant 0 : i32
    %add3A_390 = arith.addi %mul3A_388, %add3A_389 : i32
    %mul3A_391 = arith.constant 512 : i32
    %mul3A_392 = arith.muli %add3A_390, %mul3A_391 : i32
    %add3A_393 = arith.constant 256 : i32
    %add3A_394 = arith.addi %mul3A_392, %add3A_393 : i32
    %jit3A_395 = arith.constant 128 : i32
    %eq3A_396 = arith.constant 0 : i32
    %eq3A_397 = arith.cmpi eq, %jit3A_395, %eq3A_396 : i32
    %jit3A_398 = arith.constant 1 : i32
    %select_n3A_399 = arith.select %eq3A_397, %jit3A_398, %jit3A_395 : i32
    %rem3A_400 = arith.remsi %add3A_362, %select_n3A_399 : i32
    %ne3A_401 = arith.constant 0 : i32
    %ne3A_402 = arith.cmpi ne, %rem3A_400, %ne3A_401 : i32
    %lt3A_403 = arith.constant 0 : i32
    %lt3A_404 = arith.cmpi slt, %rem3A_400, %lt3A_403 : i32
    %lt3A_405 = arith.constant 0 : i32
    %lt3A_406 = arith.cmpi slt, %select_n3A_399, %lt3A_405 : i32
    %ne3A_407 = arith.xori %lt3A_404, %lt3A_406 : i1
    %and3A_408 = arith.andi %ne3A_407, %ne3A_402 : i1
    %add3A_409 = arith.addi %rem3A_400, %select_n3A_399 : i32
    %select_n3A_410 = arith.select %and3A_408, %add3A_409, %rem3A_400 : i32
    %add3A_411 = arith.addi %add3A_394, %select_n3A_410 : i32
    %dma_wait3A_412 = arith.constant 2048 : i32
    %dma_wait3A_413 = tpu.memref_slice %arg8[%dma_wait3A_412] : memref<4096xf32, #tpu.memory_space<vmem>> -> memref<1024xf32, #tpu.memory_space<vmem>>
    %dma_wait3A_414 = arith.constant 0 : i32
    %dma_wait3A_415 = tpu.memref_slice %arg4[%add3A_411, %dma_wait3A_414] : memref<102400x1024xf32, #tpu.memory_space<hbm>> -> memref<1x1024xf32, #tpu.memory_space<hbm>>
    %dma_wait3A_416 = tpu.memref_squeeze %dma_wait3A_415 : memref<1x1024xf32, #tpu.memory_space<hbm>> -> memref<1024xf32, #tpu.memory_space<hbm>>
    %dma_wait3A_417 = arith.constant 0 : i32
    %dma_wait3A_418 = tpu.memref_slice %arg4[%add3A_411, %dma_wait3A_417] : memref<102400x1024xf32, #tpu.memory_space<hbm>> -> memref<1x1024xf32, #tpu.memory_space<hbm>>
    %dma_wait3A_419 = tpu.memref_squeeze %dma_wait3A_418 : memref<1x1024xf32, #tpu.memory_space<hbm>> -> memref<1024xf32, #tpu.memory_space<hbm>>
    %dma_wait3A_420 = arith.constant 2048 : i32
    %dma_wait3A_421 = tpu.memref_slice %arg8[%dma_wait3A_420] : memref<4096xf32, #tpu.memory_space<vmem>> -> memref<1024xf32, #tpu.memory_space<vmem>>
    tpu.wait_dma2 semaphore(%arg12 : memref<!tpu.dma_semaphore, #tpu.memory_space<semaphore_mem>>) src(%dma_wait3A_421 : memref<1024xf32, #tpu.memory_space<vmem>>) dst(%dma_wait3A_419 : memref<1024xf32, #tpu.memory_space<hbm>>)
    %add3A_422 = arith.constant 0 : i32
    %add3A_423 = arith.addi %mul3A_2, %add3A_422 : i32
    %jit3A_424 = arith.constant 128 : i32
    %div3A_425 = arith.divsi %add3A_423, %jit3A_424 : i32
    %sign3A_426 = arith.constant 0 : i32
    %sign3A_427 = arith.cmpi sgt, %add3A_423, %sign3A_426 : i32
    %sign3A_428 = arith.extui %sign3A_427 : i1 to i32
    %sign3A_429 = arith.constant 0 : i32
    %sign3A_430 = arith.cmpi slt, %add3A_423, %sign3A_429 : i32
    %sign3A_431 = arith.extui %sign3A_430 : i1 to i32
    %sign3A_432 = arith.subi %sign3A_428, %sign3A_431 : i32
    %sign3A_433 = arith.constant 0 : i32
    %sign3A_434 = arith.cmpi sgt, %jit3A_424, %sign3A_433 : i32
    %sign3A_435 = arith.extui %sign3A_434 : i1 to i32
    %sign3A_436 = arith.constant 0 : i32
    %sign3A_437 = arith.cmpi slt, %jit3A_424, %sign3A_436 : i32
    %sign3A_438 = arith.extui %sign3A_437 : i1 to i32
    %sign3A_439 = arith.subi %sign3A_435, %sign3A_438 : i32
    %ne3A_440 = arith.cmpi ne, %sign3A_432, %sign3A_439 : i32
    %rem3A_441 = arith.remsi %add3A_423, %jit3A_424 : i32
    %ne3A_442 = arith.constant 0 : i32
    %ne3A_443 = arith.cmpi ne, %rem3A_441, %ne3A_442 : i32
    %and3A_444 = arith.andi %ne3A_440, %ne3A_443 : i1
    %sub3A_445 = arith.constant 1 : i32
    %sub3A_446 = arith.subi %div3A_425, %sub3A_445 : i32
    %select_n3A_447 = arith.select %and3A_444, %sub3A_446, %div3A_425 : i32
    %mul3A_448 = arith.constant 8 : i32
    %mul3A_449 = arith.muli %select_n3A_447, %mul3A_448 : i32
    %add3A_450 = arith.constant 0 : i32
    %add3A_451 = arith.addi %mul3A_449, %add3A_450 : i32
    %mul3A_452 = arith.constant 512 : i32
    %mul3A_453 = arith.muli %add3A_451, %mul3A_452 : i32
    %add3A_454 = arith.constant 384 : i32
    %add3A_455 = arith.addi %mul3A_453, %add3A_454 : i32
    %jit3A_456 = arith.constant 128 : i32
    %eq3A_457 = arith.constant 0 : i32
    %eq3A_458 = arith.cmpi eq, %jit3A_456, %eq3A_457 : i32
    %jit3A_459 = arith.constant 1 : i32
    %select_n3A_460 = arith.select %eq3A_458, %jit3A_459, %jit3A_456 : i32
    %rem3A_461 = arith.remsi %add3A_423, %select_n3A_460 : i32
    %ne3A_462 = arith.constant 0 : i32
    %ne3A_463 = arith.cmpi ne, %rem3A_461, %ne3A_462 : i32
    %lt3A_464 = arith.constant 0 : i32
    %lt3A_465 = arith.cmpi slt, %rem3A_461, %lt3A_464 : i32
    %lt3A_466 = arith.constant 0 : i32
    %lt3A_467 = arith.cmpi slt, %select_n3A_460, %lt3A_466 : i32
    %ne3A_468 = arith.xori %lt3A_465, %lt3A_467 : i1
    %and3A_469 = arith.andi %ne3A_468, %ne3A_463 : i1
    %add3A_470 = arith.addi %rem3A_461, %select_n3A_460 : i32
    %select_n3A_471 = arith.select %and3A_469, %add3A_470, %rem3A_461 : i32
    %add3A_472 = arith.addi %add3A_455, %select_n3A_471 : i32
    %dma_wait3A_473 = arith.constant 3072 : i32
    %dma_wait3A_474 = tpu.memref_slice %arg8[%dma_wait3A_473] : memref<4096xf32, #tpu.memory_space<vmem>> -> memref<1024xf32, #tpu.memory_space<vmem>>
    %dma_wait3A_475 = arith.constant 0 : i32
    %dma_wait3A_476 = tpu.memref_slice %arg4[%add3A_472, %dma_wait3A_475] : memref<102400x1024xf32, #tpu.memory_space<hbm>> -> memref<1x1024xf32, #tpu.memory_space<hbm>>
    %dma_wait3A_477 = tpu.memref_squeeze %dma_wait3A_476 : memref<1x1024xf32, #tpu.memory_space<hbm>> -> memref<1024xf32, #tpu.memory_space<hbm>>
    %dma_wait3A_478 = arith.constant 0 : i32
    %dma_wait3A_479 = tpu.memref_slice %arg4[%add3A_472, %dma_wait3A_478] : memref<102400x1024xf32, #tpu.memory_space<hbm>> -> memref<1x1024xf32, #tpu.memory_space<hbm>>
    %dma_wait3A_480 = tpu.memref_squeeze %dma_wait3A_479 : memref<1x1024xf32, #tpu.memory_space<hbm>> -> memref<1024xf32, #tpu.memory_space<hbm>>
    %dma_wait3A_481 = arith.constant 3072 : i32
    %dma_wait3A_482 = tpu.memref_slice %arg8[%dma_wait3A_481] : memref<4096xf32, #tpu.memory_space<vmem>> -> memref<1024xf32, #tpu.memory_space<vmem>>
    tpu.wait_dma2 semaphore(%arg12 : memref<!tpu.dma_semaphore, #tpu.memory_space<semaphore_mem>>) src(%dma_wait3A_482 : memref<1024xf32, #tpu.memory_space<vmem>>) dst(%dma_wait3A_480 : memref<1024xf32, #tpu.memory_space<hbm>>)
    %add3A_483 = arith.constant 0 : i32
    %add3A_484 = arith.addi %mul3A_2, %add3A_483 : i32
    %jit3A_485 = arith.constant 128 : i32
    %div3A_486 = arith.divsi %add3A_484, %jit3A_485 : i32
    %sign3A_487 = arith.constant 0 : i32
    %sign3A_488 = arith.cmpi sgt, %add3A_484, %sign3A_487 : i32
    %sign3A_489 = arith.extui %sign3A_488 : i1 to i32
    %sign3A_490 = arith.constant 0 : i32
    %sign3A_491 = arith.cmpi slt, %add3A_484, %sign3A_490 : i32
    %sign3A_492 = arith.extui %sign3A_491 : i1 to i32
    %sign3A_493 = arith.subi %sign3A_489, %sign3A_492 : i32
    %sign3A_494 = arith.constant 0 : i32
    %sign3A_495 = arith.cmpi sgt, %jit3A_485, %sign3A_494 : i32
    %sign3A_496 = arith.extui %sign3A_495 : i1 to i32
    %sign3A_497 = arith.constant 0 : i32
    %sign3A_498 = arith.cmpi slt, %jit3A_485, %sign3A_497 : i32
    %sign3A_499 = arith.extui %sign3A_498 : i1 to i32
    %sign3A_500 = arith.subi %sign3A_496, %sign3A_499 : i32
    %ne3A_501 = arith.cmpi ne, %sign3A_493, %sign3A_500 : i32
    %rem3A_502 = arith.remsi %add3A_484, %jit3A_485 : i32
    %ne3A_503 = arith.constant 0 : i32
    %ne3A_504 = arith.cmpi ne, %rem3A_502, %ne3A_503 : i32
    %and3A_505 = arith.andi %ne3A_501, %ne3A_504 : i1
    %sub3A_506 = arith.constant 1 : i32
    %sub3A_507 = arith.subi %div3A_486, %sub3A_506 : i32
    %select_n3A_508 = arith.select %and3A_505, %sub3A_507, %div3A_486 : i32
    %mul3A_509 = arith.constant 8 : i32
    %mul3A_510 = arith.muli %select_n3A_508, %mul3A_509 : i32
    %add3A_511 = arith.constant 0 : i32
    %add3A_512 = arith.addi %mul3A_510, %add3A_511 : i32
    %mul3A_513 = arith.constant 512 : i32
    %mul3A_514 = arith.muli %add3A_512, %mul3A_513 : i32
    %add3A_515 = arith.constant 0 : i32
    %add3A_516 = arith.addi %mul3A_514, %add3A_515 : i32
    %jit3A_517 = arith.constant 128 : i32
    %eq3A_518 = arith.constant 0 : i32
    %eq3A_519 = arith.cmpi eq, %jit3A_517, %eq3A_518 : i32
    %jit3A_520 = arith.constant 1 : i32
    %select_n3A_521 = arith.select %eq3A_519, %jit3A_520, %jit3A_517 : i32
    %rem3A_522 = arith.remsi %add3A_484, %select_n3A_521 : i32
    %ne3A_523 = arith.constant 0 : i32
    %ne3A_524 = arith.cmpi ne, %rem3A_522, %ne3A_523 : i32
    %lt3A_525 = arith.constant 0 : i32
    %lt3A_526 = arith.cmpi slt, %rem3A_522, %lt3A_525 : i32
    %lt3A_527 = arith.constant 0 : i32
    %lt3A_528 = arith.cmpi slt, %select_n3A_521, %lt3A_527 : i32
    %ne3A_529 = arith.xori %lt3A_526, %lt3A_528 : i1
    %and3A_530 = arith.andi %ne3A_529, %ne3A_524 : i1
    %add3A_531 = arith.addi %rem3A_522, %select_n3A_521 : i32
    %select_n3A_532 = arith.select %and3A_530, %add3A_531, %rem3A_522 : i32
    %add3A_533 = arith.addi %add3A_516, %select_n3A_532 : i32
    %dma_wait3A_534 = arith.constant 0 : i32
    %dma_wait3A_535 = tpu.memref_slice %arg9[%dma_wait3A_534] : memref<4096xf32, #tpu.memory_space<vmem>> -> memref<1024xf32, #tpu.memory_space<vmem>>
    %dma_wait3A_536 = arith.constant 0 : i32
    %dma_wait3A_537 = tpu.memref_slice %arg4[%add3A_533, %dma_wait3A_536] : memref<102400x1024xf32, #tpu.memory_space<hbm>> -> memref<1x1024xf32, #tpu.memory_space<hbm>>
    %dma_wait3A_538 = tpu.memref_squeeze %dma_wait3A_537 : memref<1x1024xf32, #tpu.memory_space<hbm>> -> memref<1024xf32, #tpu.memory_space<hbm>>
    %dma_wait3A_539 = arith.constant 0 : i32
    %dma_wait3A_540 = tpu.memref_slice %arg4[%add3A_533, %dma_wait3A_539] : memref<102400x1024xf32, #tpu.memory_space<hbm>> -> memref<1x1024xf32, #tpu.memory_space<hbm>>
    %dma_wait3A_541 = tpu.memref_squeeze %dma_wait3A_540 : memref<1x1024xf32, #tpu.memory_space<hbm>> -> memref<1024xf32, #tpu.memory_space<hbm>>
    %dma_wait3A_542 = arith.constant 0 : i32
    %dma_wait3A_543 = tpu.memref_slice %arg9[%dma_wait3A_542] : memref<4096xf32, #tpu.memory_space<vmem>> -> memref<1024xf32, #tpu.memory_space<vmem>>
    tpu.wait_dma2 semaphore(%arg12 : memref<!tpu.dma_semaphore, #tpu.memory_space<semaphore_mem>>) src(%dma_wait3A_543 : memref<1024xf32, #tpu.memory_space<vmem>>) dst(%dma_wait3A_541 : memref<1024xf32, #tpu.memory_space<hbm>>)
    %add3A_544 = arith.constant 0 : i32
    %add3A_545 = arith.addi %mul3A_2, %add3A_544 : i32
    %jit3A_546 = arith.constant 128 : i32
    %div3A_547 = arith.divsi %add3A_545, %jit3A_546 : i32
    %sign3A_548 = arith.constant 0 : i32
    %sign3A_549 = arith.cmpi sgt, %add3A_545, %sign3A_548 : i32
    %sign3A_550 = arith.extui %sign3A_549 : i1 to i32
    %sign3A_551 = arith.constant 0 : i32
    %sign3A_552 = arith.cmpi slt, %add3A_545, %sign3A_551 : i32
    %sign3A_553 = arith.extui %sign3A_552 : i1 to i32
    %sign3A_554 = arith.subi %sign3A_550, %sign3A_553 : i32
    %sign3A_555 = arith.constant 0 : i32
    %sign3A_556 = arith.cmpi sgt, %jit3A_546, %sign3A_555 : i32
    %sign3A_557 = arith.extui %sign3A_556 : i1 to i32
    %sign3A_558 = arith.constant 0 : i32
    %sign3A_559 = arith.cmpi slt, %jit3A_546, %sign3A_558 : i32
    %sign3A_560 = arith.extui %sign3A_559 : i1 to i32
    %sign3A_561 = arith.subi %sign3A_557, %sign3A_560 : i32
    %ne3A_562 = arith.cmpi ne, %sign3A_554, %sign3A_561 : i32
    %rem3A_563 = arith.remsi %add3A_545, %jit3A_546 : i32
    %ne3A_564 = arith.constant 0 : i32
    %ne3A_565 = arith.cmpi ne, %rem3A_563, %ne3A_564 : i32
    %and3A_566 = arith.andi %ne3A_562, %ne3A_565 : i1
    %sub3A_567 = arith.constant 1 : i32
    %sub3A_568 = arith.subi %div3A_547, %sub3A_567 : i32
    %select_n3A_569 = arith.select %and3A_566, %sub3A_568, %div3A_547 : i32
    %mul3A_570 = arith.constant 8 : i32
    %mul3A_571 = arith.muli %select_n3A_569, %mul3A_570 : i32
    %add3A_572 = arith.constant 0 : i32
    %add3A_573 = arith.addi %mul3A_571, %add3A_572 : i32
    %mul3A_574 = arith.constant 512 : i32
    %mul3A_575 = arith.muli %add3A_573, %mul3A_574 : i32
    %add3A_576 = arith.constant 128 : i32
    %add3A_577 = arith.addi %mul3A_575, %add3A_576 : i32
    %jit3A_578 = arith.constant 128 : i32
    %eq3A_579 = arith.constant 0 : i32
    %eq3A_580 = arith.cmpi eq, %jit3A_578, %eq3A_579 : i32
    %jit3A_581 = arith.constant 1 : i32
    %select_n3A_582 = arith.select %eq3A_580, %jit3A_581, %jit3A_578 : i32
    %rem3A_583 = arith.remsi %add3A_545, %select_n3A_582 : i32
    %ne3A_584 = arith.constant 0 : i32
    %ne3A_585 = arith.cmpi ne, %rem3A_583, %ne3A_584 : i32
    %lt3A_586 = arith.constant 0 : i32
    %lt3A_587 = arith.cmpi slt, %rem3A_583, %lt3A_586 : i32
    %lt3A_588 = arith.constant 0 : i32
    %lt3A_589 = arith.cmpi slt, %select_n3A_582, %lt3A_588 : i32
    %ne3A_590 = arith.xori %lt3A_587, %lt3A_589 : i1
    %and3A_591 = arith.andi %ne3A_590, %ne3A_585 : i1
    %add3A_592 = arith.addi %rem3A_583, %select_n3A_582 : i32
    %select_n3A_593 = arith.select %and3A_591, %add3A_592, %rem3A_583 : i32
    %add3A_594 = arith.addi %add3A_577, %select_n3A_593 : i32
    %dma_wait3A_595 = arith.constant 1024 : i32
    %dma_wait3A_596 = tpu.memref_slice %arg9[%dma_wait3A_595] : memref<4096xf32, #tpu.memory_space<vmem>> -> memref<1024xf32, #tpu.memory_space<vmem>>
    %dma_wait3A_597 = arith.constant 0 : i32
    %dma_wait3A_598 = tpu.memref_slice %arg4[%add3A_594, %dma_wait3A_597] : memref<102400x1024xf32, #tpu.memory_space<hbm>> -> memref<1x1024xf32, #tpu.memory_space<hbm>>
    %dma_wait3A_599 = tpu.memref_squeeze %dma_wait3A_598 : memref<1x1024xf32, #tpu.memory_space<hbm>> -> memref<1024xf32, #tpu.memory_space<hbm>>
    %dma_wait3A_600 = arith.constant 0 : i32
    %dma_wait3A_601 = tpu.memref_slice %arg4[%add3A_594, %dma_wait3A_600] : memref<102400x1024xf32, #tpu.memory_space<hbm>> -> memref<1x1024xf32, #tpu.memory_space<hbm>>
    %dma_wait3A_602 = tpu.memref_squeeze %dma_wait3A_601 : memref<1x1024xf32, #tpu.memory_space<hbm>> -> memref<1024xf32, #tpu.memory_space<hbm>>
    %dma_wait3A_603 = arith.constant 1024 : i32
    %dma_wait3A_604 = tpu.memref_slice %arg9[%dma_wait3A_603] : memref<4096xf32, #tpu.memory_space<vmem>> -> memref<1024xf32, #tpu.memory_space<vmem>>
    tpu.wait_dma2 semaphore(%arg12 : memref<!tpu.dma_semaphore, #tpu.memory_space<semaphore_mem>>) src(%dma_wait3A_604 : memref<1024xf32, #tpu.memory_space<vmem>>) dst(%dma_wait3A_602 : memref<1024xf32, #tpu.memory_space<hbm>>)
    %add3A_605 = arith.constant 0 : i32
    %add3A_606 = arith.addi %mul3A_2, %add3A_605 : i32
    %jit3A_607 = arith.constant 128 : i32
    %div3A_608 = arith.divsi %add3A_606, %jit3A_607 : i32
    %sign3A_609 = arith.constant 0 : i32
    %sign3A_610 = arith.cmpi sgt, %add3A_606, %sign3A_609 : i32
    %sign3A_611 = arith.extui %sign3A_610 : i1 to i32
    %sign3A_612 = arith.constant 0 : i32
    %sign3A_613 = arith.cmpi slt, %add3A_606, %sign3A_612 : i32
    %sign3A_614 = arith.extui %sign3A_613 : i1 to i32
    %sign3A_615 = arith.subi %sign3A_611, %sign3A_614 : i32
    %sign3A_616 = arith.constant 0 : i32
    %sign3A_617 = arith.cmpi sgt, %jit3A_607, %sign3A_616 : i32
    %sign3A_618 = arith.extui %sign3A_617 : i1 to i32
    %sign3A_619 = arith.constant 0 : i32
    %sign3A_620 = arith.cmpi slt, %jit3A_607, %sign3A_619 : i32
    %sign3A_621 = arith.extui %sign3A_620 : i1 to i32
    %sign3A_622 = arith.subi %sign3A_618, %sign3A_621 : i32
    %ne3A_623 = arith.cmpi ne, %sign3A_615, %sign3A_622 : i32
    %rem3A_624 = arith.remsi %add3A_606, %jit3A_607 : i32
    %ne3A_625 = arith.constant 0 : i32
    %ne3A_626 = arith.cmpi ne, %rem3A_624, %ne3A_625 : i32
    %and3A_627 = arith.andi %ne3A_623, %ne3A_626 : i1
    %sub3A_628 = arith.constant 1 : i32
    %sub3A_629 = arith.subi %div3A_608, %sub3A_628 : i32
    %select_n3A_630 = arith.select %and3A_627, %sub3A_629, %div3A_608 : i32
    %mul3A_631 = arith.constant 8 : i32
    %mul3A_632 = arith.muli %select_n3A_630, %mul3A_631 : i32
    %add3A_633 = arith.constant 0 : i32
    %add3A_634 = arith.addi %mul3A_632, %add3A_633 : i32
    %mul3A_635 = arith.constant 512 : i32
    %mul3A_636 = arith.muli %add3A_634, %mul3A_635 : i32
    %add3A_637 = arith.constant 256 : i32
    %add3A_638 = arith.addi %mul3A_636, %add3A_637 : i32
    %jit3A_639 = arith.constant 128 : i32
    %eq3A_640 = arith.constant 0 : i32
    %eq3A_641 = arith.cmpi eq, %jit3A_639, %eq3A_640 : i32
    %jit3A_642 = arith.constant 1 : i32
    %select_n3A_643 = arith.select %eq3A_641, %jit3A_642, %jit3A_639 : i32
    %rem3A_644 = arith.remsi %add3A_606, %select_n3A_643 : i32
    %ne3A_645 = arith.constant 0 : i32
    %ne3A_646 = arith.cmpi ne, %rem3A_644, %ne3A_645 : i32
    %lt3A_647 = arith.constant 0 : i32
    %lt3A_648 = arith.cmpi slt, %rem3A_644, %lt3A_647 : i32
    %lt3A_649 = arith.constant 0 : i32
    %lt3A_650 = arith.cmpi slt, %select_n3A_643, %lt3A_649 : i32
    %ne3A_651 = arith.xori %lt3A_648, %lt3A_650 : i1
    %and3A_652 = arith.andi %ne3A_651, %ne3A_646 : i1
    %add3A_653 = arith.addi %rem3A_644, %select_n3A_643 : i32
    %select_n3A_654 = arith.select %and3A_652, %add3A_653, %rem3A_644 : i32
    %add3A_655 = arith.addi %add3A_638, %select_n3A_654 : i32
    %dma_wait3A_656 = arith.constant 2048 : i32
    %dma_wait3A_657 = tpu.memref_slice %arg9[%dma_wait3A_656] : memref<4096xf32, #tpu.memory_space<vmem>> -> memref<1024xf32, #tpu.memory_space<vmem>>
    %dma_wait3A_658 = arith.constant 0 : i32
    %dma_wait3A_659 = tpu.memref_slice %arg4[%add3A_655, %dma_wait3A_658] : memref<102400x1024xf32, #tpu.memory_space<hbm>> -> memref<1x1024xf32, #tpu.memory_space<hbm>>
    %dma_wait3A_660 = tpu.memref_squeeze %dma_wait3A_659 : memref<1x1024xf32, #tpu.memory_space<hbm>> -> memref<1024xf32, #tpu.memory_space<hbm>>
    %dma_wait3A_661 = arith.constant 0 : i32
    %dma_wait3A_662 = tpu.memref_slice %arg4[%add3A_655, %dma_wait3A_661] : memref<102400x1024xf32, #tpu.memory_space<hbm>> -> memref<1x1024xf32, #tpu.memory_space<hbm>>
    %dma_wait3A_663 = tpu.memref_squeeze %dma_wait3A_662 : memref<1x1024xf32, #tpu.memory_space<hbm>> -> memref<1024xf32, #tpu.memory_space<hbm>>
    %dma_wait3A_664 = arith.constant 2048 : i32
    %dma_wait3A_665 = tpu.memref_slice %arg9[%dma_wait3A_664] : memref<4096xf32, #tpu.memory_space<vmem>> -> memref<1024xf32, #tpu.memory_space<vmem>>
    tpu.wait_dma2 semaphore(%arg12 : memref<!tpu.dma_semaphore, #tpu.memory_space<semaphore_mem>>) src(%dma_wait3A_665 : memref<1024xf32, #tpu.memory_space<vmem>>) dst(%dma_wait3A_663 : memref<1024xf32, #tpu.memory_space<hbm>>)
    %add3A_666 = arith.constant 0 : i32
    %add3A_667 = arith.addi %mul3A_2, %add3A_666 : i32
    %jit3A_668 = arith.constant 128 : i32
    %div3A_669 = arith.divsi %add3A_667, %jit3A_668 : i32
    %sign3A_670 = arith.constant 0 : i32
    %sign3A_671 = arith.cmpi sgt, %add3A_667, %sign3A_670 : i32
    %sign3A_672 = arith.extui %sign3A_671 : i1 to i32
    %sign3A_673 = arith.constant 0 : i32
    %sign3A_674 = arith.cmpi slt, %add3A_667, %sign3A_673 : i32
    %sign3A_675 = arith.extui %sign3A_674 : i1 to i32
    %sign3A_676 = arith.subi %sign3A_672, %sign3A_675 : i32
    %sign3A_677 = arith.constant 0 : i32
    %sign3A_678 = arith.cmpi sgt, %jit3A_668, %sign3A_677 : i32
    %sign3A_679 = arith.extui %sign3A_678 : i1 to i32
    %sign3A_680 = arith.constant 0 : i32
    %sign3A_681 = arith.cmpi slt, %jit3A_668, %sign3A_680 : i32
    %sign3A_682 = arith.extui %sign3A_681 : i1 to i32
    %sign3A_683 = arith.subi %sign3A_679, %sign3A_682 : i32
    %ne3A_684 = arith.cmpi ne, %sign3A_676, %sign3A_683 : i32
    %rem3A_685 = arith.remsi %add3A_667, %jit3A_668 : i32
    %ne3A_686 = arith.constant 0 : i32
    %ne3A_687 = arith.cmpi ne, %rem3A_685, %ne3A_686 : i32
    %and3A_688 = arith.andi %ne3A_684, %ne3A_687 : i1
    %sub3A_689 = arith.constant 1 : i32
    %sub3A_690 = arith.subi %div3A_669, %sub3A_689 : i32
    %select_n3A_691 = arith.select %and3A_688, %sub3A_690, %div3A_669 : i32
    %mul3A_692 = arith.constant 8 : i32
    %mul3A_693 = arith.muli %select_n3A_691, %mul3A_692 : i32
    %add3A_694 = arith.constant 0 : i32
    %add3A_695 = arith.addi %mul3A_693, %add3A_694 : i32
    %mul3A_696 = arith.constant 512 : i32
    %mul3A_697 = arith.muli %add3A_695, %mul3A_696 : i32
    %add3A_698 = arith.constant 384 : i32
    %add3A_699 = arith.addi %mul3A_697, %add3A_698 : i32
    %jit3A_700 = arith.constant 128 : i32
    %eq3A_701 = arith.constant 0 : i32
    %eq3A_702 = arith.cmpi eq, %jit3A_700, %eq3A_701 : i32
    %jit3A_703 = arith.constant 1 : i32
    %select_n3A_704 = arith.select %eq3A_702, %jit3A_703, %jit3A_700 : i32
    %rem3A_705 = arith.remsi %add3A_667, %select_n3A_704 : i32
    %ne3A_706 = arith.constant 0 : i32
    %ne3A_707 = arith.cmpi ne, %rem3A_705, %ne3A_706 : i32
    %lt3A_708 = arith.constant 0 : i32
    %lt3A_709 = arith.cmpi slt, %rem3A_705, %lt3A_708 : i32
    %lt3A_710 = arith.constant 0 : i32
    %lt3A_711 = arith.cmpi slt, %select_n3A_704, %lt3A_710 : i32
    %ne3A_712 = arith.xori %lt3A_709, %lt3A_711 : i1
    %and3A_713 = arith.andi %ne3A_712, %ne3A_707 : i1
    %add3A_714 = arith.addi %rem3A_705, %select_n3A_704 : i32
    %select_n3A_715 = arith.select %and3A_713, %add3A_714, %rem3A_705 : i32
    %add3A_716 = arith.addi %add3A_699, %select_n3A_715 : i32
    %dma_wait3A_717 = arith.constant 3072 : i32
    %dma_wait3A_718 = tpu.memref_slice %arg9[%dma_wait3A_717] : memref<4096xf32, #tpu.memory_space<vmem>> -> memref<1024xf32, #tpu.memory_space<vmem>>
    %dma_wait3A_719 = arith.constant 0 : i32
    %dma_wait3A_720 = tpu.memref_slice %arg4[%add3A_716, %dma_wait3A_719] : memref<102400x1024xf32, #tpu.memory_space<hbm>> -> memref<1x1024xf32, #tpu.memory_space<hbm>>
    %dma_wait3A_721 = tpu.memref_squeeze %dma_wait3A_720 : memref<1x1024xf32, #tpu.memory_space<hbm>> -> memref<1024xf32, #tpu.memory_space<hbm>>
    %dma_wait3A_722 = arith.constant 0 : i32
    %dma_wait3A_723 = tpu.memref_slice %arg4[%add3A_716, %dma_wait3A_722] : memref<102400x1024xf32, #tpu.memory_space<hbm>> -> memref<1x1024xf32, #tpu.memory_space<hbm>>
    %dma_wait3A_724 = tpu.memref_squeeze %dma_wait3A_723 : memref<1x1024xf32, #tpu.memory_space<hbm>> -> memref<1024xf32, #tpu.memory_space<hbm>>
    %dma_wait3A_725 = arith.constant 3072 : i32
    %dma_wait3A_726 = tpu.memref_slice %arg9[%dma_wait3A_725] : memref<4096xf32, #tpu.memory_space<vmem>> -> memref<1024xf32, #tpu.memory_space<vmem>>
    tpu.wait_dma2 semaphore(%arg12 : memref<!tpu.dma_semaphore, #tpu.memory_space<semaphore_mem>>) src(%dma_wait3A_726 : memref<1024xf32, #tpu.memory_space<vmem>>) dst(%dma_wait3A_724 : memref<1024xf32, #tpu.memory_space<hbm>>)
    return
  }
}

</mosaic_0001>

<sc_bundles>
// kernel: kernel.3.cloned.1.call-start
scs
__scs_entry_jumppad:
0x0: {  	(pc) =	sbr.rel $0x88, $3  }
0x1: {  	(tag) =	ssettag $0x0;
	lr =	simm.s32 $0x1  }
0x2: {  	[smem:$0x3F9F] =	sst lr;
	_ =	strace $0xD0000000  }
0x3: {  	_ = 	snop  }
0x4: {  	_ = 	snop  }
0x5: {  	_ = 	snop  }
0x6: {  	_ = 	snop  }
0x7: {  	_ = 	snop  }
__scs_overlays_trampoline_lowered:
0x8: {  	[smem:$0x3FAE] =	sst s0  }
0x9: {  	[smem:$0x3FAF] =	sst s1  }
0xa: {  	[smem:$0x3FB0] =	sst s2  }
0xb: {  	[smem:$0x3FB1] =	sst s3  }
0xc: {  	[smem:$0x3FB2] =	sst s4  }
0xd: {  	[smem:$0x3FB3] =	sst s5  }
0xe: {  	[smem:$0x3FB4] =	sst s6  }
0xf: {  	[smem:$0x3FB5] =	sst s7  }
0x10: {  	[smem:$0x3FB6] =	sst s8  }
0x11: {  	[smem:$0x3FB7] =	sst s9;
	s0 =	simm.s32 @!p0 $0x0  }
0x12: {  	s1 =	sld [smem:$0x3F9D];
	s0 =	simm.s32 @p0 $0x1  }
0x13: {  	[smem:$0x3FB8] =	sst s0;
	s0 =	simm.s32 @!p1 $0x0  }
0x14: {  	s2 =	sld [smem:$0x3F9C];
	s0 =	simm.s32 @p1 $0x1  }
0x15: {  	[smem:$0x3FB9] =	sst s0;
	s0 =	simm.s32 @!p2 $0x0  }
0x16: {  	s3 =	sld [smem:$0x3FDB];
	s0 =	simm.s32 @p2 $0x1  }
0x17: {  	s4 =	simm.s32 $0x1BF5;
	[smem:$0x3FBB] =	sst s0  }
0x18: {  	s0 =	sld [smem:$0x3F9E];
	_ =	swait.ge [sflag:s4], $0x0  }
0x19: {  	s7 =	sld [smem:$0x3F9F]  }
0x1a: {  	s8 =	sadd.s32 $0xFFFFE003, lr  }
0x1b: {  	s9 =	sadd.s32 $0xFFFFFEF7, lr;
	s5 =	simm.s32 $0xFFFFFFFF;
	p2 =	slt.u32 s8, $0xFFFFF086  }
0x1c: {  	p1 =	slt.u32 s9, $0xF7A;
	s5 =	simm.s32 @!p2 $0x0  }
0x1d: {  	s5 =	simm.s32 @p1 $0x1;
	p0 =	seq.s32 s7, s2  }
0x1e: {  	s7 =	smul.u32 @!p0 $0xF7A, s2;
	p2 =	seq.s32 @!p0 s5, $0x0  }
0x1f: {  	s9 =	smul.u32 $0xF7A, s1;
	s8 =	simm.s32 @!p0 $0x1BF5;
	p2 =	por !p2, p0  }
0x20: {  	[sflag:s8] =	ssyncset.s32 @!p0 $0xFFFFF086;
	s6 =	sadd.s32 @!p0 s3, s7;
	s7 =	simm.s32 @!p0 $0x108  }
0x21: {  	s3 =	sadd.s32 s3, s9;
	s6 =	sadd.s32 @!p0 $0x88, s6;
	s7 =	simm.s32 @p2 $0x1082  }
0x22: {  	[simem:s7], [sflag:s8] =	dma.local @!p0 [hbm:s6], $0xF7A  }
0x23: {  	s9 =	sor.u32 $0xD0000000, s2;
	s6 =	simm.s32 $0x108;
	_ =	swait.ge @!p0 [sflag:s8], $0x0  }
0x24: {  	s3 =	sadd.s32 $0x88, s3;
	s6 =	simm.s32 @!p1 $0x1082;
	[sflag:s4] =	ssyncset.s32 $0xFFFFF086  }
0x25: {  	[simem:s6], [sflag:s4] =	dma.local [hbm:s3], $0xF7A  }
0x26: {  	[smem:$0x3F9F] =	sst s1;
	(tag) =	ssettag s2;
	_ =	strace s9  }
0x27: {  	s1 =	sld [smem:$0x3FAF]  }
0x28: {  	s2 =	sld [smem:$0x3FB0]  }
0x29: {  	s4 =	sld [smem:$0x3FB2]  }
0x2a: {  	p0 =	seq.s32 s5, $0x0;
	s5 =	sld [smem:$0x3FB3]  }
0x2b: {  	s6 =	sld [smem:$0x3FB4]  }
0x2c: {  	s7 =	sld [smem:$0x3FB5]  }
0x2d: {  	s3 =	simm.s32 $0x108;
	s8 =	sld [smem:$0x3FB6]  }
0x2e: {  	s3 =	simm.s32 @!p0 $0x1082;
	s9 =	sld [smem:$0x3FB7]  }
0x2f: {  	lr =	sadd.s32 s0, s3;
	s0 =	sld [smem:$0x3FAE]  }
0x30: {  	s3 =	sld [smem:$0x3FB1]  }
0x31: {  	[smem:$0x3FBA] =	sst s10  }
0x32: {  	s10 =	sld [smem:$0x3FB8];
	_ =	sdelay $0x3  }
0x33: {  	p0 =	seq.s32 s10, $0x1;
	s10 =	sld [smem:$0x3FBA];
	_ =	sdelay $0x3  }
0x34: {  	[smem:$0x3FBA] =	sst s10  }
0x35: {  	s10 =	sld [smem:$0x3FB9];
	_ =	sdelay $0x3  }
0x36: {  	p1 =	seq.s32 s10, $0x1;
	s10 =	sld [smem:$0x3FBA];
	_ =	sdelay $0x3  }
0x37: {  	[smem:$0x3FBA] =	sst s10  }
0x38: {  	s10 =	sld [smem:$0x3FBB]  }
0x39: {  	_ = 	snop;
	(pc) =	sbr.ind lr, $3  }
0x3a: {  	_ = 	snop  }
0x3b: {  	_ = 	snop  }
0x3c: {  	p2 =	seq.s32 s10, $0x1;
	s10 =	sld [smem:$0x3FBA]  }
0x3d: {  	_ =	shalt  }
0x3e: {  	_ =	shalt  }
0x3f: {  	_ =	shalt  }
0x40: {  	_ =	shalt  }
0x41: {  	_ =	shalt  }
0x42: {  	_ =	shalt  }
0x43: {  	_ =	shalt  }
0x44: {  	_ =	shalt  }
0x45: {  	_ =	shalt  }
0x46: {  	_ =	shalt  }
0x47: {  	_ =	shalt  }
0x48: {  	_ =	shalt  }
0x49: {  	_ =	shalt  }
0x4a: {  	_ =	shalt  }
0x4b: {  	_ =	shalt  }
0x4c: {  	_ =	shalt  }
0x4d: {  	_ =	shalt  }
0x4e: {  	_ =	shalt  }
0x4f: {  	_ =	shalt  }
0x50: {  	_ =	shalt  }
0x51: {  	_ =	shalt  }
0x52: {  	_ =	shalt  }
0x53: {  	_ =	shalt  }
0x54: {  	_ =	shalt  }
0x55: {  	_ =	shalt  }
0x56: {  	_ =	shalt  }
0x57: {  	_ =	shalt  }
0x58: {  	_ =	shalt  }
0x59: {  	_ =	shalt  }
0x5a: {  	_ =	shalt  }
0x5b: {  	_ =	shalt  }
0x5c: {  	_ =	shalt  }
0x5d: {  	_ =	shalt  }
0x5e: {  	_ =	shalt  }
0x5f: {  	_ =	shalt  }
0x60: {  	_ =	shalt  }
0x61: {  	_ =	shalt  }
0x62: {  	_ =	shalt  }
0x63: {  	_ =	shalt  }
0x64: {  	_ =	shalt  }
0x65: {  	_ =	shalt  }
0x66: {  	_ =	shalt  }
0x67: {  	_ =	shalt  }
0x68: {  	_ =	shalt  }
0x69: {  	_ =	shalt  }
0x6a: {  	_ =	shalt  }
0x6b: {  	_ =	shalt  }
0x6c: {  	_ =	shalt  }
0x6d: {  	_ =	shalt  }
0x6e: {  	_ =	shalt  }
0x6f: {  	_ =	shalt  }
0x70: {  	_ =	shalt  }
0x71: {  	_ =	shalt  }
0x72: {  	_ =	shalt  }
0x73: {  	_ =	shalt  }
0x74: {  	_ =	shalt  }
0x75: {  	_ =	shalt  }
0x76: {  	_ =	shalt  }
0x77: {  	_ =	shalt  }
0x78: {  	_ =	shalt  }
0x79: {  	_ =	shalt  }
0x7a: {  	_ =	shalt  }
0x7b: {  	_ =	shalt  }
0x7c: {  	_ =	shalt  }
0x7d: {  	_ =	shalt  }
0x7e: {  	_ =	shalt  }
0x7f: {  	_ =	shalt  }
0x80: {  	_ =	shalt  }
0x81: {  	_ =	shalt  }
0x82: {  	_ =	shalt  }
0x83: {  	_ =	shalt  }
0x84: {  	_ =	shalt  }
0x85: {  	_ =	shalt  }
0x86: {  	_ =	shalt  }
0x87: {  	_ =	shalt  }
.Lfunc_end0:
.L_simem_size_0:
called_computation_lowered:
.L_overlay_start_0:
0x88: {  	s2 =	sld [smem:$0x3FD9]  }
0x89: {  	s3 =	sld [smem:$0x3FFE];
	_ =	sdelay $0x1  }
0x8a: {  	s1 =	srdreg.scid  }
0x8b: {  	s0 =	sand.u32 $0x1, s1  }
0x8c: {  	s17 =	sshll.u32 s0, $0xA;
	s2 =	sadd.s32 s3, s2  }
0x8d: {  	s2 =	sadd.s32 s2, s17  }
0x8e: {  	[smem:$0x3FC6] =	sst s2  }
0x8f: {  	_ = 	snop  }
0x90: {  	s2 =	sld [smem:$0x3FC9]  }
0x91: {  	s18 =	sld [smem:$0x3FD0];
	(tm) =	ssettm $0x1  }
0x92: {  	s4 =	sld [smem:$0x3FFB];
	_ =	sdelay $0x3  }
0x93: {  	_ =	strace s4  }
0x94: {  	s4 =	sld [smem:$0x3FFC];
	_ =	sdelay $0x3  }
0x95: {  	_ =	strace s4  }
0x96: {  	s4 =	sld [smem:$0x3FFD];
	_ =	sdelay $0x3  }
0x97: {  	_ =	strace s4  }
0x98: {  	_ =	strace $0x8FFFFFFF  }
0x99: {  	s19 =	sld [smem:$0x3FDB];
	_ =	sdelay $0x1  }
0x9a: {  	s5 =	simm.s32 $_scs_section_size  }
0x9b: {  	s6 =	simm.s32 $_size__tile_overlayer_lowered;
	s7 =	simm.s32 $_tile_overlayer_lowered  }
0x9c: {  	s22 =	simm.s32 $0x1BFF;
	s21 =	sshll.u32 s7, $0x1;
	s4 =	sadd.s32 s5, s19  }
0x9d: {  	s8 =	simm.s32 $0x0;
	s20 =	sshll.u32 s6, $0x1;
	s6 =	sadd.s32 s21, s4  }
0x9e: {  	[timem:s8], [sflag:s22] =	dma.local [hbm:s6], s20  }
0x9f: {  	_ =	swait.ge [sflag:s22], s20  }
0xa0: {  	s5 =	ssub.s32 $0x0, s20;
	[sflag:s22] =	ssyncset.done $0x0  }
0xa1: {  	[sflag:s22] =	ssyncadd.s32 s5;
	_ =	sdelay $0x1  }
0xa2: {  	s23 =	simm.s32 $0x1B8B  }
0xa3: {  	_ =	swait.ge [sflag:s23], $0x1  }
0xa4: {  	[sflag:s23] =	ssyncset.done $0x0  }
0xa5: {  	s25 =	simm.s32 $0x1B8E;
	s24 =	sld [smem:$0x3FFE];
	[sflag:s23] =	ssyncadd.s32 $0xFFFFFFFF  }
0xa6: {  	s26 =	simm.s32 $execute0_lowered;
	[smem:$0x3FD2] =	sst s25  }
0xa7: {  	s6 =	sshll.u32 s26, $0x1;
	_ =	strace $0x80000046;
	[dreg:$0x1] =	wrdreg $0xFFFFFFFF  }
0xa8: {  	s28 =	simm.s32 $_size_execute0_lowered;
	s4 =	sadd.s32 s4, s6;
	[dreg:$0x0] =	wrdreg $0x0  }
0xa9: {  	s6 =	sshll.u32 s28, $0x1;
	[dreg:$0x2] =	wrdreg s4  }
0xaa: {  	[dreg:$0x3] =	wrdreg s6  }
0xab: {  	[dreg:$0x4] =	wrdreg $0xC0  }
0xac: {  	_ =	task [dreg:s8], $0x5FFFF  }
0xad: {  	[dreg:$0x1] =	wrdreg $0xFFFFFFFF  }
0xae: {  	[dreg:$0x0] =	wrdreg $0x60  }
0xaf: {  	[dreg:$0x2] =	wrdreg s24  }
0xb0: {  	[dreg:$0x3] =	wrdreg s2  }
0xb1: {  	[dreg:$0x4] =	wrdreg s18  }
0xb2: {  	[dreg:$0x5] =	wrdreg $0x9  }
0xb3: {  	_ =	task.clear_ibuf [dreg:s8], $0x6FFFF;
	_ =	strace $0x90000046  }
0xb4: {  	s29 =	simm.s32 $0x9;
	_ =	strace $0x80000048  }
0xb5: {  	_ =	swait.ge [sflag:s29], $0x1  }
0xb6: {  	[sflag:s29] =	ssyncadd.s32 $0xFFFFFFFF  }
0xb7: {  	_ =	strace $0x90000048  }
0xb8: {  	_ =	sfence  }
0xb9: {  	s30 =	sld [smem:$0x0];
	_ =	sdelay $0x2  }
0xba: {  	s31 =	sshll.u32 s1, $0xD;
	s1 =	sshrl.u32 s1, $0x2  }
0xbb: {  	s3 =	sand.u32 $0x4000, s31;
	s1 =	sadd.s32 s1, s30  }
0xbc: {  	s0 =	sor.u32 s3, s0;
	s1 =	sshll.u32 s1, $0x11  }
0xbd: {  	s0 =	sor.u32 s1, s0  }
0xbe: {  	s0 =	sadd.s32 $0x8F2B, s0  }
0xbf: {  	[sflag:s0] =	ssyncadd.remote.s32 $0x1  }
0xc0: {  	_ =	sfence.sel $0xFFFF  }
0xc1: {  	[dreg:$0x0] =	wrdreg $0xFFFFFFFF;
	(pc) =	sbr.abs _section_cstart, $3  }
0xc2: {  	[dreg:$0x1] =	wrdreg $0xFFFFFFFF  }
0xc3: {  	_ =	task.clear_ibuf [dreg:s8], $0x2FFFF;
	_ =	strace $0x9FFFFFFF  }
0xc4: {  	(tm) =	ssettm $0x7FFFFFFF  }
0xc5: {  	_ =	shalt  }
tec
execute0_lowered:
.L_overlay_start_1:
0x0: {  	(tag) =	ssettag $0x1  }
0x1: {  	v0 =	vimm.s32 $0x63422100;
	vm0 =	vcmask $0xF00;
	v2 =	vimm.s32 $0xE7C6A584  }
0x2: {  	v3 =	vimm.s32 $0x3E7;
	vm14 =	vcmask $0x300;
	vm13 =	vcmask $0x704  }
0x3: {  	vm12 =	vcmask $0xB08;
	vm7 =	vcmask $0x1F10;
	vm11 =	vcmask $0xF0C  }
0x4: {  	vm10 =	vcmask $0x1310;
	vm5 =	vcmask $0x2320;
	vm9 =	vcmask $0x1714  }
0x5: {  	vm8 =	vcmask $0x1B18;
	vm6 =	vcmask $0x2724;
	vm4 =	vcmask $0x2B28  }
0x6: {  	vm3 =	vcmask $0x2F2C;
	vm2 =	vcmask $0x3330;
	vm1 =	vcmask $0x3734  }
0x7: {  	vm15 =	vcmask $0x3B38;
	v4 =	vimm.s32 $0x5E7;
	v6 =	vimm.s32 $0x7E7  }
0x8: {  	v8 =	vimm.s32 $0x9E7;
	v13 =	vimm.s32 $0xBE7;
	v16 =	vimm.s32 $0xDE7  }
0x9: {  	v17 =	vimm.s32 $0xFE7;
	v1 =	vunpack.c.0.s8.s32 v0;
	v0 =	vlaneseq.u32  }
0xa: {  	v2 =	vunpack.c.0.s8.s32 v2;
	v3 =	vsel vm14, $0x200, v3;
	v4 =	vsel vm14, $0x400, v4  }
0xb: {  	v6 =	vsel vm14, $0x600, v6;
	v8 =	vsel vm14, $0x800, v8;
	v14 =	vsel vm14, $0xA00, v13  }
0xc: {  	v16 =	vsel vm14, $0xC00, v16;
	v17 =	vsel vm14, $0xE00, v17;
	v3 =	vsel vm13, $0x221, v3  }
0xd: {  	v5 =	vsel vm13, $0x421, v4;
	v4 =	vor.u32 $0x10, v0;
	v6 =	vsel vm13, $0x621, v6  }
0xe: {  	v8 =	vsel vm13, $0x821, v8;
	v13 =	vor.u32 $0x40, v0;
	v15 =	vsel vm13, $0xA21, v14  }
0xf: {  	v14 =	vor.u32 $0xFC8, v0;
	v16 =	vsel vm13, $0xC21, v16;
	v17 =	vsel vm13, $0xE21, v17  }
0x10: {  	v20 =	vor.u32 $0x60, v0;
	v21 =	vor.u32 $0xFE8, v0;
	v23 =	vor.u32 $0x70, v0  }
0x11: {  	v24 =	vor.u32 $0xFF8, v0;
	v1 =	vand.u32 $0xFF, v1;
	v2 =	vand.u32 $0xFF, v2  }
0x12: {  	v3 =	vsel vm12, $0x242, v3;
	v7 =	vsel vm12, $0x442, v5;
	v5 =	vor.u32 $0xF98, v0  }
0x13: {  	v6 =	vsel vm12, $0x642, v6;
	v8 =	vsel vm12, $0x842, v8;
	v15 =	vsel vm12, $0xA42, v15  }
0x14: {  	v16 =	vsel vm12, $0xC42, v16;
	v17 =	vsel vm12, $0xE42, v17;
	v1 =	vnsel vm0, $0x1E7, v1  }
0x15: {  	v7 =	vsel vm11, $0x463, v7;
	v6 =	vsel vm11, $0x663, v6;
	v8 =	vsel vm11, $0x863, v8  }
0x16: {  	v15 =	vsel vm11, $0xA63, v15;
	v16 =	vsel vm11, $0xC63, v16;
	v17 =	vsel vm11, $0xE63, v17  }
0x17: {  	v1 =	vsel vm7, v2, v1;
	v2 =	vsel vm11, $0x263, v3;
	vm7 =	vcmask $0x1F1C  }
0x18: {  	v7 =	vsel vm10, $0x484, v7;
	v6 =	vsel vm10, $0x684, v6;
	v8 =	vsel vm10, $0x884, v8  }
0x19: {  	v15 =	vsel vm10, $0xA84, v15;
	v16 =	vsel vm10, $0xC84, v16;
	v17 =	vsel vm10, $0xE84, v17  }
0x1a: {  	v2 =	vsel vm10, $0x284, v2;
	v1 =	vsel vm5, $0x100, v1;
	v7 =	vsel vm9, $0x4A5, v7  }
0x1b: {  	v6 =	vsel vm9, $0x6A5, v6;
	v8 =	vsel vm9, $0x8A5, v8;
	v15 =	vsel vm9, $0xAA5, v15  }
0x1c: {  	v16 =	vsel vm9, $0xCA5, v16;
	v17 =	vsel vm9, $0xEA5, v17;
	v2 =	vsel vm9, $0x2A5, v2  }
0x1d: {  	v1 =	vsel vm6, $0x121, v1;
	v7 =	vsel vm8, $0x4C6, v7;
	v6 =	vsel vm8, $0x6C6, v6  }
0x1e: {  	v8 =	vsel vm8, $0x8C6, v8;
	v15 =	vsel vm8, $0xAC6, v15;
	v16 =	vsel vm8, $0xCC6, v16  }
0x1f: {  	v17 =	vsel vm8, $0xEC6, v17;
	v2 =	vsel vm8, $0x2C6, v2;
	v1 =	vsel vm4, $0x142, v1  }
0x20: {  	v7 =	vsel vm7, $0x4E7, v7;
	v6 =	vsel vm7, $0x6E7, v6;
	v8 =	vsel vm7, $0x8E7, v8  }
0x21: {  	v15 =	vsel vm7, $0xAE7, v15;
	v16 =	vsel vm7, $0xCE7, v16;
	v17 =	vsel vm7, $0xEE7, v17  }
0x22: {  	v2 =	vsel vm7, $0x2E7, v2;
	v1 =	vsel vm3, $0x163, v1;
	v7 =	vsel vm5, $0x500, v7  }
0x23: {  	v6 =	vsel vm5, $0x700, v6;
	v8 =	vsel vm5, $0x900, v8;
	v15 =	vsel vm5, $0xB00, v15  }
0x24: {  	v16 =	vsel vm5, $0xD00, v16;
	v17 =	vsel vm5, $0xF00, v17;
	v2 =	vsel vm5, $0x300, v2  }
0x25: {  	v1 =	vsel vm2, $0x184, v1;
	v7 =	vsel vm6, $0x521, v7;
	v6 =	vsel vm6, $0x721, v6  }
0x26: {  	v8 =	vsel vm6, $0x921, v8;
	v15 =	vsel vm6, $0xB21, v15;
	v16 =	vsel vm6, $0xD21, v16  }
0x27: {  	v17 =	vsel vm6, $0xF21, v17;
	v2 =	vsel vm6, $0x321, v2;
	v1 =	vsel vm1, $0x1A5, v1  }
0x28: {  	v7 =	vsel vm4, $0x542, v7;
	v6 =	vsel vm4, $0x742, v6;
	v10 =	vsel vm4, $0x942, v8  }
0x29: {  	s1 =	rddreg [dreg:$0x0];
	v8 =	vor.u32 $0xFA8, v0;
	v15 =	vsel vm4, $0xB42, v15;
	v16 =	vsel vm4, $0xD42, v16  }
0x2a: {  	s0 =	rddreg [dreg:$0x1];
	s2 =	srdreg.scid;
	v17 =	vsel vm4, $0xF42, v17;
	v2 =	vsel vm4, $0x342, v2;
	v1 =	vsel vm15, $0x1C6, v1  }
0x2b: {  	s4 =	stileid.u32;
	s3 =	rddreg [dreg:$0x2];
	v7 =	vsel vm3, $0x563, v7;
	v9 =	vsel vm3, $0x763, v6;
	v11 =	vsel vm3, $0x963, v10  }
0x2c: {  	s13 =	simm.s32 $0x1;
	s15 =	simm.s32 $0x80;
	s16 =	simm.s32 $0x800;
	v10 =	vor.u32 $0x30, v0;
	v15 =	vsel vm3, $0xB63, v15;
	v18 =	vsel vm3, $0xD63, v16  }
0x2d: {  	s17 =	simm.s32 $0x2;
	s18 =	simm.s32 $0x1800;
	s19 =	simm.s32 $0x2800;
	v16 =	vor.u32 $0x50, v0;
	v19 =	vsel vm3, $0xF63, v17;
	v17 =	vor.u32 $0xFD8, v0  }
0x2e: {  	s20 =	simm.s32 $0x2C00;
	s21 =	simm.s32 $0x3000;
	s22 =	simm.s32 $0x3400;
	v2 =	vsel vm3, $0x363, v2;
	v7 =	vsel vm2, $0x584, v7;
	v9 =	vsel vm2, $0x784, v9  }
0x2f: {  	s23 =	simm.s32 $0x3;
	s24 =	simm.s32 $0x3800;
	s25 =	simm.s32 $0x3C00;
	v12 =	vsel vm2, $0x984, v11;
	v11 =	vor.u32 $0xFB8, v0;
	v15 =	vsel vm2, $0xB84, v15  }
0x30: {  	s26 =	simm.s32 $0x4000;
	s2 =	sand.u32 $0x1, s2;
	s5 =	sshll.u32 s4, $0x1;
	v18 =	vsel vm2, $0xD84, v18;
	v19 =	vsel vm2, $0xF84, v19;
	v3 =	vsel vm2, $0x384, v2  }
0x31: {  	s28 =	simm.s32 $0x4400;
	s4 =	simm.s32 $0x0;
	s6 =	sor.u32 s2, s5;
	v2 =	vor.u32 $0xF88, v0;
	v7 =	vsel vm1, $0x5A5, v7;
	v9 =	vsel vm1, $0x7A5, v9  }
0x32: {  	s9 =	sadd.s32 $0x4000, s3;
	s29 =	ssub.s32 $0x2, s2;
	s7 =	smul.u32 $0x3200, s6;
	v12 =	vsel vm1, $0x9A5, v12;
	v15 =	vsel vm1, $0xBA5, v15;
	v18 =	vsel vm1, $0xDA5, v18  }
0x33: {  	s10 =	sadd.s32 $0x8000, s3;
	[smem:$0x7FF] =	sst s4;
	s8 =	sshrl.u32 s29, $0x1;
	v22 =	vsel vm1, $0xFA5, v19;
	v19 =	vmul.u32 $0x20, v0;
	v3 =	vsel vm1, $0x3A5, v3  }
0x34: {  	s5 =	sadd.s32 $0xF42800, s1;
	s1 =	ssub.s32 s29, s8;
	s30 =	sand.u32 $0x7C000, s7;
	v6 =	vsel vm15, $0x5C6, v7;
	v7 =	vor.u32 $0x20, v0;
	v9 =	vsel vm15, $0x7C6, v9  }
0x35: {  	s7 =	sand.u32 $0x3E00, s7;
	s31 =	smax.u32 s1, $0x1;
	s2 =	sadd.s32 s0, s30;
	v12 =	vsel vm15, $0x9C6, v12;
	v15 =	vsel vm15, $0xBC6, v15;
	v18 =	vsel vm15, $0xDC6, v18  }
0x36: {  	_ =	strace $0x80000047;
	[dreg:$0x6] =	wrdreg s31;
	s0 =	sadd.s32 s7, s2;
	v22 =	vsel vm15, $0xFC6, v22;
	v3 =	vsel vm15, $0x3C6, v3;
	v25 =	vor.u32 $0x200, v19  }
0x37: {  	s11 =	sadd.s32 $0xC000, s3;
	[dreg:$0x4] =	wrdreg s0;
	s0 =	sadd.s32 $0x80, s0;
	v26 =	vor.u32 $0x400, v19;
	v27 =	vor.u32 $0x600, v19;
	v28 =	vor.u32 $0x800, v19  }
0x38: {  	s6 =	smul.u32 $0x64, s6;
	s1 =	simm.s32 $0x0;
	[dreg:$0x5] =	wrdreg s0;
	v29 =	vor.u32 $0xA00, v19;
	v30 =	vor.u32 $0xC00, v19;
	v31 =	vor.u32 $0xE00, v19  }
.LBB2_1:
0x39: {  	[dreg:$0x7] =	wrdreg s1  }
0x3a: {  	s0 =	rddreg [dreg:$0x4]  }
0x3b: {  	[tilespmem:s4], [sflag:$0x1] =	stream.linear.gather [hbm4b:s0+s4], $0x400, $0x38;
	[tilespmem:$0x4800] =	vst v63  }
0x3c: {  	_ =	swait.ge [sflag:s13], $0x400  }
0x3d: {  	[sflag:s13] =	ssyncset.done $0x0  }
0x3e: {  	s31 =	simm.s32 $0x400;
	s29 =	rddreg [dreg:$0x5];
	[sflag:s13] =	ssyncadd.s32 $0xFFFFFC00  }
0x3f: {  	[tilespmem:s31], [sflag:$0x1] =	stream.linear.gather [hbm4b:s29+s4], $0x400, $0x38;
	[tilespmem:$0x4800] =	vst v63  }
0x40: {  	s30 =	simm.s32 $0x0  }
0x41: {  	[tilespmem:s16], [sflag:$0x2] =	stream.indirect.gather [hbm4b:s5+s15], $0x20, s4, s15, $0xb8;
	[tilespmem:$0x4800] =	vst v63  }
.LBB2_2:
0x42: {  	s31 =	sshllo.u32 s30, $0x1  }
0x43: {  	_ =	swait.ge [sflag:s17], $0x1000;
	s1 =	sshll.u32 s30, $0x8;
	s2 =	sshll.u32 s31, $0x7  }
0x44: {  	[sflag:s17] =	ssyncset.done $0x0;
	s1 =	sand.u32 $0x400, s1;
	s2 =	sand.u32 $0x380, s2  }
0x45: {  	p0 =	seq.s32 s30, $0x0;
	[sflag:s17] =	ssyncadd.s32 $0xFFFFF000;
	s1 =	sor.u32 s2, s1  }
0x46: {  	[tilespmem:s18], [sflag:$0x2] =	stream.indirect.gather [hbm4b:s5+s15], $0x20, s1, s15, $0xb8;
	[tilespmem:$0x4800] =	vst v63  }
0x47: {  	s1 =	simm.s32 @!p0 $0x3  }
0x48: {  	_ =	swait.ge @!p0 [sflag:s1], $0x400  }
0x49: {  	[sflag:s1] =	ssyncset.done @!p0 $0x0  }
0x4a: {  	[sflag:s1] =	ssyncadd.s32 @!p0 $0xFFFFFC00  }
0x4b: {  	_ =	swait.ge @!p0 [sflag:s1], $0x400  }
0x4c: {  	[sflag:s1] =	ssyncset.done @!p0 $0x0  }
0x4d: {  	[sflag:s1] =	ssyncadd.s32 @!p0 $0xFFFFFC00  }
0x4e: {  	_ =	swait.ge @!p0 [sflag:s1], $0x400  }
0x4f: {  	[sflag:s1] =	ssyncset.done @!p0 $0x0  }
0x50: {  	[sflag:s1] =	ssyncadd.s32 @!p0 $0xFFFFFC00  }
0x51: {  	_ =	swait.ge @!p0 [sflag:s1], $0x400  }
0x52: {  	[sflag:s1] =	ssyncset.done @!p0 $0x0  }
0x53: {  	s14 =	sshll.u32 s30, $0x1;
	[sflag:s1] =	ssyncadd.s32 @!p0 $0xFFFFFC00;
	s1 =	simm.s32 $0x0  }
.LBB2_3:
0x54: {  	v32 =	vadd.s32 s1, v0;
	s2 =	sadd.s32 $0x1, s1  }
0x55: {  	v36 =	vand.u32 $0x18, v32;
	v34 =	vadd.s32 s2, v0  }
0x56: {  	v33 =	vor.u32 v1, v36;
	v37 =	vand.u32 $0x1F, v34  }
0x57: {  	v35 =	vor.u32 v19, v37;
	_ =	sdelay $0x1  }
0x58: {  	v38 =	vshll.u32 v32, $0x7  }
0x59: {  	v32 =	vor.u32 v0, v38;
	v39 =	vshll.u32 v34, $0x7  }
0x5a: {  	v32 =	vand.u32 v2, v32;
	v40 =	vor.u32 v0, v39;
	v33 =	vld.idx.msk [tilespmem:v33+s16+$0x0], $0xffff  }
0x5b: {  	v59 =	vor.u32 v3, v36;
	v40 =	vand.u32 v2, v40;
	v35 =	vld.idx.msk [tilespmem:v35+s16+$0x0], $0xffff  }
0x5c: {  	v41 =	vor.u32 v25, v37;
	_ =	sdelay $0x2  }
0x5d: {  	v60 =	vor.u32 v4, v38;
	[tilespmem:v32+s19+$0x0] =	vst.idx.msk $0xffff, v33  }
0x5e: {  	s29 =	sadd.s32 $0x2, s1;
	v61 =	vor.u32 v4, v39;
	v32 =	vand.u32 v5, v60;
	v34 =	vld.idx.msk [tilespmem:v59+s16+$0x0], $0xffff;
	[tilespmem:v40+s19+$0x0] =	vst.idx.msk $0xffff, v35  }
0x5f: {  	v63 =	vadd.s32 s29, v0;
	v42 =	vor.u32 v6, v36;
	v62 =	vand.u32 v5, v61;
	v35 =	vld.idx.msk [tilespmem:v41+s16+$0x0], $0xffff  }
0x60: {  	v43 =	vor.u32 v26, v37;
	v33 =	vand.u32 $0x1F, v63  }
0x61: {  	v44 =	vor.u32 v19, v33  }
0x62: {  	v48 =	vor.u32 v7, v38  }
0x63: {  	v49 =	vand.u32 v8, v48;
	[tilespmem:v32+s19+$0x0] =	vst.idx.msk $0xffff, v34  }
0x64: {  	v50 =	vor.u32 v7, v39;
	v32 =	vshll.u32 v63, $0x7;
	v34 =	vld.idx.msk [tilespmem:v42+s16+$0x0], $0xffff;
	[tilespmem:v62+s19+$0x0] =	vst.idx.msk $0xffff, v35  }
0x65: {  	v51 =	vor.u32 v9, v36;
	v35 =	vand.u32 v8, v50;
	v53 =	vor.u32 v0, v32;
	v52 =	vld.idx.msk [tilespmem:v43+s16+$0x0], $0xffff  }
0x66: {  	v45 =	vor.u32 v27, v37;
	v44 =	vld.idx.msk [tilespmem:v44+s16+$0x0], $0xffff;
	v43 =	vand.u32 v2, v53  }
0x67: {  	v46 =	vor.u32 v25, v33;
	_ =	sdelay $0x1  }
0x68: {  	v47 =	vor.u32 v10, v38;
	v55 =	vor.u32 v12, v36;
	[tilespmem:v49+s19+$0x0] =	vst.idx.msk $0xffff, v34  }
0x69: {  	v54 =	vand.u32 v11, v47;
	v56 =	vor.u32 v10, v39;
	v40 =	vld.idx.msk [tilespmem:v51+s16+$0x0], $0xffff;
	[tilespmem:v35+s19+$0x0] =	vst.idx.msk $0xffff, v52  }
0x6a: {  	v57 =	vand.u32 v11, v56;
	v58 =	vor.u32 v4, v32;
	[tilespmem:v43+s19+$0x0] =	vst.idx.msk $0xffff, v44;
	v41 =	vld.idx.msk [tilespmem:v45+s16+$0x0], $0xffff  }
0x6b: {  	s0 =	sadd.s32 $0x3, s1;
	v59 =	vor.u32 v28, v37;
	v60 =	vand.u32 v5, v58;
	v44 =	vld.idx.msk [tilespmem:v46+s16+$0x0], $0xffff  }
0x6c: {  	v48 =	vadd.s32 s0, v0;
	v61 =	vor.u32 v26, v33  }
0x6d: {  	v50 =	vor.u32 v15, v36;
	v35 =	vand.u32 $0x1F, v48  }
0x6e: {  	v49 =	vor.u32 v13, v38;
	v63 =	vor.u32 v19, v35;
	[tilespmem:v54+s19+$0x0] =	vst.idx.msk $0xffff, v40  }
0x6f: {  	v62 =	vand.u32 v14, v49;
	v54 =	vor.u32 v13, v39;
	v42 =	vld.idx.msk [tilespmem:v55+s16+$0x0], $0xffff;
	[tilespmem:v57+s19+$0x0] =	vst.idx.msk $0xffff, v41  }
0x70: {  	v56 =	vor.u32 v7, v32;
	v55 =	vand.u32 v14, v54;
	[tilespmem:v60+s19+$0x0] =	vst.idx.msk $0xffff, v44;
	v41 =	vld.idx.msk [tilespmem:v59+s16+$0x0], $0xffff  }
0x71: {  	v34 =	vshll.u32 v48, $0x7;
	v57 =	vor.u32 v29, v37;
	v58 =	vld.idx.msk [tilespmem:v61+s16+$0x0], $0xffff;
	v59 =	vand.u32 v8, v56  }
0x72: {  	v48 =	vor.u32 v0, v34;
	v60 =	vor.u32 v27, v33  }
0x73: {  	v51 =	vor.u32 v16, v38;
	v48 =	vand.u32 v2, v48;
	v49 =	vld.idx.msk [tilespmem:v63+s16+$0x0], $0xffff  }
0x74: {  	v63 =	vor.u32 v18, v36;
	[tilespmem:v62+s19+$0x0] =	vst.idx.msk $0xffff, v42;
	v62 =	vor.u32 v25, v35  }
0x75: {  	v54 =	vor.u32 v16, v39;
	v61 =	vand.u32 v17, v51;
	v50 =	vld.idx.msk [tilespmem:v50+s16+$0x0], $0xffff;
	[tilespmem:v55+s19+$0x0] =	vst.idx.msk $0xffff, v41  }
0x76: {  	v41 =	vand.u32 v17, v54;
	[tilespmem:v59+s19+$0x0] =	vst.idx.msk $0xffff, v58;
	v55 =	vor.u32 v10, v32;
	v43 =	vld.idx.msk [tilespmem:v57+s16+$0x0], $0xffff  }
0x77: {  	v56 =	vor.u32 v30, v37;
	v46 =	vld.idx.msk [tilespmem:v60+s16+$0x0], $0xffff;
	v44 =	vand.u32 v11, v55  }
0x78: {  	[tilespmem:v48+s19+$0x0] =	vst.idx.msk $0xffff, v49;
	v58 =	vor.u32 v4, v34;
	v57 =	vor.u32 v28, v33  }
0x79: {  	v36 =	vor.u32 v22, v36;
	v48 =	vand.u32 v5, v58;
	v42 =	vld.idx.msk [tilespmem:v62+s16+$0x0], $0xffff  }
0x7a: {  	v59 =	vor.u32 v20, v38;
	[tilespmem:v61+s19+$0x0] =	vst.idx.msk $0xffff, v50;
	v61 =	vor.u32 v26, v35  }
0x7b: {  	v60 =	vand.u32 v21, v59;
	v62 =	vor.u32 v20, v39;
	v50 =	vld.idx.msk [tilespmem:v63+s16+$0x0], $0xffff;
	[tilespmem:v41+s19+$0x0] =	vst.idx.msk $0xffff, v43  }
0x7c: {  	v41 =	vand.u32 v21, v62;
	[tilespmem:v44+s19+$0x0] =	vst.idx.msk $0xffff, v46;
	v63 =	vor.u32 v13, v32;
	v43 =	vld.idx.msk [tilespmem:v56+s16+$0x0], $0xffff  }
0x7d: {  	v52 =	vor.u32 v29, v33;
	v37 =	vor.u32 v31, v37;
	v51 =	vld.idx.msk [tilespmem:v57+s16+$0x0], $0xffff;
	v44 =	vand.u32 v14, v63  }
0x7e: {  	v53 =	vor.u32 v7, v34;
	v38 =	vor.u32 v23, v38;
	[tilespmem:v48+s19+$0x0] =	vst.idx.msk $0xffff, v42  }
0x7f: {  	s8 =	sadd.s32 $0x5, s1;
	v55 =	vor.u32 v27, v35;
	v39 =	vor.u32 v23, v39;
	v42 =	vand.u32 v8, v53;
	v54 =	vld.idx.msk [tilespmem:v61+s16+$0x0], $0xffff  }
0x80: {  	s7 =	sadd.s32 $0x4, s1;
	v38 =	vand.u32 v24, v38;
	v58 =	vadd.s32 s8, v0;
	v56 =	vand.u32 v24, v39;
	[tilespmem:v60+s19+$0x0] =	vst.idx.msk $0xffff, v50  }
0x81: {  	v62 =	vadd.s32 s7, v0;
	v39 =	vand.u32 $0x1F, v58;
	v53 =	vor.u32 v20, v32;
	v36 =	vld.idx.msk [tilespmem:v36+s16+$0x0], $0xffff;
	[tilespmem:v41+s19+$0x0] =	vst.idx.msk $0xffff, v43  }
0x82: {  	v61 =	vor.u32 v10, v34;
	v60 =	vor.u32 v16, v32;
	[tilespmem:v44+s19+$0x0] =	vst.idx.msk $0xffff, v51;
	v37 =	vld.idx.msk [tilespmem:v37+s16+$0x0], $0xffff  }
0x83: {  	s12 =	sadd.s32 $0x6, s1;
	v53 =	vand.u32 v21, v53;
	v45 =	vand.u32 v17, v60;
	v41 =	vand.u32 $0x1F, v62;
	v44 =	vld.idx.msk [tilespmem:v52+s16+$0x0], $0xffff  }
0x84: {  	v57 =	vand.u32 v11, v61;
	v60 =	vadd.s32 s12, v0;
	v59 =	vor.u32 v19, v41;
	[tilespmem:v42+s19+$0x0] =	vst.idx.msk $0xffff, v54  }
0x85: {  	s29 =	sadd.s32 $0x7, s1;
	v51 =	vor.u32 v30, v33;
	v52 =	vor.u32 v19, v39;
	v40 =	vand.u32 $0x1F, v60;
	v63 =	vld.idx.msk [tilespmem:v55+s16+$0x0], $0xffff  }
0x86: {  	v48 =	vor.u32 v25, v41;
	v54 =	vor.u32 v19, v40;
	v55 =	vadd.s32 s29, v0;
	[tilespmem:v38+s19+$0x0] =	vst.idx.msk $0xffff, v36  }
0x87: {  	v36 =	vshll.u32 v62, $0x7;
	v43 =	vand.u32 $0x1F, v55;
	v38 =	vshll.u32 v60, $0x7;
	[tilespmem:v56+s19+$0x0] =	vst.idx.msk $0xffff, v37  }
0x88: {  	[tilespmem:v45+s19+$0x0] =	vst.idx.msk $0xffff, v44;
	v61 =	vor.u32 v0, v36;
	v37 =	vshll.u32 v58, $0x7;
	v45 =	vor.u32 v19, v43  }
0x89: {  	v44 =	vor.u32 v28, v35;
	v46 =	vld.idx.msk [tilespmem:v59+s16+$0x0], $0xffff;
	v47 =	vand.u32 v2, v61;
	v62 =	vor.u32 v0, v37  }
0x8a: {  	v49 =	vld.idx.msk [tilespmem:v52+s16+$0x0], $0xffff;
	v60 =	vor.u32 v0, v38;
	[tilespmem:v57+s19+$0x0] =	vst.idx.msk $0xffff, v63;
	v63 =	vand.u32 v2, v62  }
0x8b: {  	v42 =	vshll.u32 v55, $0x7;
	v61 =	vor.u32 v25, v39;
	v56 =	vand.u32 v2, v60;
	v54 =	vld.idx.msk [tilespmem:v54+s16+$0x0], $0xffff  }
0x8c: {  	v58 =	vor.u32 v0, v42;
	v59 =	vor.u32 v4, v36;
	v57 =	vor.u32 v25, v40  }
0x8d: {  	v58 =	vand.u32 v2, v58;
	v60 =	vor.u32 v4, v38;
	v62 =	vor.u32 v13, v34;
	v45 =	vld.idx.msk [tilespmem:v45+s16+$0x0], $0xffff  }
0x8e: {  	v55 =	vand.u32 v14, v62;
	v44 =	vld.idx.msk [tilespmem:v44+s16+$0x0], $0xffff;
	[tilespmem:v47+s19+$0x0] =	vst.idx.msk $0xffff, v46;
	v47 =	vor.u32 v25, v43  }
0x8f: {  	v46 =	vand.u32 v5, v59;
	v48 =	vld.idx.msk [tilespmem:v48+s16+$0x0], $0xffff;
	[tilespmem:v63+s19+$0x0] =	vst.idx.msk $0xffff, v49;
	v63 =	vor.u32 v4, v37  }
0x90: {  	v59 =	vor.u32 v26, v41;
	[tilespmem:v56+s19+$0x0] =	vst.idx.msk $0xffff, v54;
	v50 =	vld.idx.msk [tilespmem:v61+s16+$0x0], $0xffff;
	v49 =	vand.u32 v5, v63  }
0x91: {  	v33 =	vor.u32 v31, v33;
	v52 =	vand.u32 v5, v60;
	v56 =	vld.idx.msk [tilespmem:v57+s16+$0x0], $0xffff;
	v61 =	vor.u32 v26, v39  }
0x92: {  	v62 =	vor.u32 v26, v40;
	v63 =	vor.u32 v4, v42;
	[tilespmem:v58+s19+$0x0] =	vst.idx.msk $0xffff, v45  }
0x93: {  	v60 =	vor.u32 v7, v37;
	[tilespmem:v55+s19+$0x0] =	vst.idx.msk $0xffff, v44;
	v45 =	vand.u32 v5, v63;
	v47 =	vld.idx.msk [tilespmem:v47+s16+$0x0], $0xffff  }
0x94: {  	v58 =	vor.u32 v7, v36;
	[tilespmem:v46+s19+$0x0] =	vst.idx.msk $0xffff, v48;
	v46 =	vor.u32 v26, v43  }
0x95: {  	v55 =	vor.u32 v27, v41;
	v44 =	vand.u32 v8, v58;
	v48 =	vld.idx.msk [tilespmem:v59+s16+$0x0], $0xffff;
	[tilespmem:v49+s19+$0x0] =	vst.idx.msk $0xffff, v50  }
0x96: {  	[tilespmem:v52+s19+$0x0] =	vst.idx.msk $0xffff, v56;
	v49 =	vand.u32 v8, v60;
	v50 =	vld.idx.msk [tilespmem:v61+s16+$0x0], $0xffff;
	v61 =	vor.u32 v7, v38  }
0x97: {  	v54 =	vor.u32 v29, v35;
	v56 =	vor.u32 v27, v39;
	v57 =	vld.idx.msk [tilespmem:v62+s16+$0x0], $0xffff;
	v52 =	vand.u32 v8, v61  }
0x98: {  	v58 =	vor.u32 v27, v40;
	v62 =	vor.u32 v7, v42;
	[tilespmem:v45+s19+$0x0] =	vst.idx.msk $0xffff, v47  }
0x99: {  	v63 =	vor.u32 v16, v34;
	v59 =	vor.u32 v28, v41;
	v45 =	vand.u32 v8, v62;
	v46 =	vld.idx.msk [tilespmem:v46+s16+$0x0], $0xffff  }
0x9a: {  	v60 =	vor.u32 v10, v36;
	[tilespmem:v44+s19+$0x0] =	vst.idx.msk $0xffff, v48;
	v48 =	vor.u32 v27, v43  }
0x9b: {  	v61 =	vor.u32 v10, v37;
	v44 =	vand.u32 v11, v60;
	v55 =	vld.idx.msk [tilespmem:v55+s16+$0x0], $0xffff;
	[tilespmem:v49+s19+$0x0] =	vst.idx.msk $0xffff, v50  }
0x9c: {  	v62 =	vor.u32 v10, v38;
	v49 =	vand.u32 v11, v61;
	v50 =	vld.idx.msk [tilespmem:v56+s16+$0x0], $0xffff;
	[tilespmem:v52+s19+$0x0] =	vst.idx.msk $0xffff, v57  }
0x9d: {  	v47 =	vand.u32 v17, v63;
	v56 =	vor.u32 v28, v39;
	v52 =	vand.u32 v11, v62;
	v57 =	vld.idx.msk [tilespmem:v58+s16+$0x0], $0xffff  }
0x9e: {  	v58 =	vor.u32 v28, v40;
	[tilespmem:v45+s19+$0x0] =	vst.idx.msk $0xffff, v46;
	v45 =	vor.u32 v10, v42  }
0x9f: {  	v63 =	vor.u32 v13, v37;
	v60 =	vor.u32 v13, v36;
	v48 =	vld.idx.msk [tilespmem:v48+s16+$0x0], $0xffff;
	v45 =	vand.u32 v11, v45  }
0xa0: {  	v54 =	vld.idx.msk [tilespmem:v54+s16+$0x0], $0xffff;
	v61 =	vor.u32 v13, v38;
	[tilespmem:v44+s19+$0x0] =	vst.idx.msk $0xffff, v55;
	v55 =	vor.u32 v28, v43  }
0xa1: {  	v46 =	vor.u32 v30, v35;
	v44 =	vand.u32 v14, v60;
	v59 =	vld.idx.msk [tilespmem:v59+s16+$0x0], $0xffff;
	[tilespmem:v49+s19+$0x0] =	vst.idx.msk $0xffff, v50  }
0xa2: {  	v60 =	vor.u32 v29, v41;
	v49 =	vand.u32 v14, v63;
	v50 =	vld.idx.msk [tilespmem:v56+s16+$0x0], $0xffff;
	[tilespmem:v52+s19+$0x0] =	vst.idx.msk $0xffff, v57  }
0xa3: {  	v62 =	vor.u32 v20, v34;
	v57 =	vor.u32 v29, v39;
	v52 =	vand.u32 v14, v61;
	v58 =	vld.idx.msk [tilespmem:v58+s16+$0x0], $0xffff  }
0xa4: {  	v51 =	vld.idx.msk [tilespmem:v51+s16+$0x0], $0xffff;
	v63 =	vor.u32 v13, v42;
	[tilespmem:v45+s19+$0x0] =	vst.idx.msk $0xffff, v48;
	v45 =	vor.u32 v29, v40  }
0xa5: {  	[tilespmem:v47+s19+$0x0] =	vst.idx.msk $0xffff, v54;
	v47 =	vand.u32 v21, v62;
	v48 =	vand.u32 v14, v63;
	v54 =	vld.idx.msk [tilespmem:v55+s16+$0x0], $0xffff  }
0xa6: {  	v46 =	vld.idx.msk [tilespmem:v46+s16+$0x0], $0xffff;
	v61 =	vor.u32 v16, v36;
	v55 =	vor.u32 v29, v43;
	[tilespmem:v44+s19+$0x0] =	vst.idx.msk $0xffff, v59  }
0xa7: {  	v62 =	vor.u32 v16, v37;
	v44 =	vand.u32 v17, v61;
	[tilespmem:v49+s19+$0x0] =	vst.idx.msk $0xffff, v50;
	v49 =	vld.idx.msk [tilespmem:v60+s16+$0x0], $0xffff  }
0xa8: {  	v63 =	vor.u32 v16, v38;
	v50 =	vand.u32 v17, v62;
	[tilespmem:v52+s19+$0x0] =	vst.idx.msk $0xffff, v58;
	v52 =	vld.idx.msk [tilespmem:v57+s16+$0x0], $0xffff  }
0xa9: {  	[tilespmem:v53+s19+$0x0] =	vst.idx.msk $0xffff, v51;
	v59 =	vand.u32 v17, v63;
	v60 =	vor.u32 v30, v41;
	v45 =	vld.idx.msk [tilespmem:v45+s16+$0x0], $0xffff  }
0xaa: {  	v61 =	vor.u32 v16, v42;
	v62 =	vor.u32 v30, v39;
	[tilespmem:v48+s19+$0x0] =	vst.idx.msk $0xffff, v54  }
0xab: {  	v56 =	vor.u32 v30, v40;
	v53 =	vand.u32 v17, v61;
	[tilespmem:v47+s19+$0x0] =	vst.idx.msk $0xffff, v46;
	v63 =	vld.idx.msk [tilespmem:v55+s16+$0x0], $0xffff  }
0xac: {  	v35 =	vor.u32 v31, v35;
	v57 =	vor.u32 v30, v43;
	[tilespmem:v44+s19+$0x0] =	vst.idx.msk $0xffff, v49  }
0xad: {  	v61 =	vor.u32 v20, v42;
	v58 =	vor.u32 v20, v36;
	[tilespmem:v50+s19+$0x0] =	vst.idx.msk $0xffff, v52  }
0xae: {  	v48 =	vld.idx.msk [tilespmem:v60+s16+$0x0], $0xffff;
	[tilespmem:v59+s19+$0x0] =	vst.idx.msk $0xffff, v45;
	v45 =	vand.u32 v21, v58;
	v59 =	vor.u32 v20, v37  }
0xaf: {  	v41 =	vor.u32 v31, v41;
	v60 =	vor.u32 v20, v38;
	v46 =	vld.idx.msk [tilespmem:v62+s16+$0x0], $0xffff;
	v50 =	vand.u32 v21, v59  }
0xb0: {  	v39 =	vor.u32 v31, v39;
	v47 =	vand.u32 v21, v60;
	[tilespmem:v53+s19+$0x0] =	vst.idx.msk $0xffff, v63;
	v44 =	vld.idx.msk [tilespmem:v56+s16+$0x0], $0xffff  }
0xb1: {  	v32 =	vor.u32 v23, v32;
	v40 =	vor.u32 v31, v40;
	v51 =	vand.u32 v21, v61;
	v49 =	vld.idx.msk [tilespmem:v57+s16+$0x0], $0xffff  }
0xb2: {  	v32 =	vand.u32 v24, v32;
	v33 =	vld.idx.msk [tilespmem:v33+s16+$0x0], $0xffff;
	v34 =	vor.u32 v23, v34;
	v43 =	vor.u32 v31, v43  }
0xb3: {  	v34 =	vand.u32 v24, v34;
	v35 =	vld.idx.msk [tilespmem:v35+s16+$0x0], $0xffff;
	v36 =	vor.u32 v23, v36;
	[tilespmem:v45+s19+$0x0] =	vst.idx.msk $0xffff, v48  }
0xb4: {  	v36 =	vand.u32 v24, v36;
	v37 =	vor.u32 v23, v37;
	[tilespmem:v50+s19+$0x0] =	vst.idx.msk $0xffff, v46;
	v41 =	vld.idx.msk [tilespmem:v41+s16+$0x0], $0xffff  }
0xb5: {  	v38 =	vor.u32 v23, v38;
	v37 =	vand.u32 v24, v37;
	[tilespmem:v47+s19+$0x0] =	vst.idx.msk $0xffff, v44;
	v39 =	vld.idx.msk [tilespmem:v39+s16+$0x0], $0xffff  }
0xb6: {  	v42 =	vor.u32 v23, v42;
	v38 =	vand.u32 v24, v38;
	[tilespmem:v51+s19+$0x0] =	vst.idx.msk $0xffff, v49;
	v40 =	vld.idx.msk [tilespmem:v40+s16+$0x0], $0xffff  }
0xb7: {  	p1 =	slt.u32 s1, $0x18;
	[tilespmem:v32+s19+$0x0] =	vst.idx.msk $0xffff, v33;
	v63 =	vand.u32 v24, v42;
	v62 =	vld.idx.msk [tilespmem:v43+s16+$0x0], $0xffff  }
.Ltmp0:
0xb8: {  	[tilespmem:v34+s19+$0x0] =	vst.idx.msk $0xffff, v35;
	(pc) =	sbr.rel @p1 .LBB2_3-.Ltmp0, $4  }
0xb9: {  	[tilespmem:v36+s19+$0x0] =	vst.idx.msk $0xffff, v41  }
0xba: {  	[tilespmem:v37+s19+$0x0] =	vst.idx.msk $0xffff, v39  }
0xbb: {  	[tilespmem:v38+s19+$0x0] =	vst.idx.msk $0xffff, v40  }
0xbc: {  	s1 =	sadd.s32 $0x8, s1;
	[tilespmem:v63+s19+$0x0] =	vst.idx.msk $0xffff, v62  }
0xbd: {  	s1 =	sshrl.u32 s30, $0x2  }
0xbe: {  	s1 =	sadd.s32 s6, s1  }
0xbf: {  	s8 =	sshll.u32 s30, $0xA;
	s2 =	sshll.u32 s1, $0x5  }
0xc0: {  	s8 =	sand.u32 $0xC00, s8;
	s2 =	sand.u32 $0x7FFFF000, s2  }
0xc1: {  	s1 =	sand.u32 $0x7F, s1;
	s8 =	sor.u32 s2, s8  }
0xc2: {  	s8 =	sor.u32 s1, s8  }
0xc3: {  	s8 =	sshll.u32 s8, $0x7  }
0xc4: {  	s8 =	sand.u32 $0x1FFE3F80, s8  }
0xc5: {  	s12 =	sadd.s32 s3, s8  }
0xc6: {  	[hbm4b:s12+s4] =	stream.linear.scatter [tilespmem:s19], [sflag:$0x3], $0x400, $0x38;
	[tilespmem:$0x4800] =	vst v63  }
0xc7: {  	s7 =	sadd.s32 s8, s9  }
0xc8: {  	[hbm4b:s7+s4] =	stream.linear.scatter [tilespmem:s20], [sflag:$0x3], $0x400, $0x38;
	[tilespmem:$0x4800] =	vst v63  }
0xc9: {  	p1 =	seq.s32 s30, $0x18F;
	s29 =	sadd.s32 s8, s10  }
0xca: {  	[hbm4b:s29+s4] =	stream.linear.scatter [tilespmem:s21], [sflag:$0x3], $0x400, $0x38;
	[tilespmem:$0x4800] =	vst v63  }
.Ltmp1:
0xcb: {  	s8 =	sadd.s32 s8, s11;
	(pc) =	sbr.rel @p1 .LBB2_10-.Ltmp1, $4  }
0xcc: {  	[hbm4b:s8+s4] =	stream.linear.scatter [tilespmem:s22], [sflag:$0x3], $0x400, $0x38;
	[tilespmem:$0x4800] =	vst v63  }
0xcd: {  	_ =	swait.ge [sflag:s17], $0x1000  }
0xce: {  	[sflag:s17] =	ssyncset.done $0x0  }
0xcf: {  	[sflag:s17] =	ssyncadd.s32 $0xFFFFF000  }
0xd0: {  	s8 =	sadd.s32 $0x2, s14  }
0xd1: {  	s14 =	sand.u32 $0x6, s8  }
0xd2: {  	p1 =	sne.s32 s14, $0x0  }
.Ltmp2:
0xd3: {  	_ = 	snop;
	(pc) =	sbr.rel @p1 .LBB2_9-.Ltmp2, $2  }
0xd4: {  	_ =	sdelay $0x2  }
0xd5: {  	s8 =	sshrl.u32 s8, $0x3  }
0xd6: {  	p1 =	slt.u32 s30, $0x18B  }
.Ltmp3:
0xd7: {  	_ = 	snop;
	(pc) =	sbr.rel @!p1 .LBB2_7-.Ltmp3, $4  }
0xd8: {  	_ = 	snop  }
0xd9: {  	_ =	swait.ge [sflag:s13], $0x400  }
0xda: {  	[sflag:s13] =	ssyncset.done $0x0  }
0xdb: {  	[sflag:s13] =	ssyncadd.s32 $0xFFFFFC00  }
0xdc: {  	s12 =	sadd.s32 $0x1, s8  }
0xdd: {  	s7 =	sadd.s32 s6, s12  }
0xde: {  	s7 =	sshll.u32 s7, $0x7  }
0xdf: {  	s29 =	rddreg [dreg:$0x1];
	s0 =	sand.u32 $0x1FFFC000, s7  }
0xe0: {  	s12 =	sshll.u32 s12, $0xA;
	s7 =	sand.u32 $0x3F80, s7;
	s0 =	sadd.s32 s29, s0  }
0xe1: {  	s12 =	sand.u32 $0x400, s12;
	s0 =	sadd.s32 s7, s0  }
0xe2: {  	[tilespmem:s12], [sflag:$0x1] =	stream.linear.gather [hbm4b:s0+s4], $0x400, $0x38;
	[tilespmem:$0x4800] =	vst v63  }
.LBB2_9:
.Ltmp4:
0xe3: {  	(pc) =	sbr.rel @!p0 .LBB2_10-.Ltmp4, $4  }
.Ltmp5:
0xe4: {  	s0 =	sshll.u32 s8, $0xA;
	(pc) =	sbr.rel @p0 .LBB2_11-.Ltmp5, $4  }
0xe5: {  	s7 =	sshll.u32 s14, $0x7;
	s0 =	sand.u32 $0x400, s0  }
0xe6: {  	s0 =	sor.u32 s7, s0  }
0xe7: {  	[tilespmem:s16], [sflag:$0x2] =	stream.indirect.gather [hbm4b:s5+s15], $0x20, s0, s15, $0xb8;
	[tilespmem:$0x4800] =	vst v63  }
0xe8: {  	_ = 	snop  }
.LBB2_7:
0xe9: {  	s8 =	sshll.u32 s8, $0xA  }
0xea: {  	s8 =	sand.u32 $0x400, s8  }
0xeb: {  	[tilespmem:s16], [sflag:$0x2] =	stream.indirect.gather [hbm4b:s5+s15], $0x20, s8, s15, $0xb8;
	[tilespmem:$0x4800] =	vst v63  }
.LBB2_10:
0xec: {  	_ =	swait.ge [sflag:s23], $0x400  }
0xed: {  	[sflag:s23] =	ssyncset.done $0x0  }
0xee: {  	[sflag:s23] =	ssyncadd.s32 $0xFFFFFC00  }
0xef: {  	_ =	swait.ge [sflag:s23], $0x400  }
0xf0: {  	[sflag:s23] =	ssyncset.done $0x0  }
0xf1: {  	[sflag:s23] =	ssyncadd.s32 $0xFFFFFC00  }
0xf2: {  	_ =	swait.ge [sflag:s23], $0x400  }
0xf3: {  	[sflag:s23] =	ssyncset.done $0x0  }
0xf4: {  	[sflag:s23] =	ssyncadd.s32 $0xFFFFFC00  }
0xf5: {  	_ =	swait.ge [sflag:s23], $0x400  }
0xf6: {  	[sflag:s23] =	ssyncset.done $0x0  }
0xf7: {  	[sflag:s23] =	ssyncadd.s32 $0xFFFFFC00  }
.LBB2_11:
0xf8: {  	s14 =	simm.s32 $0x0  }
.LBB2_12:
0xf9: {  	v32 =	vadd.s32 s14, v0;
	s0 =	sadd.s32 $0x1, s14  }
0xfa: {  	v36 =	vand.u32 $0x18, v32;
	v34 =	vadd.s32 s0, v0  }
0xfb: {  	v33 =	vor.u32 v1, v36;
	v37 =	vand.u32 $0x1F, v34  }
0xfc: {  	v35 =	vor.u32 v19, v37;
	_ =	sdelay $0x1  }
0xfd: {  	v38 =	vshll.u32 v32, $0x7  }
0xfe: {  	v32 =	vor.u32 v0, v38;
	v39 =	vshll.u32 v34, $0x7  }
0xff: {  	v32 =	vand.u32 v2, v32;
	v40 =	vor.u32 v0, v39;
	v33 =	vld.idx.msk [tilespmem:v33+s18+$0x0], $0xffff  }
0x100: {  	v59 =	vor.u32 v3, v36;
	v40 =	vand.u32 v2, v40;
	v35 =	vld.idx.msk [tilespmem:v35+s18+$0x0], $0xffff  }
0x101: {  	v41 =	vor.u32 v25, v37;
	_ =	sdelay $0x2  }
0x102: {  	v60 =	vor.u32 v4, v38;
	[tilespmem:v32+s24+$0x0] =	vst.idx.msk $0xffff, v33  }
0x103: {  	s12 =	sadd.s32 $0x2, s14;
	v61 =	vor.u32 v4, v39;
	v32 =	vand.u32 v5, v60;
	v34 =	vld.idx.msk [tilespmem:v59+s18+$0x0], $0xffff;
	[tilespmem:v40+s24+$0x0] =	vst.idx.msk $0xffff, v35  }
0x104: {  	v63 =	vadd.s32 s12, v0;
	v42 =	vor.u32 v6, v36;
	v62 =	vand.u32 v5, v61;
	v35 =	vld.idx.msk [tilespmem:v41+s18+$0x0], $0xffff  }
0x105: {  	v43 =	vor.u32 v26, v37;
	v33 =	vand.u32 $0x1F, v63  }
0x106: {  	v44 =	vor.u32 v19, v33  }
0x107: {  	v48 =	vor.u32 v7, v38  }
0x108: {  	v49 =	vand.u32 v8, v48;
	[tilespmem:v32+s24+$0x0] =	vst.idx.msk $0xffff, v34  }
0x109: {  	v50 =	vor.u32 v7, v39;
	v32 =	vshll.u32 v63, $0x7;
	v34 =	vld.idx.msk [tilespmem:v42+s18+$0x0], $0xffff;
	[tilespmem:v62+s24+$0x0] =	vst.idx.msk $0xffff, v35  }
0x10a: {  	v51 =	vor.u32 v9, v36;
	v35 =	vand.u32 v8, v50;
	v53 =	vor.u32 v0, v32;
	v52 =	vld.idx.msk [tilespmem:v43+s18+$0x0], $0xffff  }
0x10b: {  	v45 =	vor.u32 v27, v37;
	v44 =	vld.idx.msk [tilespmem:v44+s18+$0x0], $0xffff;
	v43 =	vand.u32 v2, v53  }
0x10c: {  	v46 =	vor.u32 v25, v33;
	_ =	sdelay $0x1  }
0x10d: {  	v47 =	vor.u32 v10, v38;
	v55 =	vor.u32 v12, v36;
	[tilespmem:v49+s24+$0x0] =	vst.idx.msk $0xffff, v34  }
0x10e: {  	v54 =	vand.u32 v11, v47;
	v56 =	vor.u32 v10, v39;
	v40 =	vld.idx.msk [tilespmem:v51+s18+$0x0], $0xffff;
	[tilespmem:v35+s24+$0x0] =	vst.idx.msk $0xffff, v52  }
0x10f: {  	v57 =	vand.u32 v11, v56;
	v58 =	vor.u32 v4, v32;
	[tilespmem:v43+s24+$0x0] =	vst.idx.msk $0xffff, v44;
	v41 =	vld.idx.msk [tilespmem:v45+s18+$0x0], $0xffff  }
0x110: {  	s29 =	sadd.s32 $0x3, s14;
	v59 =	vor.u32 v28, v37;
	v60 =	vand.u32 v5, v58;
	v44 =	vld.idx.msk [tilespmem:v46+s18+$0x0], $0xffff  }
0x111: {  	v48 =	vadd.s32 s29, v0;
	v61 =	vor.u32 v26, v33  }
0x112: {  	v50 =	vor.u32 v15, v36;
	v35 =	vand.u32 $0x1F, v48  }
0x113: {  	v49 =	vor.u32 v13, v38;
	v63 =	vor.u32 v19, v35;
	[tilespmem:v54+s24+$0x0] =	vst.idx.msk $0xffff, v40  }
0x114: {  	v62 =	vand.u32 v14, v49;
	v54 =	vor.u32 v13, v39;
	v42 =	vld.idx.msk [tilespmem:v55+s18+$0x0], $0xffff;
	[tilespmem:v57+s24+$0x0] =	vst.idx.msk $0xffff, v41  }
0x115: {  	v56 =	vor.u32 v7, v32;
	v55 =	vand.u32 v14, v54;
	[tilespmem:v60+s24+$0x0] =	vst.idx.msk $0xffff, v44;
	v41 =	vld.idx.msk [tilespmem:v59+s18+$0x0], $0xffff  }
0x116: {  	v34 =	vshll.u32 v48, $0x7;
	v57 =	vor.u32 v29, v37;
	v58 =	vld.idx.msk [tilespmem:v61+s18+$0x0], $0xffff;
	v59 =	vand.u32 v8, v56  }
0x117: {  	v48 =	vor.u32 v0, v34;
	v60 =	vor.u32 v27, v33  }
0x118: {  	v51 =	vor.u32 v16, v38;
	v48 =	vand.u32 v2, v48;
	v49 =	vld.idx.msk [tilespmem:v63+s18+$0x0], $0xffff  }
0x119: {  	v63 =	vor.u32 v18, v36;
	[tilespmem:v62+s24+$0x0] =	vst.idx.msk $0xffff, v42;
	v62 =	vor.u32 v25, v35  }
0x11a: {  	v54 =	vor.u32 v16, v39;
	v61 =	vand.u32 v17, v51;
	v50 =	vld.idx.msk [tilespmem:v50+s18+$0x0], $0xffff;
	[tilespmem:v55+s24+$0x0] =	vst.idx.msk $0xffff, v41  }
0x11b: {  	v41 =	vand.u32 v17, v54;
	[tilespmem:v59+s24+$0x0] =	vst.idx.msk $0xffff, v58;
	v55 =	vor.u32 v10, v32;
	v43 =	vld.idx.msk [tilespmem:v57+s18+$0x0], $0xffff  }
0x11c: {  	v56 =	vor.u32 v30, v37;
	v46 =	vld.idx.msk [tilespmem:v60+s18+$0x0], $0xffff;
	v44 =	vand.u32 v11, v55  }
0x11d: {  	[tilespmem:v48+s24+$0x0] =	vst.idx.msk $0xffff, v49;
	v58 =	vor.u32 v4, v34;
	v57 =	vor.u32 v28, v33  }
0x11e: {  	v36 =	vor.u32 v22, v36;
	v48 =	vand.u32 v5, v58;
	v42 =	vld.idx.msk [tilespmem:v62+s18+$0x0], $0xffff  }
0x11f: {  	v59 =	vor.u32 v20, v38;
	[tilespmem:v61+s24+$0x0] =	vst.idx.msk $0xffff, v50;
	v61 =	vor.u32 v26, v35  }
0x120: {  	v60 =	vand.u32 v21, v59;
	v62 =	vor.u32 v20, v39;
	v50 =	vld.idx.msk [tilespmem:v63+s18+$0x0], $0xffff;
	[tilespmem:v41+s24+$0x0] =	vst.idx.msk $0xffff, v43  }
0x121: {  	v41 =	vand.u32 v21, v62;
	[tilespmem:v44+s24+$0x0] =	vst.idx.msk $0xffff, v46;
	v63 =	vor.u32 v13, v32;
	v43 =	vld.idx.msk [tilespmem:v56+s18+$0x0], $0xffff  }
0x122: {  	v52 =	vor.u32 v29, v33;
	v37 =	vor.u32 v31, v37;
	v51 =	vld.idx.msk [tilespmem:v57+s18+$0x0], $0xffff;
	v44 =	vand.u32 v14, v63  }
0x123: {  	v53 =	vor.u32 v7, v34;
	v38 =	vor.u32 v23, v38;
	[tilespmem:v48+s24+$0x0] =	vst.idx.msk $0xffff, v42  }
0x124: {  	s8 =	sadd.s32 $0x5, s14;
	v55 =	vor.u32 v27, v35;
	v39 =	vor.u32 v23, v39;
	v42 =	vand.u32 v8, v53;
	v54 =	vld.idx.msk [tilespmem:v61+s18+$0x0], $0xffff  }
0x125: {  	s7 =	sadd.s32 $0x4, s14;
	v38 =	vand.u32 v24, v38;
	v58 =	vadd.s32 s8, v0;
	v56 =	vand.u32 v24, v39;
	[tilespmem:v60+s24+$0x0] =	vst.idx.msk $0xffff, v50  }
0x126: {  	v62 =	vadd.s32 s7, v0;
	v39 =	vand.u32 $0x1F, v58;
	v53 =	vor.u32 v20, v32;
	v36 =	vld.idx.msk [tilespmem:v36+s18+$0x0], $0xffff;
	[tilespmem:v41+s24+$0x0] =	vst.idx.msk $0xffff, v43  }
0x127: {  	v61 =	vor.u32 v10, v34;
	v60 =	vor.u32 v16, v32;
	[tilespmem:v44+s24+$0x0] =	vst.idx.msk $0xffff, v51;
	v37 =	vld.idx.msk [tilespmem:v37+s18+$0x0], $0xffff  }
0x128: {  	s12 =	sadd.s32 $0x6, s14;
	v53 =	vand.u32 v21, v53;
	v45 =	vand.u32 v17, v60;
	v41 =	vand.u32 $0x1F, v62;
	v44 =	vld.idx.msk [tilespmem:v52+s18+$0x0], $0xffff  }
0x129: {  	v57 =	vand.u32 v11, v61;
	v60 =	vadd.s32 s12, v0;
	v59 =	vor.u32 v19, v41;
	[tilespmem:v42+s24+$0x0] =	vst.idx.msk $0xffff, v54  }
0x12a: {  	s29 =	sadd.s32 $0x7, s14;
	v51 =	vor.u32 v30, v33;
	v52 =	vor.u32 v19, v39;
	v40 =	vand.u32 $0x1F, v60;
	v63 =	vld.idx.msk [tilespmem:v55+s18+$0x0], $0xffff  }
0x12b: {  	v48 =	vor.u32 v25, v41;
	v54 =	vor.u32 v19, v40;
	v55 =	vadd.s32 s29, v0;
	[tilespmem:v38+s24+$0x0] =	vst.idx.msk $0xffff, v36  }
0x12c: {  	v36 =	vshll.u32 v62, $0x7;
	v43 =	vand.u32 $0x1F, v55;
	v38 =	vshll.u32 v60, $0x7;
	[tilespmem:v56+s24+$0x0] =	vst.idx.msk $0xffff, v37  }
0x12d: {  	[tilespmem:v45+s24+$0x0] =	vst.idx.msk $0xffff, v44;
	v61 =	vor.u32 v0, v36;
	v37 =	vshll.u32 v58, $0x7;
	v45 =	vor.u32 v19, v43  }
0x12e: {  	v44 =	vor.u32 v28, v35;
	v46 =	vld.idx.msk [tilespmem:v59+s18+$0x0], $0xffff;
	v47 =	vand.u32 v2, v61;
	v62 =	vor.u32 v0, v37  }
0x12f: {  	v49 =	vld.idx.msk [tilespmem:v52+s18+$0x0], $0xffff;
	v60 =	vor.u32 v0, v38;
	[tilespmem:v57+s24+$0x0] =	vst.idx.msk $0xffff, v63;
	v63 =	vand.u32 v2, v62  }
0x130: {  	v42 =	vshll.u32 v55, $0x7;
	v61 =	vor.u32 v25, v39;
	v56 =	vand.u32 v2, v60;
	v54 =	vld.idx.msk [tilespmem:v54+s18+$0x0], $0xffff  }
0x131: {  	v58 =	vor.u32 v0, v42;
	v59 =	vor.u32 v4, v36;
	v57 =	vor.u32 v25, v40  }
0x132: {  	v58 =	vand.u32 v2, v58;
	v60 =	vor.u32 v4, v38;
	v62 =	vor.u32 v13, v34;
	v45 =	vld.idx.msk [tilespmem:v45+s18+$0x0], $0xffff  }
0x133: {  	v55 =	vand.u32 v14, v62;
	v44 =	vld.idx.msk [tilespmem:v44+s18+$0x0], $0xffff;
	[tilespmem:v47+s24+$0x0] =	vst.idx.msk $0xffff, v46;
	v47 =	vor.u32 v25, v43  }
0x134: {  	v46 =	vand.u32 v5, v59;
	v48 =	vld.idx.msk [tilespmem:v48+s18+$0x0], $0xffff;
	[tilespmem:v63+s24+$0x0] =	vst.idx.msk $0xffff, v49;
	v63 =	vor.u32 v4, v37  }
0x135: {  	v59 =	vor.u32 v26, v41;
	[tilespmem:v56+s24+$0x0] =	vst.idx.msk $0xffff, v54;
	v50 =	vld.idx.msk [tilespmem:v61+s18+$0x0], $0xffff;
	v49 =	vand.u32 v5, v63  }
0x136: {  	v33 =	vor.u32 v31, v33;
	v52 =	vand.u32 v5, v60;
	v56 =	vld.idx.msk [tilespmem:v57+s18+$0x0], $0xffff;
	v61 =	vor.u32 v26, v39  }
0x137: {  	v62 =	vor.u32 v26, v40;
	v63 =	vor.u32 v4, v42;
	[tilespmem:v58+s24+$0x0] =	vst.idx.msk $0xffff, v45  }
0x138: {  	v60 =	vor.u32 v7, v37;
	[tilespmem:v55+s24+$0x0] =	vst.idx.msk $0xffff, v44;
	v45 =	vand.u32 v5, v63;
	v47 =	vld.idx.msk [tilespmem:v47+s18+$0x0], $0xffff  }
0x139: {  	v58 =	vor.u32 v7, v36;
	[tilespmem:v46+s24+$0x0] =	vst.idx.msk $0xffff, v48;
	v46 =	vor.u32 v26, v43  }
0x13a: {  	v55 =	vor.u32 v27, v41;
	v44 =	vand.u32 v8, v58;
	v48 =	vld.idx.msk [tilespmem:v59+s18+$0x0], $0xffff;
	[tilespmem:v49+s24+$0x0] =	vst.idx.msk $0xffff, v50  }
0x13b: {  	[tilespmem:v52+s24+$0x0] =	vst.idx.msk $0xffff, v56;
	v49 =	vand.u32 v8, v60;
	v50 =	vld.idx.msk [tilespmem:v61+s18+$0x0], $0xffff;
	v61 =	vor.u32 v7, v38  }
0x13c: {  	v54 =	vor.u32 v29, v35;
	v56 =	vor.u32 v27, v39;
	v57 =	vld.idx.msk [tilespmem:v62+s18+$0x0], $0xffff;
	v52 =	vand.u32 v8, v61  }
0x13d: {  	v58 =	vor.u32 v27, v40;
	v62 =	vor.u32 v7, v42;
	[tilespmem:v45+s24+$0x0] =	vst.idx.msk $0xffff, v47  }
0x13e: {  	v63 =	vor.u32 v16, v34;
	v59 =	vor.u32 v28, v41;
	v45 =	vand.u32 v8, v62;
	v46 =	vld.idx.msk [tilespmem:v46+s18+$0x0], $0xffff  }
0x13f: {  	v60 =	vor.u32 v10, v36;
	[tilespmem:v44+s24+$0x0] =	vst.idx.msk $0xffff, v48;
	v48 =	vor.u32 v27, v43  }
0x140: {  	v61 =	vor.u32 v10, v37;
	v44 =	vand.u32 v11, v60;
	v55 =	vld.idx.msk [tilespmem:v55+s18+$0x0], $0xffff;
	[tilespmem:v49+s24+$0x0] =	vst.idx.msk $0xffff, v50  }
0x141: {  	v62 =	vor.u32 v10, v38;
	v49 =	vand.u32 v11, v61;
	v50 =	vld.idx.msk [tilespmem:v56+s18+$0x0], $0xffff;
	[tilespmem:v52+s24+$0x0] =	vst.idx.msk $0xffff, v57  }
0x142: {  	v47 =	vand.u32 v17, v63;
	v56 =	vor.u32 v28, v39;
	v52 =	vand.u32 v11, v62;
	v57 =	vld.idx.msk [tilespmem:v58+s18+$0x0], $0xffff  }
0x143: {  	v58 =	vor.u32 v28, v40;
	[tilespmem:v45+s24+$0x0] =	vst.idx.msk $0xffff, v46;
	v45 =	vor.u32 v10, v42  }
0x144: {  	v63 =	vor.u32 v13, v37;
	v60 =	vor.u32 v13, v36;
	v48 =	vld.idx.msk [tilespmem:v48+s18+$0x0], $0xffff;
	v45 =	vand.u32 v11, v45  }
0x145: {  	v54 =	vld.idx.msk [tilespmem:v54+s18+$0x0], $0xffff;
	v61 =	vor.u32 v13, v38;
	[tilespmem:v44+s24+$0x0] =	vst.idx.msk $0xffff, v55;
	v55 =	vor.u32 v28, v43  }
0x146: {  	v46 =	vor.u32 v30, v35;
	v44 =	vand.u32 v14, v60;
	v59 =	vld.idx.msk [tilespmem:v59+s18+$0x0], $0xffff;
	[tilespmem:v49+s24+$0x0] =	vst.idx.msk $0xffff, v50  }
0x147: {  	v60 =	vor.u32 v29, v41;
	v49 =	vand.u32 v14, v63;
	v50 =	vld.idx.msk [tilespmem:v56+s18+$0x0], $0xffff;
	[tilespmem:v52+s24+$0x0] =	vst.idx.msk $0xffff, v57  }
0x148: {  	v62 =	vor.u32 v20, v34;
	v57 =	vor.u32 v29, v39;
	v52 =	vand.u32 v14, v61;
	v58 =	vld.idx.msk [tilespmem:v58+s18+$0x0], $0xffff  }
0x149: {  	v51 =	vld.idx.msk [tilespmem:v51+s18+$0x0], $0xffff;
	v63 =	vor.u32 v13, v42;
	[tilespmem:v45+s24+$0x0] =	vst.idx.msk $0xffff, v48;
	v45 =	vor.u32 v29, v40  }
0x14a: {  	[tilespmem:v47+s24+$0x0] =	vst.idx.msk $0xffff, v54;
	v47 =	vand.u32 v21, v62;
	v48 =	vand.u32 v14, v63;
	v54 =	vld.idx.msk [tilespmem:v55+s18+$0x0], $0xffff  }
0x14b: {  	v46 =	vld.idx.msk [tilespmem:v46+s18+$0x0], $0xffff;
	v61 =	vor.u32 v16, v36;
	v55 =	vor.u32 v29, v43;
	[tilespmem:v44+s24+$0x0] =	vst.idx.msk $0xffff, v59  }
0x14c: {  	v62 =	vor.u32 v16, v37;
	v44 =	vand.u32 v17, v61;
	[tilespmem:v49+s24+$0x0] =	vst.idx.msk $0xffff, v50;
	v49 =	vld.idx.msk [tilespmem:v60+s18+$0x0], $0xffff  }
0x14d: {  	v63 =	vor.u32 v16, v38;
	v50 =	vand.u32 v17, v62;
	[tilespmem:v52+s24+$0x0] =	vst.idx.msk $0xffff, v58;
	v52 =	vld.idx.msk [tilespmem:v57+s18+$0x0], $0xffff  }
0x14e: {  	[tilespmem:v53+s24+$0x0] =	vst.idx.msk $0xffff, v51;
	v59 =	vand.u32 v17, v63;
	v60 =	vor.u32 v30, v41;
	v45 =	vld.idx.msk [tilespmem:v45+s18+$0x0], $0xffff  }
0x14f: {  	v61 =	vor.u32 v16, v42;
	v62 =	vor.u32 v30, v39;
	[tilespmem:v48+s24+$0x0] =	vst.idx.msk $0xffff, v54  }
0x150: {  	v56 =	vor.u32 v30, v40;
	v53 =	vand.u32 v17, v61;
	[tilespmem:v47+s24+$0x0] =	vst.idx.msk $0xffff, v46;
	v63 =	vld.idx.msk [tilespmem:v55+s18+$0x0], $0xffff  }
0x151: {  	v35 =	vor.u32 v31, v35;
	v57 =	vor.u32 v30, v43;
	[tilespmem:v44+s24+$0x0] =	vst.idx.msk $0xffff, v49  }
0x152: {  	v61 =	vor.u32 v20, v42;
	v58 =	vor.u32 v20, v36;
	[tilespmem:v50+s24+$0x0] =	vst.idx.msk $0xffff, v52  }
0x153: {  	v48 =	vld.idx.msk [tilespmem:v60+s18+$0x0], $0xffff;
	[tilespmem:v59+s24+$0x0] =	vst.idx.msk $0xffff, v45;
	v45 =	vand.u32 v21, v58;
	v59 =	vor.u32 v20, v37  }
0x154: {  	v41 =	vor.u32 v31, v41;
	v60 =	vor.u32 v20, v38;
	v46 =	vld.idx.msk [tilespmem:v62+s18+$0x0], $0xffff;
	v50 =	vand.u32 v21, v59  }
0x155: {  	v39 =	vor.u32 v31, v39;
	v47 =	vand.u32 v21, v60;
	[tilespmem:v53+s24+$0x0] =	vst.idx.msk $0xffff, v63;
	v44 =	vld.idx.msk [tilespmem:v56+s18+$0x0], $0xffff  }
0x156: {  	v32 =	vor.u32 v23, v32;
	v40 =	vor.u32 v31, v40;
	v51 =	vand.u32 v21, v61;
	v49 =	vld.idx.msk [tilespmem:v57+s18+$0x0], $0xffff  }
0x157: {  	v32 =	vand.u32 v24, v32;
	v33 =	vld.idx.msk [tilespmem:v33+s18+$0x0], $0xffff;
	v34 =	vor.u32 v23, v34;
	v43 =	vor.u32 v31, v43  }
0x158: {  	v34 =	vand.u32 v24, v34;
	v35 =	vld.idx.msk [tilespmem:v35+s18+$0x0], $0xffff;
	v36 =	vor.u32 v23, v36;
	[tilespmem:v45+s24+$0x0] =	vst.idx.msk $0xffff, v48  }
0x159: {  	v36 =	vand.u32 v24, v36;
	v37 =	vor.u32 v23, v37;
	[tilespmem:v50+s24+$0x0] =	vst.idx.msk $0xffff, v46;
	v41 =	vld.idx.msk [tilespmem:v41+s18+$0x0], $0xffff  }
0x15a: {  	v38 =	vor.u32 v23, v38;
	v37 =	vand.u32 v24, v37;
	[tilespmem:v47+s24+$0x0] =	vst.idx.msk $0xffff, v44;
	v39 =	vld.idx.msk [tilespmem:v39+s18+$0x0], $0xffff  }
0x15b: {  	v42 =	vor.u32 v23, v42;
	v38 =	vand.u32 v24, v38;
	[tilespmem:v51+s24+$0x0] =	vst.idx.msk $0xffff, v49;
	v40 =	vld.idx.msk [tilespmem:v40+s18+$0x0], $0xffff  }
0x15c: {  	p0 =	slt.u32 s14, $0x18;
	[tilespmem:v32+s24+$0x0] =	vst.idx.msk $0xffff, v33;
	v63 =	vand.u32 v24, v42;
	v62 =	vld.idx.msk [tilespmem:v43+s18+$0x0], $0xffff  }
.Ltmp6:
0x15d: {  	[tilespmem:v34+s24+$0x0] =	vst.idx.msk $0xffff, v35;
	(pc) =	sbr.rel @p0 .LBB2_12-.Ltmp6, $4  }
0x15e: {  	[tilespmem:v36+s24+$0x0] =	vst.idx.msk $0xffff, v41  }
0x15f: {  	[tilespmem:v37+s24+$0x0] =	vst.idx.msk $0xffff, v39  }
0x160: {  	[tilespmem:v38+s24+$0x0] =	vst.idx.msk $0xffff, v40  }
0x161: {  	s14 =	sadd.s32 $0x8, s14;
	[tilespmem:v63+s24+$0x0] =	vst.idx.msk $0xffff, v62  }
0x162: {  	s0 =	sshll.u32 s31, $0x9  }
0x163: {  	s0 =	sand.u32 $0xE00, s0  }
0x164: {  	s0 =	sor.u32 s0, s2  }
0x165: {  	s0 =	sor.u32 s1, s0  }
0x166: {  	s0 =	sshll.u32 s0, $0x7  }
0x167: {  	s0 =	sand.u32 $0x1FFF3F80, s0  }
0x168: {  	s30 =	sadd.s32 $0x1, s30;
	s14 =	sadd.s32 s3, s0  }
0x169: {  	[hbm4b:s14+s4] =	stream.linear.scatter [tilespmem:s24], [sflag:$0x3], $0x400, $0x38;
	[tilespmem:$0x4800] =	vst v63  }
0x16a: {  	p0 =	sne.s32 s30, $0x190;
	s29 =	sadd.s32 s0, s9  }
0x16b: {  	[hbm4b:s29+s4] =	stream.linear.scatter [tilespmem:s25], [sflag:$0x3], $0x400, $0x38;
	[tilespmem:$0x4800] =	vst v63  }
.Ltmp7:
0x16c: {  	_ = 	snop;
	(pc) =	sbr.rel @p0 .LBB2_2-.Ltmp7, $4  }
0x16d: {  	s31 =	sadd.s32 s0, s10  }
0x16e: {  	[hbm4b:s31+s4] =	stream.linear.scatter [tilespmem:s26], [sflag:$0x3], $0x400, $0x38;
	[tilespmem:$0x4800] =	vst v63  }
0x16f: {  	s0 =	sadd.s32 s0, s11  }
0x170: {  	[hbm4b:s0+s4] =	stream.linear.scatter [tilespmem:s28], [sflag:$0x3], $0x400, $0x38;
	[tilespmem:$0x4800] =	vst v63  }
0x171: {  	_ =	swait.ge [sflag:s23], $0x400  }
0x172: {  	[sflag:s23] =	ssyncset.done $0x0  }
0x173: {  	[sflag:s23] =	ssyncadd.s32 $0xFFFFFC00  }
0x174: {  	_ =	swait.ge [sflag:s23], $0x400  }
0x175: {  	[sflag:s23] =	ssyncset.done $0x0  }
0x176: {  	[sflag:s23] =	ssyncadd.s32 $0xFFFFFC00  }
0x177: {  	_ =	swait.ge [sflag:s23], $0x400  }
0x178: {  	[sflag:s23] =	ssyncset.done $0x0  }
0x179: {  	[sflag:s23] =	ssyncadd.s32 $0xFFFFFC00  }
0x17a: {  	_ =	swait.ge [sflag:s23], $0x400  }
0x17b: {  	[sflag:s23] =	ssyncset.done $0x0  }
0x17c: {  	[sflag:s23] =	ssyncadd.s32 $0xFFFFFC00  }
0x17d: {  	_ =	swait.ge [sflag:s23], $0x400  }
0x17e: {  	[sflag:s23] =	ssyncset.done $0x0  }
0x17f: {  	[sflag:s23] =	ssyncadd.s32 $0xFFFFFC00  }
0x180: {  	_ =	swait.ge [sflag:s23], $0x400  }
0x181: {  	[sflag:s23] =	ssyncset.done $0x0  }
0x182: {  	[sflag:s23] =	ssyncadd.s32 $0xFFFFFC00  }
0x183: {  	_ =	swait.ge [sflag:s23], $0x400  }
0x184: {  	[sflag:s23] =	ssyncset.done $0x0  }
0x185: {  	[sflag:s23] =	ssyncadd.s32 $0xFFFFFC00  }
0x186: {  	_ =	swait.ge [sflag:s23], $0x400  }
0x187: {  	s1 =	rddreg [dreg:$0x7]  }
0x188: {  	s0 =	rddreg [dreg:$0x6];
	s1 =	sadd.s32 $0x1, s1  }
0x189: {  	p0 =	sne.s32 s1, s0  }
.Ltmp8:
0x18a: {  	_ = 	snop;
	(pc) =	sbr.rel @p0 .LBB2_1-.Ltmp8, $3  }
0x18b: {  	_ =	sdelay $0x1  }
0x18c: {  	[sflag:s23] =	ssyncset.done $0x0  }
0x18d: {  	[sflag:s23] =	ssyncadd.s32 $0xFFFFFC00  }
0x18e: {  	_ =	sfence.sel $0x180000  }
0x18f: {  	[bflag:$0x0] =	sbarrier.arrive $0xFFFF  }
0x190: {  	_ =	strace $0x90000047  }
0x191: {  	s0 =	stileid.u32;
	[bflag:$0x2] =	sbarrier.arrive $0xFFFF  }
0x192: {  	p0 =	sne.s32 s0, $0x0;
	s0 =	rddreg [dreg:$0x3]  }
0x193: {  	s0 =	sadd.s32 @!p0 $0x100000, s0  }
0x194: {  	[sflag:s0] =	ssyncadd.tile.s32 @!p0 $0x1;
	_ =	shalt  }
.Lfunc_end2:
_tile_overlayer_lowered:
.L_overlay_start_2:
0x195: {  	(tag) =	ssettag $0x2  }
0x196: {  	s0 =	rddreg [dreg:$0x0];
	s2 =	stileid.u32  }
0x197: {  	s1 =	rddreg [dreg:$0x1];
	p0 =	sne.s32 s2, $0x0  }
0x198: {  	s3 =	rddreg [dreg:$0x2];
	[bflag:$0x3] =	sbarrier.arrive $0xFFFF;
	s2 =	simm.s32 @!p0 $0x1C04  }
0x199: {  	[timem:s3], [sflag:s2] =	dma.local @!p0 [hbm:s0], s1  }
0x19a: {  	s0 =	simm.s32 @!p0 $0x4  }
0x19b: {  	_ =	swait.ge @!p0 [sflag:s0], s1  }
0x19c: {  	s1 =	ssub.s32 @!p0 $0x0, s1;
	[sflag:s0] =	ssyncset.done @!p0 $0x0  }
0x19d: {  	[sflag:s0] =	ssyncadd.s32 @!p0 s1  }
0x19e: {  	[bflag:$0x3] =	sbarrier.arrive $0xFFFF  }
0x19f: {  	_ =	shalt  }

</sc_bundles>
